<compile_context>
chip_gen: v7x
topology: tpu7x:2x2x1
jax: 0.10.2.dev20260603
libtpu: 0.0.44.dev20260713+nightly
codegen_flags: <defaults>
</compile_context>

<pallas_src>
import functools

import jax
import jax.numpy as jnp
from jax import lax
from jax.experimental import pallas as pl
from jax.experimental.pallas import tpu as pltpu
from jax.experimental.pallas import tpu_sc as plsc

_B = 2048
_IN = 512
_OUT = 32
_T = 32
_DEPTH = 6
_S = 31
_L = 32
_F = 16
_TL = _T * _L
_K = _TL * _F

_BT = 256
_BTH = 128
_NT = _B // _BT
_NLC = 128
_CK = _NLC * _F
_FP = _F + 1
_NCHUNK = _TL // _NLC

_NW = 32
_KH = _K // 2
_KPW = _KH // _NW
_RC = 32
_NCH_SC = _KPW // _RC


def _smooth_step(t):
    tc = jnp.clip(t, -0.5, 0.5)
    return tc * (1.5 - 2.0 * tc * tc) + 0.5


def _sc_gather_body(xu_hbm, ids_hbm, out_hbm,
                    idx_v, rows0, rows1, gs0, gs1, ss0, ss1):
    wid = lax.axis_index("s") * 2 + lax.axis_index("c")
    base = wid * _KPW
    pltpu.sync_copy(ids_hbm.at[pl.ds(base, _KPW)], idx_v)
    bufs = (rows0, rows1)
    gsems = (gs0, gs1)
    ssems = (ss0, ss1)

    def _gather(j):
        return pltpu.async_copy(
            xu_hbm.at[idx_v.at[pl.ds(j * _RC, _RC)]], bufs[j % 2],
            gsems[j % 2])

    gd = [_gather(0), _gather(1)]
    for j in range(_NCH_SC):
        b = j % 2
        gd[b].wait()
        sd = pltpu.async_copy(
            bufs[b], out_hbm.at[pl.ds(base + j * _RC, _RC)], ssems[b])
        sd.wait()
        if j + 2 < _NCH_SC:
            gd[b] = _gather(j + 2)


def _sc_gather(xu, ids_flat):
    mesh = plsc.VectorSubcoreMesh(core_axis_name="c", subcore_axis_name="s")
    return pl.kernel(
        _sc_gather_body,
        mesh=mesh,
        out_type=jax.ShapeDtypeStruct((_KH, _B // 2), jnp.uint32),
        scratch_types=[
            pltpu.VMEM((_KPW,), jnp.int32),
            pltpu.VMEM((_RC, _B // 2), jnp.uint32),
            pltpu.VMEM((_RC, _B // 2), jnp.uint32),
            pltpu.SemaphoreType.DMA,
            pltpu.SemaphoreType.DMA,
            pltpu.SemaphoreType.DMA,
            pltpu.SemaphoreType.DMA,
        ],
    )(xu, ids_flat)


def _prepack_kernel(xT_ref, xu_ref):
    xb = xT_ref[...].astype(jnp.bfloat16)
    lo = lax.convert_element_type(
        lax.bitcast_convert_type(xb[:, :_BTH], jnp.uint16), jnp.uint32)
    hi = lax.convert_element_type(
        lax.bitcast_convert_type(xb[:, _BTH:], jnp.uint16), jnp.uint32)
    xu_ref[...] = lo | lax.shift_left(hi, jnp.uint32(16))


def _route_kernel(xT_ref, slopes_ref, bias_ref, aT_ref):
    t = jax.lax.dot_general(
        slopes_ref[...], xT_ref[...], (((1,), (0,)), ((), ())),
        preferred_element_type=jnp.float32)
    s = _smooth_step(t + bias_ref[...])
    s3 = s.reshape(_T, _S, _BT)
    aT = None
    for d in range(_DEPTH - 1):
        nb, ne = 2 ** d - 1, 2 ** (d + 1) - 1
        lvl = s3[:, nb:ne, :].reshape(_T, ne - nb, 1, _BT)
        rep = jnp.broadcast_to(lvl, (_T, ne - nb, _L // (ne - nb), _BT))
        rep = rep.reshape(_T, _L, _BT)
        lidx = jax.lax.broadcasted_iota(jnp.int32, (1, _L, 1), 1)
        bit = ((lidx >> (_DEPTH - 2 - d)) & 1).astype(jnp.float32)
        f = (2.0 * bit - 1.0) * rep + (1.0 - bit)
        aT = f if aT is None else aT * f
    aT_ref[...] = aT.reshape(_TL, 1, 2, _BTH)


def _wtrans_kernel(lc_ref, w2f_ref, wb_ref):
    lc = lc_ref[...]
    w2f_ref[...] = jnp.transpose(
        lc[:, :, :_F], (0, 2, 1)).reshape(_CK, _OUT)
    wb_ref[...] = lc[:, :, _F]


def _main_kernel(xf_ref, a_ref, w2f_ref, wb_ref, prev_ref, out_ref):
    c = pl.program_id(1)
    w = xf_ref[...]
    xs = (jax.lax.bitcast_convert_type(
              jax.lax.shift_left(w, jnp.uint32(16)), jnp.float32),
          jax.lax.bitcast_convert_type(
              w & jnp.uint32(0xFFFF0000), jnp.float32))
    w2f = w2f_ref[...]
    wb = wb_ref[...]
    a4 = a_ref[...]
    for h in range(2):
        a_h = a4[:, 0, h, :]
        y = jnp.broadcast_to(
            a_h.reshape(_NLC, 1, _BTH),
            (_NLC, _F, _BTH)).reshape(_CK, _BTH) * xs[h]
        d = jax.lax.dot_general(
            y, w2f, (((0,), (0,)), ((), ())),
            preferred_element_type=jnp.float32)
        d = d + jax.lax.dot_general(
            a_h, wb, (((0,), (0,)), ((), ())),
            preferred_element_type=jnp.float32)

        @pl.when(c == 0)
        def _init(h=h, d=d):
            out_ref[0, h] = prev_ref[0, h] + d

        @pl.when(c > 0)
        def _acc(h=h, d=d):
            out_ref[0, h] += d


@jax.jit
def kernel(x, split_coefs, leaves_feat_ids, leaves_coefs):
    xT = x.T
    slopes = split_coefs[:, :, :-1].reshape(_T * _S, _IN)
    bias = split_coefs[:, :, -1].reshape(_T * _S, 1)
    ids_flat = leaves_feat_ids.astype(jnp.int32).reshape(_K)
    lc = leaves_coefs.reshape(_TL, _OUT, _FP)

    xu = pl.pallas_call(
        _prepack_kernel,
        grid=(_NT,),
        in_specs=[pl.BlockSpec((_IN, _BT), lambda i: (0, i))],
        out_specs=pl.BlockSpec((_IN, _BTH), lambda i: (0, i)),
        out_shape=jax.ShapeDtypeStruct((_IN, _B // 2), jnp.uint32),
    )(xT)

    xf0 = _sc_gather(xu, ids_flat[:_KH])
    xf1 = _sc_gather(xu, ids_flat[_KH:])

    a4 = pl.pallas_call(
        _route_kernel,
        grid=(_NT,),
        in_specs=[
            pl.BlockSpec((_IN, _BT), lambda i: (0, i)),
            pl.BlockSpec((_T * _S, _IN), lambda i: (0, 0)),
            pl.BlockSpec((_T * _S, 1), lambda i: (0, 0)),
        ],
        out_specs=pl.BlockSpec((_TL, 1, 2, _BTH), lambda i: (0, i, 0, 0)),
        out_shape=jax.ShapeDtypeStruct((_TL, _NT, 2, _BTH), jnp.float32),
    )(xT, slopes, bias)

    w2f, wb = pl.pallas_call(
        _wtrans_kernel,
        grid=(_NCHUNK,),
        in_specs=[pl.BlockSpec((_NLC, _OUT, _FP), lambda c: (c, 0, 0))],
        out_specs=[
            pl.BlockSpec((_CK, _OUT), lambda c: (c, 0)),
            pl.BlockSpec((_NLC, _OUT), lambda c: (c, 0)),
        ],
        out_shape=[
            jax.ShapeDtypeStruct((_K, _OUT), jnp.float32),
            jax.ShapeDtypeStruct((_TL, _OUT), jnp.float32),
        ],
    )(lc)

    nch_h = _NCHUNK // 2

    def _main_call(xf_half, prev, coff):
        return pl.pallas_call(
            _main_kernel,
            grid=(_NT, nch_h),
            in_specs=[
                pl.BlockSpec((_CK, _BTH), lambda i, c: (c, i)),
                pl.BlockSpec((_NLC, 1, 2, _BTH),
                             lambda i, c: (c + coff, i, 0, 0)),
                pl.BlockSpec((_CK, _OUT), lambda i, c: (c + coff, 0)),
                pl.BlockSpec((_NLC, _OUT), lambda i, c: (c + coff, 0)),
                pl.BlockSpec((1, 2, _BTH, _OUT),
                             lambda i, c: (i, 0, 0, 0)),
            ],
            out_specs=pl.BlockSpec((1, 2, _BTH, _OUT),
                                   lambda i, c: (i, 0, 0, 0)),
            out_shape=jax.ShapeDtypeStruct((_NT, 2, _BTH, _OUT),
                                           jnp.float32),
        )(xf_half, a4, w2f, wb, prev)

    zeros = jnp.zeros((_NT, 2, _BTH, _OUT), jnp.float32)
    out = _main_call(xf1, _main_call(xf0, zeros, 0), nch_h)
    return out.reshape(_B, _OUT)

# --- scband reference (transcript-rebuilt; emitter-appended) ---
"""Pipeline reference for scband-soft-tree-ensemble-layer-85822036509455 (READ-ONLY COPY).

The authoritative reference and input builder live on the scoring server;
editing this copy changes nothing except your own understanding.
"""

import jax, jax.numpy as jnp
import numpy as np

B = 2048
IN = 512
OUT = 32
T = 32            # num_trees
DEPTH = 6
S = 2 ** (DEPTH - 1) - 1   # num_split_nodes = 31
L = 2 ** (DEPTH - 1)       # num_leaves = 32
F = 16                     # num_leaf_features


def smooth_step_vec(t):
    tc = jnp.clip(t, -0.5, 0.5)
    return -2.0 * tc ** 3 + 1.5 * tc + 0.5


def setup_inputs(seed: int = 0) -> dict:
    key = jax.random.key(seed)
    k1, k2, k3, k4 = jax.random.split(key, 4)
    x = jax.random.normal(k1, (B, IN), dtype=jnp.float32)
    # oblique split hyperplanes: [slope (IN) | bias] per split node, per tree
    split_coefs = jax.random.normal(k2, (T, S, IN + 1), dtype=jnp.float32) * np.sqrt(1.0 / IN)
    # per-leaf selected feature ids (sorted, as in create_random_initial_parameters)
    leaves_feat_ids = jnp.sort(jax.random.randint(k3, (T, L, F), 0, IN), axis=2)
    # per-leaf linear model coefficients: [T, L, OUT, F+1] (last coef = bias)
    leaves_coefs = jax.random.normal(k4, (T, L, OUT, F + 1), dtype=jnp.float32) * np.sqrt(1.0 / (F + 1))
    return {
        "x": x,
        "split_coefs": split_coefs,
        "leaves_feat_ids": leaves_feat_ids,
        "leaves_coefs": leaves_coefs,
    }


def reference(x, split_coefs, leaves_feat_ids, leaves_coefs):
    num_samples = x.shape[0]
    # oblique decisions at every split node (forward_tensor, num_split_feat=None branch)
    t = x @ split_coefs[:, :, :-1].reshape(T * S, IN).T
    t = t.reshape(num_samples, T, S) + split_coefs[:, :, -1]
    s = smooth_step_vec(t)
    # routing probabilities down the tree
    a_layer = jnp.ones((num_samples, T, 1), dtype=x.dtype)
    for d in range(DEPTH - 1):
        nb = 2 ** d - 1
        ne = 2 ** (d + 1) - 1
        s_layer = s[:, :, nb:ne]
        a_layer = (a_layer[:, :, :, None] * jnp.stack((1.0 - s_layer, s_layer), axis=3)).reshape(num_samples, T, -1)
    a_leaves = a_layer  # [B, T, L]
    # per-leaf linear models on the selected feature subset (+ bias)
    xf = x[:, leaves_feat_ids]  # gather -> [B, T, L, F]
    ones = jnp.ones((num_samples, T, L, 1), dtype=x.dtype)
    xf1 = jnp.concatenate([xf, ones], axis=3)  # [B, T, L, F+1]
    leaf_pred = jnp.einsum('btlf,tlof->btlo', xf1, leaves_coefs)  # [B, T, L, OUT]
    pred = jnp.sum(a_leaves[..., None] * leaf_pred, axis=(1, 2))  # [B, OUT]
    return pred

if __name__ == "__main__":
    import jax
    _d = setup_inputs()
    print(jax.jit(kernel)(*tuple(_d.values())))

</pallas_src>

<mosaic_0001>
#map = affine_map<(d0, d1) -> (0, 0)>
#map1 = affine_map<(d0, d1) -> (0)>
module attributes {stable_mosaic.version = 14 : i64} {
  func.func @_sc_gather_body(%arg0: i32, %arg1: i32, %arg2: memref<512x1024xi32, #tpu.memory_space<hbm>>, %arg3: memref<8192xi32, #tpu.memory_space<hbm>>, %arg4: memref<8192x1024xi32, #tpu.memory_space<hbm>>, %arg5: memref<256xi32, #tpu.memory_space<vmem>>, %arg6: memref<32x1024xi32, #tpu.memory_space<vmem>>, %arg7: memref<32x1024xi32, #tpu.memory_space<vmem>>, %arg8: memref<!tpu.dma_semaphore, #tpu.memory_space<semaphore_mem>>, %arg9: memref<!tpu.dma_semaphore, #tpu.memory_space<semaphore_mem>>, %arg10: memref<!tpu.dma_semaphore, #tpu.memory_space<semaphore_mem>>, %arg11: memref<!tpu.dma_semaphore, #tpu.memory_space<semaphore_mem>>) attributes {dimension_semantics = [#tpu.dimension_semantics<core_parallel>, #tpu.dimension_semantics<subcore_parallel>], iteration_bounds = array<i64: 2, 16>, scalar_prefetch = 0 : i64, scratch_operands = 7 : i64, tpu.core_type = #tpu.core_type<sc_vector_subcore>, window_params = [{transform_indices = #map}, {transform_indices = #map1}, {transform_indices = #map}]} {
    %mul3A = arith.constant 2 : i32
    %mul3A_0 = arith.muli %arg1, %mul3A : i32
    %add3A = arith.addi %mul3A_0, %arg0 : i32
    %mul3A_1 = arith.constant 256 : i32
    %mul3A_2 = arith.muli %add3A, %mul3A_1 : i32
    "tpu.region"() ({
      %run_scoped3A = tpu.sem_alloc : memref<!tpu.dma_semaphore, #tpu.memory_space<semaphore_mem>>
      %dma_start3A_161 = tpu.memref_slice %arg3[%mul3A_2] : memref<8192xi32, #tpu.memory_space<hbm>> -> memref<256xi32, #tpu.memory_space<hbm>>
      %dma_start3A_162 = tpu.memref_slice %arg3[%mul3A_2] : memref<8192xi32, #tpu.memory_space<hbm>> -> memref<256xi32, #tpu.memory_space<hbm>>
      tpu.enqueue_dma source(%dma_start3A_162 : memref<256xi32, #tpu.memory_space<hbm>>) target(%arg5 : memref<256xi32, #tpu.memory_space<vmem>>) target_semaphore(%run_scoped3A : memref<!tpu.dma_semaphore, #tpu.memory_space<semaphore_mem>>)
      %dma_wait3A_163 = tpu.memref_slice %arg3[%mul3A_2] : memref<8192xi32, #tpu.memory_space<hbm>> -> memref<256xi32, #tpu.memory_space<hbm>>
      %dma_wait3A_164 = tpu.memref_slice %arg3[%mul3A_2] : memref<8192xi32, #tpu.memory_space<hbm>> -> memref<256xi32, #tpu.memory_space<hbm>>
      tpu.wait_dma2 semaphore(%run_scoped3A : memref<!tpu.dma_semaphore, #tpu.memory_space<semaphore_mem>>) src(%dma_wait3A_164 : memref<256xi32, #tpu.memory_space<hbm>>) dst(%arg5 : memref<256xi32, #tpu.memory_space<vmem>>)
      tpu.yield
    }) : () -> ()
    %dma_start3A = arith.constant 0 : i32
    %dma_start3A_3 = tpu.memref_slice %arg5[%dma_start3A] : memref<256xi32, #tpu.memory_space<vmem>> -> memref<32xi32, #tpu.memory_space<vmem>>
    %dma_start3A_4 = arith.constant 0 : i32
    %dma_start3A_5 = arith.constant 0 : i32
    %dma_start3A_6 = tpu.memref_slice %arg2[%dma_start3A_4, %dma_start3A_5] : memref<512x1024xi32, #tpu.memory_space<hbm>> -> memref<512x1024xi32, #tpu.memory_space<hbm>>
    tpu.enqueue_indirect_dma source(%dma_start3A_6 : memref<512x1024xi32, #tpu.memory_space<hbm>>) target(%arg6 : memref<32x1024xi32, #tpu.memory_space<vmem>>) offsets(%dma_start3A_3 : memref<32xi32, #tpu.memory_space<vmem>>) semaphore(%arg8 : memref<!tpu.dma_semaphore, #tpu.memory_space<semaphore_mem>>)
    %dma_start3A_7 = arith.constant 32 : i32
    %dma_start3A_8 = tpu.memref_slice %arg5[%dma_start3A_7] : memref<256xi32, #tpu.memory_space<vmem>> -> memref<32xi32, #tpu.memory_space<vmem>>
    %dma_start3A_9 = arith.constant 0 : i32
    %dma_start3A_10 = arith.constant 0 : i32
    %dma_start3A_11 = tpu.memref_slice %arg2[%dma_start3A_9, %dma_start3A_10] : memref<512x1024xi32, #tpu.memory_space<hbm>> -> memref<512x1024xi32, #tpu.memory_space<hbm>>
    tpu.enqueue_indirect_dma source(%dma_start3A_11 : memref<512x1024xi32, #tpu.memory_space<hbm>>) target(%arg7 : memref<32x1024xi32, #tpu.memory_space<vmem>>) offsets(%dma_start3A_8 : memref<32xi32, #tpu.memory_space<vmem>>) semaphore(%arg9 : memref<!tpu.dma_semaphore, #tpu.memory_space<semaphore_mem>>)
    %dma_wait3A = arith.constant 0 : i32
    %dma_wait3A_12 = tpu.memref_slice %arg5[%dma_wait3A] : memref<256xi32, #tpu.memory_space<vmem>> -> memref<32xi32, #tpu.memory_space<vmem>>
    %dma_wait3A_13 = arith.constant 0 : i32
    %dma_wait3A_14 = arith.constant 0 : i32
    %dma_wait3A_15 = tpu.memref_slice %arg2[%dma_wait3A_13, %dma_wait3A_14] : memref<512x1024xi32, #tpu.memory_space<hbm>> -> memref<512x1024xi32, #tpu.memory_space<hbm>>
    tpu.wait_indirect_dma semaphore(%arg8 : memref<!tpu.dma_semaphore, #tpu.memory_space<semaphore_mem>>) src(%dma_wait3A_15 : memref<512x1024xi32, #tpu.memory_space<hbm>>) dst(%arg6 : memref<32x1024xi32, #tpu.memory_space<vmem>>)
    %add3A_16 = arith.constant 0 : i32
    %add3A_17 = arith.addi %mul3A_2, %add3A_16 : i32
    %dma_start3A_18 = arith.constant 0 : i32
    %dma_start3A_19 = tpu.memref_slice %arg4[%add3A_17, %dma_start3A_18] : memref<8192x1024xi32, #tpu.memory_space<hbm>> -> memref<32x1024xi32, #tpu.memory_space<hbm>>
    %dma_start3A_20 = arith.constant 0 : i32
    %dma_start3A_21 = tpu.memref_slice %arg4[%add3A_17, %dma_start3A_20] : memref<8192x1024xi32, #tpu.memory_space<hbm>> -> memref<32x1024xi32, #tpu.memory_space<hbm>>
    tpu.enqueue_dma source(%arg6 : memref<32x1024xi32, #tpu.memory_space<vmem>>) target(%dma_start3A_21 : memref<32x1024xi32, #tpu.memory_space<hbm>>) target_semaphore(%arg10 : memref<!tpu.dma_semaphore, #tpu.memory_space<semaphore_mem>>)
    %dma_wait3A_22 = arith.constant 0 : i32
    %dma_wait3A_23 = tpu.memref_slice %arg4[%add3A_17, %dma_wait3A_22] : memref<8192x1024xi32, #tpu.memory_space<hbm>> -> memref<32x1024xi32, #tpu.memory_space<hbm>>
    %dma_wait3A_24 = arith.constant 0 : i32
    %dma_wait3A_25 = tpu.memref_slice %arg4[%add3A_17, %dma_wait3A_24] : memref<8192x1024xi32, #tpu.memory_space<hbm>> -> memref<32x1024xi32, #tpu.memory_space<hbm>>
    tpu.wait_dma2 semaphore(%arg10 : memref<!tpu.dma_semaphore, #tpu.memory_space<semaphore_mem>>) src(%arg6 : memref<32x1024xi32, #tpu.memory_space<vmem>>) dst(%dma_wait3A_25 : memref<32x1024xi32, #tpu.memory_space<hbm>>)
    %dma_start3A_26 = arith.constant 64 : i32
    %dma_start3A_27 = tpu.memref_slice %arg5[%dma_start3A_26] : memref<256xi32, #tpu.memory_space<vmem>> -> memref<32xi32, #tpu.memory_space<vmem>>
    %dma_start3A_28 = arith.constant 0 : i32
    %dma_start3A_29 = arith.constant 0 : i32
    %dma_start3A_30 = tpu.memref_slice %arg2[%dma_start3A_28, %dma_start3A_29] : memref<512x1024xi32, #tpu.memory_space<hbm>> -> memref<512x1024xi32, #tpu.memory_space<hbm>>
    tpu.enqueue_indirect_dma source(%dma_start3A_30 : memref<512x1024xi32, #tpu.memory_space<hbm>>) target(%arg6 : memref<32x1024xi32, #tpu.memory_space<vmem>>) offsets(%dma_start3A_27 : memref<32xi32, #tpu.memory_space<vmem>>) semaphore(%arg8 : memref<!tpu.dma_semaphore, #tpu.memory_space<semaphore_mem>>)
    %dma_wait3A_31 = arith.constant 32 : i32
    %dma_wait3A_32 = tpu.memref_slice %arg5[%dma_wait3A_31] : memref<256xi32, #tpu.memory_space<vmem>> -> memref<32xi32, #tpu.memory_space<vmem>>
    %dma_wait3A_33 = arith.constant 0 : i32
    %dma_wait3A_34 = arith.constant 0 : i32
    %dma_wait3A_35 = tpu.memref_slice %arg2[%dma_wait3A_33, %dma_wait3A_34] : memref<512x1024xi32, #tpu.memory_space<hbm>> -> memref<512x1024xi32, #tpu.memory_space<hbm>>
    tpu.wait_indirect_dma semaphore(%arg9 : memref<!tpu.dma_semaphore, #tpu.memory_space<semaphore_mem>>) src(%dma_wait3A_35 : memref<512x1024xi32, #tpu.memory_space<hbm>>) dst(%arg7 : memref<32x1024xi32, #tpu.memory_space<vmem>>)
    %add3A_36 = arith.constant 32 : i32
    %add3A_37 = arith.addi %mul3A_2, %add3A_36 : i32
    %dma_start3A_38 = arith.constant 0 : i32
    %dma_start3A_39 = tpu.memref_slice %arg4[%add3A_37, %dma_start3A_38] : memref<8192x1024xi32, #tpu.memory_space<hbm>> -> memref<32x1024xi32, #tpu.memory_space<hbm>>
    %dma_start3A_40 = arith.constant 0 : i32
    %dma_start3A_41 = tpu.memref_slice %arg4[%add3A_37, %dma_start3A_40] : memref<8192x1024xi32, #tpu.memory_space<hbm>> -> memref<32x1024xi32, #tpu.memory_space<hbm>>
    tpu.enqueue_dma source(%arg7 : memref<32x1024xi32, #tpu.memory_space<vmem>>) target(%dma_start3A_41 : memref<32x1024xi32, #tpu.memory_space<hbm>>) target_semaphore(%arg11 : memref<!tpu.dma_semaphore, #tpu.memory_space<semaphore_mem>>)
    %dma_wait3A_42 = arith.constant 0 : i32
    %dma_wait3A_43 = tpu.memref_slice %arg4[%add3A_37, %dma_wait3A_42] : memref<8192x1024xi32, #tpu.memory_space<hbm>> -> memref<32x1024xi32, #tpu.memory_space<hbm>>
    %dma_wait3A_44 = arith.constant 0 : i32
    %dma_wait3A_45 = tpu.memref_slice %arg4[%add3A_37, %dma_wait3A_44] : memref<8192x1024xi32, #tpu.memory_space<hbm>> -> memref<32x1024xi32, #tpu.memory_space<hbm>>
    tpu.wait_dma2 semaphore(%arg11 : memref<!tpu.dma_semaphore, #tpu.memory_space<semaphore_mem>>) src(%arg7 : memref<32x1024xi32, #tpu.memory_space<vmem>>) dst(%dma_wait3A_45 : memref<32x1024xi32, #tpu.memory_space<hbm>>)
    %dma_start3A_46 = arith.constant 96 : i32
    %dma_start3A_47 = tpu.memref_slice %arg5[%dma_start3A_46] : memref<256xi32, #tpu.memory_space<vmem>> -> memref<32xi32, #tpu.memory_space<vmem>>
    %dma_start3A_48 = arith.constant 0 : i32
    %dma_start3A_49 = arith.constant 0 : i32
    %dma_start3A_50 = tpu.memref_slice %arg2[%dma_start3A_48, %dma_start3A_49] : memref<512x1024xi32, #tpu.memory_space<hbm>> -> memref<512x1024xi32, #tpu.memory_space<hbm>>
    tpu.enqueue_indirect_dma source(%dma_start3A_50 : memref<512x1024xi32, #tpu.memory_space<hbm>>) target(%arg7 : memref<32x1024xi32, #tpu.memory_space<vmem>>) offsets(%dma_start3A_47 : memref<32xi32, #tpu.memory_space<vmem>>) semaphore(%arg9 : memref<!tpu.dma_semaphore, #tpu.memory_space<semaphore_mem>>)
    %dma_wait3A_51 = arith.constant 64 : i32
    %dma_wait3A_52 = tpu.memref_slice %arg5[%dma_wait3A_51] : memref<256xi32, #tpu.memory_space<vmem>> -> memref<32xi32, #tpu.memory_space<vmem>>
    %dma_wait3A_53 = arith.constant 0 : i32
    %dma_wait3A_54 = arith.constant 0 : i32
    %dma_wait3A_55 = tpu.memref_slice %arg2[%dma_wait3A_53, %dma_wait3A_54] : memref<512x1024xi32, #tpu.memory_space<hbm>> -> memref<512x1024xi32, #tpu.memory_space<hbm>>
    tpu.wait_indirect_dma semaphore(%arg8 : memref<!tpu.dma_semaphore, #tpu.memory_space<semaphore_mem>>) src(%dma_wait3A_55 : memref<512x1024xi32, #tpu.memory_space<hbm>>) dst(%arg6 : memref<32x1024xi32, #tpu.memory_space<vmem>>)
    %add3A_56 = arith.constant 64 : i32
    %add3A_57 = arith.addi %mul3A_2, %add3A_56 : i32
    %dma_start3A_58 = arith.constant 0 : i32
    %dma_start3A_59 = tpu.memref_slice %arg4[%add3A_57, %dma_start3A_58] : memref<8192x1024xi32, #tpu.memory_space<hbm>> -> memref<32x1024xi32, #tpu.memory_space<hbm>>
    %dma_start3A_60 = arith.constant 0 : i32
    %dma_start3A_61 = tpu.memref_slice %arg4[%add3A_57, %dma_start3A_60] : memref<8192x1024xi32, #tpu.memory_space<hbm>> -> memref<32x1024xi32, #tpu.memory_space<hbm>>
    tpu.enqueue_dma source(%arg6 : memref<32x1024xi32, #tpu.memory_space<vmem>>) target(%dma_start3A_61 : memref<32x1024xi32, #tpu.memory_space<hbm>>) target_semaphore(%arg10 : memref<!tpu.dma_semaphore, #tpu.memory_space<semaphore_mem>>)
    %dma_wait3A_62 = arith.constant 0 : i32
    %dma_wait3A_63 = tpu.memref_slice %arg4[%add3A_57, %dma_wait3A_62] : memref<8192x1024xi32, #tpu.memory_space<hbm>> -> memref<32x1024xi32, #tpu.memory_space<hbm>>
    %dma_wait3A_64 = arith.constant 0 : i32
    %dma_wait3A_65 = tpu.memref_slice %arg4[%add3A_57, %dma_wait3A_64] : memref<8192x1024xi32, #tpu.memory_space<hbm>> -> memref<32x1024xi32, #tpu.memory_space<hbm>>
    tpu.wait_dma2 semaphore(%arg10 : memref<!tpu.dma_semaphore, #tpu.memory_space<semaphore_mem>>) src(%arg6 : memref<32x1024xi32, #tpu.memory_space<vmem>>) dst(%dma_wait3A_65 : memref<32x1024xi32, #tpu.memory_space<hbm>>)
    %dma_start3A_66 = arith.constant 128 : i32
    %dma_start3A_67 = tpu.memref_slice %arg5[%dma_start3A_66] : memref<256xi32, #tpu.memory_space<vmem>> -> memref<32xi32, #tpu.memory_space<vmem>>
    %dma_start3A_68 = arith.constant 0 : i32
    %dma_start3A_69 = arith.constant 0 : i32
    %dma_start3A_70 = tpu.memref_slice %arg2[%dma_start3A_68, %dma_start3A_69] : memref<512x1024xi32, #tpu.memory_space<hbm>> -> memref<512x1024xi32, #tpu.memory_space<hbm>>
    tpu.enqueue_indirect_dma source(%dma_start3A_70 : memref<512x1024xi32, #tpu.memory_space<hbm>>) target(%arg6 : memref<32x1024xi32, #tpu.memory_space<vmem>>) offsets(%dma_start3A_67 : memref<32xi32, #tpu.memory_space<vmem>>) semaphore(%arg8 : memref<!tpu.dma_semaphore, #tpu.memory_space<semaphore_mem>>)
    %dma_wait3A_71 = arith.constant 96 : i32
    %dma_wait3A_72 = tpu.memref_slice %arg5[%dma_wait3A_71] : memref<256xi32, #tpu.memory_space<vmem>> -> memref<32xi32, #tpu.memory_space<vmem>>
    %dma_wait3A_73 = arith.constant 0 : i32
    %dma_wait3A_74 = arith.constant 0 : i32
    %dma_wait3A_75 = tpu.memref_slice %arg2[%dma_wait3A_73, %dma_wait3A_74] : memref<512x1024xi32, #tpu.memory_space<hbm>> -> memref<512x1024xi32, #tpu.memory_space<hbm>>
    tpu.wait_indirect_dma semaphore(%arg9 : memref<!tpu.dma_semaphore, #tpu.memory_space<semaphore_mem>>) src(%dma_wait3A_75 : memref<512x1024xi32, #tpu.memory_space<hbm>>) dst(%arg7 : memref<32x1024xi32, #tpu.memory_space<vmem>>)
    %add3A_76 = arith.constant 96 : i32
    %add3A_77 = arith.addi %mul3A_2, %add3A_76 : i32
    %dma_start3A_78 = arith.constant 0 : i32
    %dma_start3A_79 = tpu.memref_slice %arg4[%add3A_77, %dma_start3A_78] : memref<8192x1024xi32, #tpu.memory_space<hbm>> -> memref<32x1024xi32, #tpu.memory_space<hbm>>
    %dma_start3A_80 = arith.constant 0 : i32
    %dma_start3A_81 = tpu.memref_slice %arg4[%add3A_77, %dma_start3A_80] : memref<8192x1024xi32, #tpu.memory_space<hbm>> -> memref<32x1024xi32, #tpu.memory_space<hbm>>
    tpu.enqueue_dma source(%arg7 : memref<32x1024xi32, #tpu.memory_space<vmem>>) target(%dma_start3A_81 : memref<32x1024xi32, #tpu.memory_space<hbm>>) target_semaphore(%arg11 : memref<!tpu.dma_semaphore, #tpu.memory_space<semaphore_mem>>)
    %dma_wait3A_82 = arith.constant 0 : i32
    %dma_wait3A_83 = tpu.memref_slice %arg4[%add3A_77, %dma_wait3A_82] : memref<8192x1024xi32, #tpu.memory_space<hbm>> -> memref<32x1024xi32, #tpu.memory_space<hbm>>
    %dma_wait3A_84 = arith.constant 0 : i32
    %dma_wait3A_85 = tpu.memref_slice %arg4[%add3A_77, %dma_wait3A_84] : memref<8192x1024xi32, #tpu.memory_space<hbm>> -> memref<32x1024xi32, #tpu.memory_space<hbm>>
    tpu.wait_dma2 semaphore(%arg11 : memref<!tpu.dma_semaphore, #tpu.memory_space<semaphore_mem>>) src(%arg7 : memref<32x1024xi32, #tpu.memory_space<vmem>>) dst(%dma_wait3A_85 : memref<32x1024xi32, #tpu.memory_space<hbm>>)
    %dma_start3A_86 = arith.constant 160 : i32
    %dma_start3A_87 = tpu.memref_slice %arg5[%dma_start3A_86] : memref<256xi32, #tpu.memory_space<vmem>> -> memref<32xi32, #tpu.memory_space<vmem>>
    %dma_start3A_88 = arith.constant 0 : i32
    %dma_start3A_89 = arith.constant 0 : i32
    %dma_start3A_90 = tpu.memref_slice %arg2[%dma_start3A_88, %dma_start3A_89] : memref<512x1024xi32, #tpu.memory_space<hbm>> -> memref<512x1024xi32, #tpu.memory_space<hbm>>
    tpu.enqueue_indirect_dma source(%dma_start3A_90 : memref<512x1024xi32, #tpu.memory_space<hbm>>) target(%arg7 : memref<32x1024xi32, #tpu.memory_space<vmem>>) offsets(%dma_start3A_87 : memref<32xi32, #tpu.memory_space<vmem>>) semaphore(%arg9 : memref<!tpu.dma_semaphore, #tpu.memory_space<semaphore_mem>>)
    %dma_wait3A_91 = arith.constant 128 : i32
    %dma_wait3A_92 = tpu.memref_slice %arg5[%dma_wait3A_91] : memref<256xi32, #tpu.memory_space<vmem>> -> memref<32xi32, #tpu.memory_space<vmem>>
    %dma_wait3A_93 = arith.constant 0 : i32
    %dma_wait3A_94 = arith.constant 0 : i32
    %dma_wait3A_95 = tpu.memref_slice %arg2[%dma_wait3A_93, %dma_wait3A_94] : memref<512x1024xi32, #tpu.memory_space<hbm>> -> memref<512x1024xi32, #tpu.memory_space<hbm>>
    tpu.wait_indirect_dma semaphore(%arg8 : memref<!tpu.dma_semaphore, #tpu.memory_space<semaphore_mem>>) src(%dma_wait3A_95 : memref<512x1024xi32, #tpu.memory_space<hbm>>) dst(%arg6 : memref<32x1024xi32, #tpu.memory_space<vmem>>)
    %add3A_96 = arith.constant 128 : i32
    %add3A_97 = arith.addi %mul3A_2, %add3A_96 : i32
    %dma_start3A_98 = arith.constant 0 : i32
    %dma_start3A_99 = tpu.memref_slice %arg4[%add3A_97, %dma_start3A_98] : memref<8192x1024xi32, #tpu.memory_space<hbm>> -> memref<32x1024xi32, #tpu.memory_space<hbm>>
    %dma_start3A_100 = arith.constant 0 : i32
    %dma_start3A_101 = tpu.memref_slice %arg4[%add3A_97, %dma_start3A_100] : memref<8192x1024xi32, #tpu.memory_space<hbm>> -> memref<32x1024xi32, #tpu.memory_space<hbm>>
    tpu.enqueue_dma source(%arg6 : memref<32x1024xi32, #tpu.memory_space<vmem>>) target(%dma_start3A_101 : memref<32x1024xi32, #tpu.memory_space<hbm>>) target_semaphore(%arg10 : memref<!tpu.dma_semaphore, #tpu.memory_space<semaphore_mem>>)
    %dma_wait3A_102 = arith.constant 0 : i32
    %dma_wait3A_103 = tpu.memref_slice %arg4[%add3A_97, %dma_wait3A_102] : memref<8192x1024xi32, #tpu.memory_space<hbm>> -> memref<32x1024xi32, #tpu.memory_space<hbm>>
    %dma_wait3A_104 = arith.constant 0 : i32
    %dma_wait3A_105 = tpu.memref_slice %arg4[%add3A_97, %dma_wait3A_104] : memref<8192x1024xi32, #tpu.memory_space<hbm>> -> memref<32x1024xi32, #tpu.memory_space<hbm>>
    tpu.wait_dma2 semaphore(%arg10 : memref<!tpu.dma_semaphore, #tpu.memory_space<semaphore_mem>>) src(%arg6 : memref<32x1024xi32, #tpu.memory_space<vmem>>) dst(%dma_wait3A_105 : memref<32x1024xi32, #tpu.memory_space<hbm>>)
    %dma_start3A_106 = arith.constant 192 : i32
    %dma_start3A_107 = tpu.memref_slice %arg5[%dma_start3A_106] : memref<256xi32, #tpu.memory_space<vmem>> -> memref<32xi32, #tpu.memory_space<vmem>>
    %dma_start3A_108 = arith.constant 0 : i32
    %dma_start3A_109 = arith.constant 0 : i32
    %dma_start3A_110 = tpu.memref_slice %arg2[%dma_start3A_108, %dma_start3A_109] : memref<512x1024xi32, #tpu.memory_space<hbm>> -> memref<512x1024xi32, #tpu.memory_space<hbm>>
    tpu.enqueue_indirect_dma source(%dma_start3A_110 : memref<512x1024xi32, #tpu.memory_space<hbm>>) target(%arg6 : memref<32x1024xi32, #tpu.memory_space<vmem>>) offsets(%dma_start3A_107 : memref<32xi32, #tpu.memory_space<vmem>>) semaphore(%arg8 : memref<!tpu.dma_semaphore, #tpu.memory_space<semaphore_mem>>)
    %dma_wait3A_111 = arith.constant 160 : i32
    %dma_wait3A_112 = tpu.memref_slice %arg5[%dma_wait3A_111] : memref<256xi32, #tpu.memory_space<vmem>> -> memref<32xi32, #tpu.memory_space<vmem>>
    %dma_wait3A_113 = arith.constant 0 : i32
    %dma_wait3A_114 = arith.constant 0 : i32
    %dma_wait3A_115 = tpu.memref_slice %arg2[%dma_wait3A_113, %dma_wait3A_114] : memref<512x1024xi32, #tpu.memory_space<hbm>> -> memref<512x1024xi32, #tpu.memory_space<hbm>>
    tpu.wait_indirect_dma semaphore(%arg9 : memref<!tpu.dma_semaphore, #tpu.memory_space<semaphore_mem>>) src(%dma_wait3A_115 : memref<512x1024xi32, #tpu.memory_space<hbm>>) dst(%arg7 : memref<32x1024xi32, #tpu.memory_space<vmem>>)
    %add3A_116 = arith.constant 160 : i32
    %add3A_117 = arith.addi %mul3A_2, %add3A_116 : i32
    %dma_start3A_118 = arith.constant 0 : i32
    %dma_start3A_119 = tpu.memref_slice %arg4[%add3A_117, %dma_start3A_118] : memref<8192x1024xi32, #tpu.memory_space<hbm>> -> memref<32x1024xi32, #tpu.memory_space<hbm>>
    %dma_start3A_120 = arith.constant 0 : i32
    %dma_start3A_121 = tpu.memref_slice %arg4[%add3A_117, %dma_start3A_120] : memref<8192x1024xi32, #tpu.memory_space<hbm>> -> memref<32x1024xi32, #tpu.memory_space<hbm>>
    tpu.enqueue_dma source(%arg7 : memref<32x1024xi32, #tpu.memory_space<vmem>>) target(%dma_start3A_121 : memref<32x1024xi32, #tpu.memory_space<hbm>>) target_semaphore(%arg11 : memref<!tpu.dma_semaphore, #tpu.memory_space<semaphore_mem>>)
    %dma_wait3A_122 = arith.constant 0 : i32
    %dma_wait3A_123 = tpu.memref_slice %arg4[%add3A_117, %dma_wait3A_122] : memref<8192x1024xi32, #tpu.memory_space<hbm>> -> memref<32x1024xi32, #tpu.memory_space<hbm>>
    %dma_wait3A_124 = arith.constant 0 : i32
    %dma_wait3A_125 = tpu.memref_slice %arg4[%add3A_117, %dma_wait3A_124] : memref<8192x1024xi32, #tpu.memory_space<hbm>> -> memref<32x1024xi32, #tpu.memory_space<hbm>>
    tpu.wait_dma2 semaphore(%arg11 : memref<!tpu.dma_semaphore, #tpu.memory_space<semaphore_mem>>) src(%arg7 : memref<32x1024xi32, #tpu.memory_space<vmem>>) dst(%dma_wait3A_125 : memref<32x1024xi32, #tpu.memory_space<hbm>>)
    %dma_start3A_126 = arith.constant 224 : i32
    %dma_start3A_127 = tpu.memref_slice %arg5[%dma_start3A_126] : memref<256xi32, #tpu.memory_space<vmem>> -> memref<32xi32, #tpu.memory_space<vmem>>
    %dma_start3A_128 = arith.constant 0 : i32
    %dma_start3A_129 = arith.constant 0 : i32
    %dma_start3A_130 = tpu.memref_slice %arg2[%dma_start3A_128, %dma_start3A_129] : memref<512x1024xi32, #tpu.memory_space<hbm>> -> memref<512x1024xi32, #tpu.memory_space<hbm>>
    tpu.enqueue_indirect_dma source(%dma_start3A_130 : memref<512x1024xi32, #tpu.memory_space<hbm>>) target(%arg7 : memref<32x1024xi32, #tpu.memory_space<vmem>>) offsets(%dma_start3A_127 : memref<32xi32, #tpu.memory_space<vmem>>) semaphore(%arg9 : memref<!tpu.dma_semaphore, #tpu.memory_space<semaphore_mem>>)
    %dma_wait3A_131 = arith.constant 192 : i32
    %dma_wait3A_132 = tpu.memref_slice %arg5[%dma_wait3A_131] : memref<256xi32, #tpu.memory_space<vmem>> -> memref<32xi32, #tpu.memory_space<vmem>>
    %dma_wait3A_133 = arith.constant 0 : i32
    %dma_wait3A_134 = arith.constant 0 : i32
    %dma_wait3A_135 = tpu.memref_slice %arg2[%dma_wait3A_133, %dma_wait3A_134] : memref<512x1024xi32, #tpu.memory_space<hbm>> -> memref<512x1024xi32, #tpu.memory_space<hbm>>
    tpu.wait_indirect_dma semaphore(%arg8 : memref<!tpu.dma_semaphore, #tpu.memory_space<semaphore_mem>>) src(%dma_wait3A_135 : memref<512x1024xi32, #tpu.memory_space<hbm>>) dst(%arg6 : memref<32x1024xi32, #tpu.memory_space<vmem>>)
    %add3A_136 = arith.constant 192 : i32
    %add3A_137 = arith.addi %mul3A_2, %add3A_136 : i32
    %dma_start3A_138 = arith.constant 0 : i32
    %dma_start3A_139 = tpu.memref_slice %arg4[%add3A_137, %dma_start3A_138] : memref<8192x1024xi32, #tpu.memory_space<hbm>> -> memref<32x1024xi32, #tpu.memory_space<hbm>>
    %dma_start3A_140 = arith.constant 0 : i32
    %dma_start3A_141 = tpu.memref_slice %arg4[%add3A_137, %dma_start3A_140] : memref<8192x1024xi32, #tpu.memory_space<hbm>> -> memref<32x1024xi32, #tpu.memory_space<hbm>>
    tpu.enqueue_dma source(%arg6 : memref<32x1024xi32, #tpu.memory_space<vmem>>) target(%dma_start3A_141 : memref<32x1024xi32, #tpu.memory_space<hbm>>) target_semaphore(%arg10 : memref<!tpu.dma_semaphore, #tpu.memory_space<semaphore_mem>>)
    %dma_wait3A_142 = arith.constant 0 : i32
    %dma_wait3A_143 = tpu.memref_slice %arg4[%add3A_137, %dma_wait3A_142] : memref<8192x1024xi32, #tpu.memory_space<hbm>> -> memref<32x1024xi32, #tpu.memory_space<hbm>>
    %dma_wait3A_144 = arith.constant 0 : i32
    %dma_wait3A_145 = tpu.memref_slice %arg4[%add3A_137, %dma_wait3A_144] : memref<8192x1024xi32, #tpu.memory_space<hbm>> -> memref<32x1024xi32, #tpu.memory_space<hbm>>
    tpu.wait_dma2 semaphore(%arg10 : memref<!tpu.dma_semaphore, #tpu.memory_space<semaphore_mem>>) src(%arg6 : memref<32x1024xi32, #tpu.memory_space<vmem>>) dst(%dma_wait3A_145 : memref<32x1024xi32, #tpu.memory_space<hbm>>)
    %dma_wait3A_146 = arith.constant 224 : i32
    %dma_wait3A_147 = tpu.memref_slice %arg5[%dma_wait3A_146] : memref<256xi32, #tpu.memory_space<vmem>> -> memref<32xi32, #tpu.memory_space<vmem>>
    %dma_wait3A_148 = arith.constant 0 : i32
    %dma_wait3A_149 = arith.constant 0 : i32
    %dma_wait3A_150 = tpu.memref_slice %arg2[%dma_wait3A_148, %dma_wait3A_149] : memref<512x1024xi32, #tpu.memory_space<hbm>> -> memref<512x1024xi32, #tpu.memory_space<hbm>>
    tpu.wait_indirect_dma semaphore(%arg9 : memref<!tpu.dma_semaphore, #tpu.memory_space<semaphore_mem>>) src(%dma_wait3A_150 : memref<512x1024xi32, #tpu.memory_space<hbm>>) dst(%arg7 : memref<32x1024xi32, #tpu.memory_space<vmem>>)
    %add3A_151 = arith.constant 224 : i32
    %add3A_152 = arith.addi %mul3A_2, %add3A_151 : i32
    %dma_start3A_153 = arith.constant 0 : i32
    %dma_start3A_154 = tpu.memref_slice %arg4[%add3A_152, %dma_start3A_153] : memref<8192x1024xi32, #tpu.memory_space<hbm>> -> memref<32x1024xi32, #tpu.memory_space<hbm>>
    %dma_start3A_155 = arith.constant 0 : i32
    %dma_start3A_156 = tpu.memref_slice %arg4[%add3A_152, %dma_start3A_155] : memref<8192x1024xi32, #tpu.memory_space<hbm>> -> memref<32x1024xi32, #tpu.memory_space<hbm>>
    tpu.enqueue_dma source(%arg7 : memref<32x1024xi32, #tpu.memory_space<vmem>>) target(%dma_start3A_156 : memref<32x1024xi32, #tpu.memory_space<hbm>>) target_semaphore(%arg11 : memref<!tpu.dma_semaphore, #tpu.memory_space<semaphore_mem>>)
    %dma_wait3A_157 = arith.constant 0 : i32
    %dma_wait3A_158 = tpu.memref_slice %arg4[%add3A_152, %dma_wait3A_157] : memref<8192x1024xi32, #tpu.memory_space<hbm>> -> memref<32x1024xi32, #tpu.memory_space<hbm>>
    %dma_wait3A_159 = arith.constant 0 : i32
    %dma_wait3A_160 = tpu.memref_slice %arg4[%add3A_152, %dma_wait3A_159] : memref<8192x1024xi32, #tpu.memory_space<hbm>> -> memref<32x1024xi32, #tpu.memory_space<hbm>>
    tpu.wait_dma2 semaphore(%arg11 : memref<!tpu.dma_semaphore, #tpu.memory_space<semaphore_mem>>) src(%arg7 : memref<32x1024xi32, #tpu.memory_space<vmem>>) dst(%dma_wait3A_160 : memref<32x1024xi32, #tpu.memory_space<hbm>>)
    return
  }
}

#map = affine_map<(d0, d1) -> (0, 0)>
#map1 = affine_map<(d0, d1) -> (0)>
module attributes {stable_mosaic.version = 14 : i64} {
  func.func @_sc_gather_body(%arg0: i32, %arg1: i32, %arg2: memref<512x1024xi32, #tpu.memory_space<hbm>>, %arg3: memref<8192xi32, #tpu.memory_space<hbm>>, %arg4: memref<8192x1024xi32, #tpu.memory_space<hbm>>, %arg5: memref<256xi32, #tpu.memory_space<vmem>>, %arg6: memref<32x1024xi32, #tpu.memory_space<vmem>>, %arg7: memref<32x1024xi32, #tpu.memory_space<vmem>>, %arg8: memref<!tpu.dma_semaphore, #tpu.memory_space<semaphore_mem>>, %arg9: memref<!tpu.dma_semaphore, #tpu.memory_space<semaphore_mem>>, %arg10: memref<!tpu.dma_semaphore, #tpu.memory_space<semaphore_mem>>, %arg11: memref<!tpu.dma_semaphore, #tpu.memory_space<semaphore_mem>>) attributes {dimension_semantics = [#tpu.dimension_semantics<core_parallel>, #tpu.dimension_semantics<subcore_parallel>], iteration_bounds = array<i64: 2, 16>, scalar_prefetch = 0 : i64, scratch_operands = 7 : i64, tpu.core_type = #tpu.core_type<sc_vector_subcore>, window_params = [{transform_indices = #map}, {transform_indices = #map1}, {transform_indices = #map}]} {
    %mul3A = arith.constant 2 : i32
    %mul3A_0 = arith.muli %arg1, %mul3A : i32
    %add3A = arith.addi %mul3A_0, %arg0 : i32
    %mul3A_1 = arith.constant 256 : i32
    %mul3A_2 = arith.muli %add3A, %mul3A_1 : i32
    "tpu.region"() ({
      %run_scoped3A = tpu.sem_alloc : memref<!tpu.dma_semaphore, #tpu.memory_space<semaphore_mem>>
      %dma_start3A_161 = tpu.memref_slice %arg3[%mul3A_2] : memref<8192xi32, #tpu.memory_space<hbm>> -> memref<256xi32, #tpu.memory_space<hbm>>
      %dma_start3A_162 = tpu.memref_slice %arg3[%mul3A_2] : memref<8192xi32, #tpu.memory_space<hbm>> -> memref<256xi32, #tpu.memory_space<hbm>>
      tpu.enqueue_dma source(%dma_start3A_162 : memref<256xi32, #tpu.memory_space<hbm>>) target(%arg5 : memref<256xi32, #tpu.memory_space<vmem>>) target_semaphore(%run_scoped3A : memref<!tpu.dma_semaphore, #tpu.memory_space<semaphore_mem>>)
      %dma_wait3A_163 = tpu.memref_slice %arg3[%mul3A_2] : memref<8192xi32, #tpu.memory_space<hbm>> -> memref<256xi32, #tpu.memory_space<hbm>>
      %dma_wait3A_164 = tpu.memref_slice %arg3[%mul3A_2] : memref<8192xi32, #tpu.memory_space<hbm>> -> memref<256xi32, #tpu.memory_space<hbm>>
      tpu.wait_dma2 semaphore(%run_scoped3A : memref<!tpu.dma_semaphore, #tpu.memory_space<semaphore_mem>>) src(%dma_wait3A_164 : memref<256xi32, #tpu.memory_space<hbm>>) dst(%arg5 : memref<256xi32, #tpu.memory_space<vmem>>)
      tpu.yield
    }) : () -> ()
    %dma_start3A = arith.constant 0 : i32
    %dma_start3A_3 = tpu.memref_slice %arg5[%dma_start3A] : memref<256xi32, #tpu.memory_space<vmem>> -> memref<32xi32, #tpu.memory_space<vmem>>
    %dma_start3A_4 = arith.constant 0 : i32
    %dma_start3A_5 = arith.constant 0 : i32
    %dma_start3A_6 = tpu.memref_slice %arg2[%dma_start3A_4, %dma_start3A_5] : memref<512x1024xi32, #tpu.memory_space<hbm>> -> memref<512x1024xi32, #tpu.memory_space<hbm>>
    tpu.enqueue_indirect_dma source(%dma_start3A_6 : memref<512x1024xi32, #tpu.memory_space<hbm>>) target(%arg6 : memref<32x1024xi32, #tpu.memory_space<vmem>>) offsets(%dma_start3A_3 : memref<32xi32, #tpu.memory_space<vmem>>) semaphore(%arg8 : memref<!tpu.dma_semaphore, #tpu.memory_space<semaphore_mem>>)
    %dma_start3A_7 = arith.constant 32 : i32
    %dma_start3A_8 = tpu.memref_slice %arg5[%dma_start3A_7] : memref<256xi32, #tpu.memory_space<vmem>> -> memref<32xi32, #tpu.memory_space<vmem>>
    %dma_start3A_9 = arith.constant 0 : i32
    %dma_start3A_10 = arith.constant 0 : i32
    %dma_start3A_11 = tpu.memref_slice %arg2[%dma_start3A_9, %dma_start3A_10] : memref<512x1024xi32, #tpu.memory_space<hbm>> -> memref<512x1024xi32, #tpu.memory_space<hbm>>
    tpu.enqueue_indirect_dma source(%dma_start3A_11 : memref<512x1024xi32, #tpu.memory_space<hbm>>) target(%arg7 : memref<32x1024xi32, #tpu.memory_space<vmem>>) offsets(%dma_start3A_8 : memref<32xi32, #tpu.memory_space<vmem>>) semaphore(%arg9 : memref<!tpu.dma_semaphore, #tpu.memory_space<semaphore_mem>>)
    %dma_wait3A = arith.constant 0 : i32
    %dma_wait3A_12 = tpu.memref_slice %arg5[%dma_wait3A] : memref<256xi32, #tpu.memory_space<vmem>> -> memref<32xi32, #tpu.memory_space<vmem>>
    %dma_wait3A_13 = arith.constant 0 : i32
    %dma_wait3A_14 = arith.constant 0 : i32
    %dma_wait3A_15 = tpu.memref_slice %arg2[%dma_wait3A_13, %dma_wait3A_14] : memref<512x1024xi32, #tpu.memory_space<hbm>> -> memref<512x1024xi32, #tpu.memory_space<hbm>>
    tpu.wait_indirect_dma semaphore(%arg8 : memref<!tpu.dma_semaphore, #tpu.memory_space<semaphore_mem>>) src(%dma_wait3A_15 : memref<512x1024xi32, #tpu.memory_space<hbm>>) dst(%arg6 : memref<32x1024xi32, #tpu.memory_space<vmem>>)
    %add3A_16 = arith.constant 0 : i32
    %add3A_17 = arith.addi %mul3A_2, %add3A_16 : i32
    %dma_start3A_18 = arith.constant 0 : i32
    %dma_start3A_19 = tpu.memref_slice %arg4[%add3A_17, %dma_start3A_18] : memref<8192x1024xi32, #tpu.memory_space<hbm>> -> memref<32x1024xi32, #tpu.memory_space<hbm>>
    %dma_start3A_20 = arith.constant 0 : i32
    %dma_start3A_21 = tpu.memref_slice %arg4[%add3A_17, %dma_start3A_20] : memref<8192x1024xi32, #tpu.memory_space<hbm>> -> memref<32x1024xi32, #tpu.memory_space<hbm>>
    tpu.enqueue_dma source(%arg6 : memref<32x1024xi32, #tpu.memory_space<vmem>>) target(%dma_start3A_21 : memref<32x1024xi32, #tpu.memory_space<hbm>>) target_semaphore(%arg10 : memref<!tpu.dma_semaphore, #tpu.memory_space<semaphore_mem>>)
    %dma_wait3A_22 = arith.constant 0 : i32
    %dma_wait3A_23 = tpu.memref_slice %arg4[%add3A_17, %dma_wait3A_22] : memref<8192x1024xi32, #tpu.memory_space<hbm>> -> memref<32x1024xi32, #tpu.memory_space<hbm>>
    %dma_wait3A_24 = arith.constant 0 : i32
    %dma_wait3A_25 = tpu.memref_slice %arg4[%add3A_17, %dma_wait3A_24] : memref<8192x1024xi32, #tpu.memory_space<hbm>> -> memref<32x1024xi32, #tpu.memory_space<hbm>>
    tpu.wait_dma2 semaphore(%arg10 : memref<!tpu.dma_semaphore, #tpu.memory_space<semaphore_mem>>) src(%arg6 : memref<32x1024xi32, #tpu.memory_space<vmem>>) dst(%dma_wait3A_25 : memref<32x1024xi32, #tpu.memory_space<hbm>>)
    %dma_start3A_26 = arith.constant 64 : i32
    %dma_start3A_27 = tpu.memref_slice %arg5[%dma_start3A_26] : memref<256xi32, #tpu.memory_space<vmem>> -> memref<32xi32, #tpu.memory_space<vmem>>
    %dma_start3A_28 = arith.constant 0 : i32
    %dma_start3A_29 = arith.constant 0 : i32
    %dma_start3A_30 = tpu.memref_slice %arg2[%dma_start3A_28, %dma_start3A_29] : memref<512x1024xi32, #tpu.memory_space<hbm>> -> memref<512x1024xi32, #tpu.memory_space<hbm>>
    tpu.enqueue_indirect_dma source(%dma_start3A_30 : memref<512x1024xi32, #tpu.memory_space<hbm>>) target(%arg6 : memref<32x1024xi32, #tpu.memory_space<vmem>>) offsets(%dma_start3A_27 : memref<32xi32, #tpu.memory_space<vmem>>) semaphore(%arg8 : memref<!tpu.dma_semaphore, #tpu.memory_space<semaphore_mem>>)
    %dma_wait3A_31 = arith.constant 32 : i32
    %dma_wait3A_32 = tpu.memref_slice %arg5[%dma_wait3A_31] : memref<256xi32, #tpu.memory_space<vmem>> -> memref<32xi32, #tpu.memory_space<vmem>>
    %dma_wait3A_33 = arith.constant 0 : i32
    %dma_wait3A_34 = arith.constant 0 : i32
    %dma_wait3A_35 = tpu.memref_slice %arg2[%dma_wait3A_33, %dma_wait3A_34] : memref<512x1024xi32, #tpu.memory_space<hbm>> -> memref<512x1024xi32, #tpu.memory_space<hbm>>
    tpu.wait_indirect_dma semaphore(%arg9 : memref<!tpu.dma_semaphore, #tpu.memory_space<semaphore_mem>>) src(%dma_wait3A_35 : memref<512x1024xi32, #tpu.memory_space<hbm>>) dst(%arg7 : memref<32x1024xi32, #tpu.memory_space<vmem>>)
    %add3A_36 = arith.constant 32 : i32
    %add3A_37 = arith.addi %mul3A_2, %add3A_36 : i32
    %dma_start3A_38 = arith.constant 0 : i32
    %dma_start3A_39 = tpu.memref_slice %arg4[%add3A_37, %dma_start3A_38] : memref<8192x1024xi32, #tpu.memory_space<hbm>> -> memref<32x1024xi32, #tpu.memory_space<hbm>>
    %dma_start3A_40 = arith.constant 0 : i32
    %dma_start3A_41 = tpu.memref_slice %arg4[%add3A_37, %dma_start3A_40] : memref<8192x1024xi32, #tpu.memory_space<hbm>> -> memref<32x1024xi32, #tpu.memory_space<hbm>>
    tpu.enqueue_dma source(%arg7 : memref<32x1024xi32, #tpu.memory_space<vmem>>) target(%dma_start3A_41 : memref<32x1024xi32, #tpu.memory_space<hbm>>) target_semaphore(%arg11 : memref<!tpu.dma_semaphore, #tpu.memory_space<semaphore_mem>>)
    %dma_wait3A_42 = arith.constant 0 : i32
    %dma_wait3A_43 = tpu.memref_slice %arg4[%add3A_37, %dma_wait3A_42] : memref<8192x1024xi32, #tpu.memory_space<hbm>> -> memref<32x1024xi32, #tpu.memory_space<hbm>>
    %dma_wait3A_44 = arith.constant 0 : i32
    %dma_wait3A_45 = tpu.memref_slice %arg4[%add3A_37, %dma_wait3A_44] : memref<8192x1024xi32, #tpu.memory_space<hbm>> -> memref<32x1024xi32, #tpu.memory_space<hbm>>
    tpu.wait_dma2 semaphore(%arg11 : memref<!tpu.dma_semaphore, #tpu.memory_space<semaphore_mem>>) src(%arg7 : memref<32x1024xi32, #tpu.memory_space<vmem>>) dst(%dma_wait3A_45 : memref<32x1024xi32, #tpu.memory_space<hbm>>)
    %dma_start3A_46 = arith.constant 96 : i32
    %dma_start3A_47 = tpu.memref_slice %arg5[%dma_start3A_46] : memref<256xi32, #tpu.memory_space<vmem>> -> memref<32xi32, #tpu.memory_space<vmem>>
    %dma_start3A_48 = arith.constant 0 : i32
    %dma_start3A_49 = arith.constant 0 : i32
    %dma_start3A_50 = tpu.memref_slice %arg2[%dma_start3A_48, %dma_start3A_49] : memref<512x1024xi32, #tpu.memory_space<hbm>> -> memref<512x1024xi32, #tpu.memory_space<hbm>>
    tpu.enqueue_indirect_dma source(%dma_start3A_50 : memref<512x1024xi32, #tpu.memory_space<hbm>>) target(%arg7 : memref<32x1024xi32, #tpu.memory_space<vmem>>) offsets(%dma_start3A_47 : memref<32xi32, #tpu.memory_space<vmem>>) semaphore(%arg9 : memref<!tpu.dma_semaphore, #tpu.memory_space<semaphore_mem>>)
    %dma_wait3A_51 = arith.constant 64 : i32
    %dma_wait3A_52 = tpu.memref_slice %arg5[%dma_wait3A_51] : memref<256xi32, #tpu.memory_space<vmem>> -> memref<32xi32, #tpu.memory_space<vmem>>
    %dma_wait3A_53 = arith.constant 0 : i32
    %dma_wait3A_54 = arith.constant 0 : i32
    %dma_wait3A_55 = tpu.memref_slice %arg2[%dma_wait3A_53, %dma_wait3A_54] : memref<512x1024xi32, #tpu.memory_space<hbm>> -> memref<512x1024xi32, #tpu.memory_space<hbm>>
    tpu.wait_indirect_dma semaphore(%arg8 : memref<!tpu.dma_semaphore, #tpu.memory_space<semaphore_mem>>) src(%dma_wait3A_55 : memref<512x1024xi32, #tpu.memory_space<hbm>>) dst(%arg6 : memref<32x1024xi32, #tpu.memory_space<vmem>>)
    %add3A_56 = arith.constant 64 : i32
    %add3A_57 = arith.addi %mul3A_2, %add3A_56 : i32
    %dma_start3A_58 = arith.constant 0 : i32
    %dma_start3A_59 = tpu.memref_slice %arg4[%add3A_57, %dma_start3A_58] : memref<8192x1024xi32, #tpu.memory_space<hbm>> -> memref<32x1024xi32, #tpu.memory_space<hbm>>
    %dma_start3A_60 = arith.constant 0 : i32
    %dma_start3A_61 = tpu.memref_slice %arg4[%add3A_57, %dma_start3A_60] : memref<8192x1024xi32, #tpu.memory_space<hbm>> -> memref<32x1024xi32, #tpu.memory_space<hbm>>
    tpu.enqueue_dma source(%arg6 : memref<32x1024xi32, #tpu.memory_space<vmem>>) target(%dma_start3A_61 : memref<32x1024xi32, #tpu.memory_space<hbm>>) target_semaphore(%arg10 : memref<!tpu.dma_semaphore, #tpu.memory_space<semaphore_mem>>)
    %dma_wait3A_62 = arith.constant 0 : i32
    %dma_wait3A_63 = tpu.memref_slice %arg4[%add3A_57, %dma_wait3A_62] : memref<8192x1024xi32, #tpu.memory_space<hbm>> -> memref<32x1024xi32, #tpu.memory_space<hbm>>
    %dma_wait3A_64 = arith.constant 0 : i32
    %dma_wait3A_65 = tpu.memref_slice %arg4[%add3A_57, %dma_wait3A_64] : memref<8192x1024xi32, #tpu.memory_space<hbm>> -> memref<32x1024xi32, #tpu.memory_space<hbm>>
    tpu.wait_dma2 semaphore(%arg10 : memref<!tpu.dma_semaphore, #tpu.memory_space<semaphore_mem>>) src(%arg6 : memref<32x1024xi32, #tpu.memory_space<vmem>>) dst(%dma_wait3A_65 : memref<32x1024xi32, #tpu.memory_space<hbm>>)
    %dma_start3A_66 = arith.constant 128 : i32
    %dma_start3A_67 = tpu.memref_slice %arg5[%dma_start3A_66] : memref<256xi32, #tpu.memory_space<vmem>> -> memref<32xi32, #tpu.memory_space<vmem>>
    %dma_start3A_68 = arith.constant 0 : i32
    %dma_start3A_69 = arith.constant 0 : i32
    %dma_start3A_70 = tpu.memref_slice %arg2[%dma_start3A_68, %dma_start3A_69] : memref<512x1024xi32, #tpu.memory_space<hbm>> -> memref<512x1024xi32, #tpu.memory_space<hbm>>
    tpu.enqueue_indirect_dma source(%dma_start3A_70 : memref<512x1024xi32, #tpu.memory_space<hbm>>) target(%arg6 : memref<32x1024xi32, #tpu.memory_space<vmem>>) offsets(%dma_start3A_67 : memref<32xi32, #tpu.memory_space<vmem>>) semaphore(%arg8 : memref<!tpu.dma_semaphore, #tpu.memory_space<semaphore_mem>>)
    %dma_wait3A_71 = arith.constant 96 : i32
    %dma_wait3A_72 = tpu.memref_slice %arg5[%dma_wait3A_71] : memref<256xi32, #tpu.memory_space<vmem>> -> memref<32xi32, #tpu.memory_space<vmem>>
    %dma_wait3A_73 = arith.constant 0 : i32
    %dma_wait3A_74 = arith.constant 0 : i32
    %dma_wait3A_75 = tpu.memref_slice %arg2[%dma_wait3A_73, %dma_wait3A_74] : memref<512x1024xi32, #tpu.memory_space<hbm>> -> memref<512x1024xi32, #tpu.memory_space<hbm>>
    tpu.wait_indirect_dma semaphore(%arg9 : memref<!tpu.dma_semaphore, #tpu.memory_space<semaphore_mem>>) src(%dma_wait3A_75 : memref<512x1024xi32, #tpu.memory_space<hbm>>) dst(%arg7 : memref<32x1024xi32, #tpu.memory_space<vmem>>)
    %add3A_76 = arith.constant 96 : i32
    %add3A_77 = arith.addi %mul3A_2, %add3A_76 : i32
    %dma_start3A_78 = arith.constant 0 : i32
    %dma_start3A_79 = tpu.memref_slice %arg4[%add3A_77, %dma_start3A_78] : memref<8192x1024xi32, #tpu.memory_space<hbm>> -> memref<32x1024xi32, #tpu.memory_space<hbm>>
    %dma_start3A_80 = arith.constant 0 : i32
    %dma_start3A_81 = tpu.memref_slice %arg4[%add3A_77, %dma_start3A_80] : memref<8192x1024xi32, #tpu.memory_space<hbm>> -> memref<32x1024xi32, #tpu.memory_space<hbm>>
    tpu.enqueue_dma source(%arg7 : memref<32x1024xi32, #tpu.memory_space<vmem>>) target(%dma_start3A_81 : memref<32x1024xi32, #tpu.memory_space<hbm>>) target_semaphore(%arg11 : memref<!tpu.dma_semaphore, #tpu.memory_space<semaphore_mem>>)
    %dma_wait3A_82 = arith.constant 0 : i32
    %dma_wait3A_83 = tpu.memref_slice %arg4[%add3A_77, %dma_wait3A_82] : memref<8192x1024xi32, #tpu.memory_space<hbm>> -> memref<32x1024xi32, #tpu.memory_space<hbm>>
    %dma_wait3A_84 = arith.constant 0 : i32
    %dma_wait3A_85 = tpu.memref_slice %arg4[%add3A_77, %dma_wait3A_84] : memref<8192x1024xi32, #tpu.memory_space<hbm>> -> memref<32x1024xi32, #tpu.memory_space<hbm>>
    tpu.wait_dma2 semaphore(%arg11 : memref<!tpu.dma_semaphore, #tpu.memory_space<semaphore_mem>>) src(%arg7 : memref<32x1024xi32, #tpu.memory_space<vmem>>) dst(%dma_wait3A_85 : memref<32x1024xi32, #tpu.memory_space<hbm>>)
    %dma_start3A_86 = arith.constant 160 : i32
    %dma_start3A_87 = tpu.memref_slice %arg5[%dma_start3A_86] : memref<256xi32, #tpu.memory_space<vmem>> -> memref<32xi32, #tpu.memory_space<vmem>>
    %dma_start3A_88 = arith.constant 0 : i32
    %dma_start3A_89 = arith.constant 0 : i32
    %dma_start3A_90 = tpu.memref_slice %arg2[%dma_start3A_88, %dma_start3A_89] : memref<512x1024xi32, #tpu.memory_space<hbm>> -> memref<512x1024xi32, #tpu.memory_space<hbm>>
    tpu.enqueue_indirect_dma source(%dma_start3A_90 : memref<512x1024xi32, #tpu.memory_space<hbm>>) target(%arg7 : memref<32x1024xi32, #tpu.memory_space<vmem>>) offsets(%dma_start3A_87 : memref<32xi32, #tpu.memory_space<vmem>>) semaphore(%arg9 : memref<!tpu.dma_semaphore, #tpu.memory_space<semaphore_mem>>)
    %dma_wait3A_91 = arith.constant 128 : i32
    %dma_wait3A_92 = tpu.memref_slice %arg5[%dma_wait3A_91] : memref<256xi32, #tpu.memory_space<vmem>> -> memref<32xi32, #tpu.memory_space<vmem>>
    %dma_wait3A_93 = arith.constant 0 : i32
    %dma_wait3A_94 = arith.constant 0 : i32
    %dma_wait3A_95 = tpu.memref_slice %arg2[%dma_wait3A_93, %dma_wait3A_94] : memref<512x1024xi32, #tpu.memory_space<hbm>> -> memref<512x1024xi32, #tpu.memory_space<hbm>>
    tpu.wait_indirect_dma semaphore(%arg8 : memref<!tpu.dma_semaphore, #tpu.memory_space<semaphore_mem>>) src(%dma_wait3A_95 : memref<512x1024xi32, #tpu.memory_space<hbm>>) dst(%arg6 : memref<32x1024xi32, #tpu.memory_space<vmem>>)
    %add3A_96 = arith.constant 128 : i32
    %add3A_97 = arith.addi %mul3A_2, %add3A_96 : i32
    %dma_start3A_98 = arith.constant 0 : i32
    %dma_start3A_99 = tpu.memref_slice %arg4[%add3A_97, %dma_start3A_98] : memref<8192x1024xi32, #tpu.memory_space<hbm>> -> memref<32x1024xi32, #tpu.memory_space<hbm>>
    %dma_start3A_100 = arith.constant 0 : i32
    %dma_start3A_101 = tpu.memref_slice %arg4[%add3A_97, %dma_start3A_100] : memref<8192x1024xi32, #tpu.memory_space<hbm>> -> memref<32x1024xi32, #tpu.memory_space<hbm>>
    tpu.enqueue_dma source(%arg6 : memref<32x1024xi32, #tpu.memory_space<vmem>>) target(%dma_start3A_101 : memref<32x1024xi32, #tpu.memory_space<hbm>>) target_semaphore(%arg10 : memref<!tpu.dma_semaphore, #tpu.memory_space<semaphore_mem>>)
    %dma_wait3A_102 = arith.constant 0 : i32
    %dma_wait3A_103 = tpu.memref_slice %arg4[%add3A_97, %dma_wait3A_102] : memref<8192x1024xi32, #tpu.memory_space<hbm>> -> memref<32x1024xi32, #tpu.memory_space<hbm>>
    %dma_wait3A_104 = arith.constant 0 : i32
    %dma_wait3A_105 = tpu.memref_slice %arg4[%add3A_97, %dma_wait3A_104] : memref<8192x1024xi32, #tpu.memory_space<hbm>> -> memref<32x1024xi32, #tpu.memory_space<hbm>>
    tpu.wait_dma2 semaphore(%arg10 : memref<!tpu.dma_semaphore, #tpu.memory_space<semaphore_mem>>) src(%arg6 : memref<32x1024xi32, #tpu.memory_space<vmem>>) dst(%dma_wait3A_105 : memref<32x1024xi32, #tpu.memory_space<hbm>>)
    %dma_start3A_106 = arith.constant 192 : i32
    %dma_start3A_107 = tpu.memref_slice %arg5[%dma_start3A_106] : memref<256xi32, #tpu.memory_space<vmem>> -> memref<32xi32, #tpu.memory_space<vmem>>
    %dma_start3A_108 = arith.constant 0 : i32
    %dma_start3A_109 = arith.constant 0 : i32
    %dma_start3A_110 = tpu.memref_slice %arg2[%dma_start3A_108, %dma_start3A_109] : memref<512x1024xi32, #tpu.memory_space<hbm>> -> memref<512x1024xi32, #tpu.memory_space<hbm>>
    tpu.enqueue_indirect_dma source(%dma_start3A_110 : memref<512x1024xi32, #tpu.memory_space<hbm>>) target(%arg6 : memref<32x1024xi32, #tpu.memory_space<vmem>>) offsets(%dma_start3A_107 : memref<32xi32, #tpu.memory_space<vmem>>) semaphore(%arg8 : memref<!tpu.dma_semaphore, #tpu.memory_space<semaphore_mem>>)
    %dma_wait3A_111 = arith.constant 160 : i32
    %dma_wait3A_112 = tpu.memref_slice %arg5[%dma_wait3A_111] : memref<256xi32, #tpu.memory_space<vmem>> -> memref<32xi32, #tpu.memory_space<vmem>>
    %dma_wait3A_113 = arith.constant 0 : i32
    %dma_wait3A_114 = arith.constant 0 : i32
    %dma_wait3A_115 = tpu.memref_slice %arg2[%dma_wait3A_113, %dma_wait3A_114] : memref<512x1024xi32, #tpu.memory_space<hbm>> -> memref<512x1024xi32, #tpu.memory_space<hbm>>
    tpu.wait_indirect_dma semaphore(%arg9 : memref<!tpu.dma_semaphore, #tpu.memory_space<semaphore_mem>>) src(%dma_wait3A_115 : memref<512x1024xi32, #tpu.memory_space<hbm>>) dst(%arg7 : memref<32x1024xi32, #tpu.memory_space<vmem>>)
    %add3A_116 = arith.constant 160 : i32
    %add3A_117 = arith.addi %mul3A_2, %add3A_116 : i32
    %dma_start3A_118 = arith.constant 0 : i32
    %dma_start3A_119 = tpu.memref_slice %arg4[%add3A_117, %dma_start3A_118] : memref<8192x1024xi32, #tpu.memory_space<hbm>> -> memref<32x1024xi32, #tpu.memory_space<hbm>>
    %dma_start3A_120 = arith.constant 0 : i32
    %dma_start3A_121 = tpu.memref_slice %arg4[%add3A_117, %dma_start3A_120] : memref<8192x1024xi32, #tpu.memory_space<hbm>> -> memref<32x1024xi32, #tpu.memory_space<hbm>>
    tpu.enqueue_dma source(%arg7 : memref<32x1024xi32, #tpu.memory_space<vmem>>) target(%dma_start3A_121 : memref<32x1024xi32, #tpu.memory_space<hbm>>) target_semaphore(%arg11 : memref<!tpu.dma_semaphore, #tpu.memory_space<semaphore_mem>>)
    %dma_wait3A_122 = arith.constant 0 : i32
    %dma_wait3A_123 = tpu.memref_slice %arg4[%add3A_117, %dma_wait3A_122] : memref<8192x1024xi32, #tpu.memory_space<hbm>> -> memref<32x1024xi32, #tpu.memory_space<hbm>>
    %dma_wait3A_124 = arith.constant 0 : i32
    %dma_wait3A_125 = tpu.memref_slice %arg4[%add3A_117, %dma_wait3A_124] : memref<8192x1024xi32, #tpu.memory_space<hbm>> -> memref<32x1024xi32, #tpu.memory_space<hbm>>
    tpu.wait_dma2 semaphore(%arg11 : memref<!tpu.dma_semaphore, #tpu.memory_space<semaphore_mem>>) src(%arg7 : memref<32x1024xi32, #tpu.memory_space<vmem>>) dst(%dma_wait3A_125 : memref<32x1024xi32, #tpu.memory_space<hbm>>)
    %dma_start3A_126 = arith.constant 224 : i32
    %dma_start3A_127 = tpu.memref_slice %arg5[%dma_start3A_126] : memref<256xi32, #tpu.memory_space<vmem>> -> memref<32xi32, #tpu.memory_space<vmem>>
    %dma_start3A_128 = arith.constant 0 : i32
    %dma_start3A_129 = arith.constant 0 : i32
    %dma_start3A_130 = tpu.memref_slice %arg2[%dma_start3A_128, %dma_start3A_129] : memref<512x1024xi32, #tpu.memory_space<hbm>> -> memref<512x1024xi32, #tpu.memory_space<hbm>>
    tpu.enqueue_indirect_dma source(%dma_start3A_130 : memref<512x1024xi32, #tpu.memory_space<hbm>>) target(%arg7 : memref<32x1024xi32, #tpu.memory_space<vmem>>) offsets(%dma_start3A_127 : memref<32xi32, #tpu.memory_space<vmem>>) semaphore(%arg9 : memref<!tpu.dma_semaphore, #tpu.memory_space<semaphore_mem>>)
    %dma_wait3A_131 = arith.constant 192 : i32
    %dma_wait3A_132 = tpu.memref_slice %arg5[%dma_wait3A_131] : memref<256xi32, #tpu.memory_space<vmem>> -> memref<32xi32, #tpu.memory_space<vmem>>
    %dma_wait3A_133 = arith.constant 0 : i32
    %dma_wait3A_134 = arith.constant 0 : i32
    %dma_wait3A_135 = tpu.memref_slice %arg2[%dma_wait3A_133, %dma_wait3A_134] : memref<512x1024xi32, #tpu.memory_space<hbm>> -> memref<512x1024xi32, #tpu.memory_space<hbm>>
    tpu.wait_indirect_dma semaphore(%arg8 : memref<!tpu.dma_semaphore, #tpu.memory_space<semaphore_mem>>) src(%dma_wait3A_135 : memref<512x1024xi32, #tpu.memory_space<hbm>>) dst(%arg6 : memref<32x1024xi32, #tpu.memory_space<vmem>>)
    %add3A_136 = arith.constant 192 : i32
    %add3A_137 = arith.addi %mul3A_2, %add3A_136 : i32
    %dma_start3A_138 = arith.constant 0 : i32
    %dma_start3A_139 = tpu.memref_slice %arg4[%add3A_137, %dma_start3A_138] : memref<8192x1024xi32, #tpu.memory_space<hbm>> -> memref<32x1024xi32, #tpu.memory_space<hbm>>
    %dma_start3A_140 = arith.constant 0 : i32
    %dma_start3A_141 = tpu.memref_slice %arg4[%add3A_137, %dma_start3A_140] : memref<8192x1024xi32, #tpu.memory_space<hbm>> -> memref<32x1024xi32, #tpu.memory_space<hbm>>
    tpu.enqueue_dma source(%arg6 : memref<32x1024xi32, #tpu.memory_space<vmem>>) target(%dma_start3A_141 : memref<32x1024xi32, #tpu.memory_space<hbm>>) target_semaphore(%arg10 : memref<!tpu.dma_semaphore, #tpu.memory_space<semaphore_mem>>)
    %dma_wait3A_142 = arith.constant 0 : i32
    %dma_wait3A_143 = tpu.memref_slice %arg4[%add3A_137, %dma_wait3A_142] : memref<8192x1024xi32, #tpu.memory_space<hbm>> -> memref<32x1024xi32, #tpu.memory_space<hbm>>
    %dma_wait3A_144 = arith.constant 0 : i32
    %dma_wait3A_145 = tpu.memref_slice %arg4[%add3A_137, %dma_wait3A_144] : memref<8192x1024xi32, #tpu.memory_space<hbm>> -> memref<32x1024xi32, #tpu.memory_space<hbm>>
    tpu.wait_dma2 semaphore(%arg10 : memref<!tpu.dma_semaphore, #tpu.memory_space<semaphore_mem>>) src(%arg6 : memref<32x1024xi32, #tpu.memory_space<vmem>>) dst(%dma_wait3A_145 : memref<32x1024xi32, #tpu.memory_space<hbm>>)
    %dma_wait3A_146 = arith.constant 224 : i32
    %dma_wait3A_147 = tpu.memref_slice %arg5[%dma_wait3A_146] : memref<256xi32, #tpu.memory_space<vmem>> -> memref<32xi32, #tpu.memory_space<vmem>>
    %dma_wait3A_148 = arith.constant 0 : i32
    %dma_wait3A_149 = arith.constant 0 : i32
    %dma_wait3A_150 = tpu.memref_slice %arg2[%dma_wait3A_148, %dma_wait3A_149] : memref<512x1024xi32, #tpu.memory_space<hbm>> -> memref<512x1024xi32, #tpu.memory_space<hbm>>
    tpu.wait_indirect_dma semaphore(%arg9 : memref<!tpu.dma_semaphore, #tpu.memory_space<semaphore_mem>>) src(%dma_wait3A_150 : memref<512x1024xi32, #tpu.memory_space<hbm>>) dst(%arg7 : memref<32x1024xi32, #tpu.memory_space<vmem>>)
    %add3A_151 = arith.constant 224 : i32
    %add3A_152 = arith.addi %mul3A_2, %add3A_151 : i32
    %dma_start3A_153 = arith.constant 0 : i32
    %dma_start3A_154 = tpu.memref_slice %arg4[%add3A_152, %dma_start3A_153] : memref<8192x1024xi32, #tpu.memory_space<hbm>> -> memref<32x1024xi32, #tpu.memory_space<hbm>>
    %dma_start3A_155 = arith.constant 0 : i32
    %dma_start3A_156 = tpu.memref_slice %arg4[%add3A_152, %dma_start3A_155] : memref<8192x1024xi32, #tpu.memory_space<hbm>> -> memref<32x1024xi32, #tpu.memory_space<hbm>>
    tpu.enqueue_dma source(%arg7 : memref<32x1024xi32, #tpu.memory_space<vmem>>) target(%dma_start3A_156 : memref<32x1024xi32, #tpu.memory_space<hbm>>) target_semaphore(%arg11 : memref<!tpu.dma_semaphore, #tpu.memory_space<semaphore_mem>>)
    %dma_wait3A_157 = arith.constant 0 : i32
    %dma_wait3A_158 = tpu.memref_slice %arg4[%add3A_152, %dma_wait3A_157] : memref<8192x1024xi32, #tpu.memory_space<hbm>> -> memref<32x1024xi32, #tpu.memory_space<hbm>>
    %dma_wait3A_159 = arith.constant 0 : i32
    %dma_wait3A_160 = tpu.memref_slice %arg4[%add3A_152, %dma_wait3A_159] : memref<8192x1024xi32, #tpu.memory_space<hbm>> -> memref<32x1024xi32, #tpu.memory_space<hbm>>
    tpu.wait_dma2 semaphore(%arg11 : memref<!tpu.dma_semaphore, #tpu.memory_space<semaphore_mem>>) src(%arg7 : memref<32x1024xi32, #tpu.memory_space<vmem>>) dst(%dma_wait3A_160 : memref<32x1024xi32, #tpu.memory_space<hbm>>)
    return
  }
}

module attributes {stable_mosaic.version = 14 : i64} {
  func.func @_prepack_kernel(%arg0: i32, %arg1: memref<512x256xf32, #tpu.memory_space<vmem>>, %arg2: memref<512x128xi32, #tpu.memory_space<vmem>>) attributes {dimension_semantics = [#tpu.dimension_semantics<arbitrary>], iteration_bounds = array<i64: 8>, scalar_prefetch = 0 : i64, scratch_operands = 0 : i64, tpu.core_type = #tpu.core_type<tc>, window_params = [{transform_indices = @transform_0, window_bounds = array<i64: 512, 256>}, {transform_indices = @transform_1, window_bounds = array<i64: 512, 128>}]} {
    %get3A = arith.constant 0 : index
    %get3A_0 = arith.constant 0 : index
    %get3A_1 = vector.load %arg1[%get3A, %get3A_0] : memref<512x256xf32, #tpu.memory_space<vmem>>, vector<512x256xf32>
    %convert_element_type3A = arith.truncf %get3A_1 : vector<512x256xf32> to vector<512x256xbf16>
    %slice3A = vector.extract_strided_slice %convert_element_type3A {offsets = [0, 0], sizes = [512, 128], strides = [1, 1]} : vector<512x256xbf16> to vector<512x128xbf16>
    %bitcast_convert_type3A = tpu.bitcast %slice3A : vector<512x128xbf16> -> vector<512x128xi16>
    %convert_element_type3A_2 = arith.extui %bitcast_convert_type3A : vector<512x128xi16> to vector<512x128xi32>
    %slice3A_3 = vector.extract_strided_slice %convert_element_type3A {offsets = [0, 128], sizes = [512, 128], strides = [1, 1]} : vector<512x256xbf16> to vector<512x128xbf16>
    %bitcast_convert_type3A_4 = tpu.bitcast %slice3A_3 : vector<512x128xbf16> -> vector<512x128xi16>
    %convert_element_type3A_5 = arith.extui %bitcast_convert_type3A_4 : vector<512x128xi16> to vector<512x128xi32>
    %shift_left3A = arith.constant 16 : i32
    %shift_left3A_6 = vector.broadcast %shift_left3A : i32 to vector<512x128xi32>
    %shift_left3A_7 = arith.shli %convert_element_type3A_5, %shift_left3A_6 : vector<512x128xi32>
    %or3A = arith.ori %convert_element_type3A_2, %shift_left3A_7 : vector<512x128xi32>
    %swap3A = arith.constant 0 : index
    %swap3A_8 = arith.constant 0 : index
    %swap3A_9 = vector.load %arg2[%swap3A, %swap3A_8] : memref<512x128xi32, #tpu.memory_space<vmem>>, vector<512x128xi32>
    tpu.vector_store %arg2[%swap3A, %swap3A_8], %or3A {strides = array<i32>} : memref<512x128xi32, #tpu.memory_space<vmem>>, vector<512x128xi32>,
    return
  }
  func.func @transform_0(%arg0: i32) -> (i32, i32) {
    %c0_i32 = arith.constant 0 : i32
    %c0_i32_0 = arith.constant 0 : i32
    return %c0_i32, %arg0 : i32, i32
  }
  func.func @transform_1(%arg0: i32) -> (i32, i32) {
    %c0_i32 = arith.constant 0 : i32
    %c0_i32_0 = arith.constant 0 : i32
    return %c0_i32, %arg0 : i32, i32
  }
}

module attributes {stable_mosaic.version = 14 : i64} {
  func.func @_wtrans_kernel(%arg0: i32, %arg1: memref<128x32x17xf32, #tpu.memory_space<vmem>>, %arg2: memref<2048x32xf32, #tpu.memory_space<vmem>>, %arg3: memref<128x32xf32, #tpu.memory_space<vmem>>) attributes {dimension_semantics = [#tpu.dimension_semantics<arbitrary>], iteration_bounds = array<i64: 8>, scalar_prefetch = 0 : i64, scratch_operands = 0 : i64, tpu.core_type = #tpu.core_type<tc>, window_params = [{transform_indices = @transform_0, window_bounds = array<i64: 128, 32, 17>}, {transform_indices = @transform_1, window_bounds = array<i64: 2048, 32>}, {transform_indices = @transform_2, window_bounds = array<i64: 128, 32>}]} {
    %get3A = arith.constant 0 : index
    %get3A_0 = arith.constant 0 : index
    %get3A_1 = arith.constant 0 : index
    %get3A_2 = vector.load %arg1[%get3A, %get3A_0, %get3A_1] : memref<128x32x17xf32, #tpu.memory_space<vmem>>, vector<128x32x17xf32>
    %slice3A = vector.extract_strided_slice %get3A_2 {offsets = [0, 0, 0], sizes = [128, 32, 16], strides = [1, 1, 1]} : vector<128x32x17xf32> to vector<128x32x16xf32>
    %transpose3A = tpu.transpose %slice3A, [0, 2, 1] : vector<128x32x16xf32> -> vector<128x16x32xf32>
    %reshape3A = vector.shape_cast %transpose3A : vector<128x16x32xf32> to vector<2048x32xf32>
    %swap3A = arith.constant 0 : index
    %swap3A_3 = arith.constant 0 : index
    %swap3A_4 = vector.load %arg2[%swap3A, %swap3A_3] : memref<2048x32xf32, #tpu.memory_space<vmem>>, vector<2048x32xf32>
    tpu.vector_store %arg2[%swap3A, %swap3A_3], %reshape3A {strides = array<i32>} : memref<2048x32xf32, #tpu.memory_space<vmem>>, vector<2048x32xf32>,
    %slice3A_5 = vector.extract_strided_slice %get3A_2 {offsets = [0, 0, 16], sizes = [128, 32, 1], strides = [1, 1, 1]} : vector<128x32x17xf32> to vector<128x32x1xf32>
    %squeeze3A = vector.shape_cast %slice3A_5 : vector<128x32x1xf32> to vector<128x32xf32>
    %swap3A_6 = arith.constant 0 : index
    %swap3A_7 = arith.constant 0 : index
    %swap3A_8 = vector.load %arg3[%swap3A_6, %swap3A_7] : memref<128x32xf32, #tpu.memory_space<vmem>>, vector<128x32xf32>
    tpu.vector_store %arg3[%swap3A_6, %swap3A_7], %squeeze3A {strides = array<i32>} : memref<128x32xf32, #tpu.memory_space<vmem>>, vector<128x32xf32>,
    return
  }
  func.func @transform_0(%arg0: i32) -> (i32, i32, i32) {
    %c0_i32 = arith.constant 0 : i32
    %c0_i32_0 = arith.constant 0 : i32
    %c0_i32_1 = arith.constant 0 : i32
    return %arg0, %c0_i32, %c0_i32_0 : i32, i32, i32
  }
  func.func @transform_1(%arg0: i32) -> (i32, i32) {
    %c0_i32 = arith.constant 0 : i32
    %c0_i32_0 = arith.constant 0 : i32
    return %arg0, %c0_i32 : i32, i32
  }
  func.func @transform_2(%arg0: i32) -> (i32, i32) {
    %c0_i32 = arith.constant 0 : i32
    %c0_i32_0 = arith.constant 0 : i32
    return %arg0, %c0_i32 : i32, i32
  }
}

module attributes {stable_mosaic.version = 14 : i64} {
  func.func @_route_kernel(%arg0: i32, %arg1: memref<512x256xf32, #tpu.memory_space<vmem>>, %arg2: memref<992x512xf32, #tpu.memory_space<vmem>>, %arg3: memref<992x1xf32, #tpu.memory_space<vmem>>, %arg4: memref<1024x1x2x128xf32, #tpu.memory_space<vmem>>) attributes {dimension_semantics = [#tpu.dimension_semantics<arbitrary>], iteration_bounds = array<i64: 8>, scalar_prefetch = 0 : i64, scratch_operands = 0 : i64, tpu.core_type = #tpu.core_type<tc>, window_params = [{transform_indices = @transform_0, window_bounds = array<i64: 512, 256>}, {pipeline_mode = #tpu.pipeline_mode<synchronous>, transform_indices = @transform_1, window_bounds = array<i64: 992, 512>}, {pipeline_mode = #tpu.pipeline_mode<synchronous>, transform_indices = @transform_2, window_bounds = array<i64: 992, 1>}, {transform_indices = @transform_3, window_bounds = array<i64: 1024, 1, 2, 128>}]} {
    %get3A = arith.constant 0 : index
    %get3A_0 = arith.constant 0 : index
    %get3A_1 = vector.load %arg2[%get3A, %get3A_0] : memref<992x512xf32, #tpu.memory_space<vmem>>, vector<992x512xf32>
    %get3A_2 = arith.constant 0 : index
    %get3A_3 = arith.constant 0 : index
    %get3A_4 = vector.load %arg1[%get3A_2, %get3A_3] : memref<512x256xf32, #tpu.memory_space<vmem>>, vector<512x256xf32>
    %dot_general3A = arith.constant dense<0.000000e+00> : vector<992x256xf32>
    %dot_general3A_5 = tpu.matmul %get3A_1, %get3A_4, %dot_general3A {dimension_numbers = #tpu.dot_dimension_numbers<[1], [0], [0], [1], [0, 0, 1, 1], [], []>, transpose_lhs_hint = false} : vector<992x512xf32>, vector<512x256xf32>, vector<992x256xf32> -> vector<992x256xf32>
    %get3A_6 = arith.constant 0 : index
    %get3A_7 = arith.constant 0 : index
    %get3A_8 = vector.load %arg3[%get3A_6, %get3A_7] : memref<992x1xf32, #tpu.memory_space<vmem>>, vector<992x1xf32>
    %add3A = vector.broadcast %get3A_8 : vector<992x1xf32> to vector<992x256xf32>
    %add3A_9 = arith.addf %dot_general3A_5, %add3A : vector<992x256xf32>
    %jit3A = arith.constant -5.000000e-01 : f32
    %jit3A_10 = arith.constant 5.000000e-01 : f32
    %max3A = vector.broadcast %jit3A : f32 to vector<992x256xf32>
    %max3A_11 = arith.maximumf %max3A, %add3A_9 : vector<992x256xf32>
    %min3A = vector.broadcast %jit3A_10 : f32 to vector<992x256xf32>
    %min3A_12 = arith.minimumf %min3A, %max3A_11 : vector<992x256xf32>
    %mul3A = arith.constant 2.000000e+00 : f32
    %mul3A_13 = vector.broadcast %mul3A : f32 to vector<992x256xf32>
    %mul3A_14 = arith.mulf %mul3A_13, %min3A_12 : vector<992x256xf32>
    %mul3A_15 = arith.mulf %mul3A_14, %min3A_12 : vector<992x256xf32>
    %sub3A = arith.constant 1.500000e+00 : f32
    %sub3A_16 = vector.broadcast %sub3A : f32 to vector<992x256xf32>
    %sub3A_17 = arith.subf %sub3A_16, %mul3A_15 : vector<992x256xf32>
    %mul3A_18 = arith.mulf %min3A_12, %sub3A_17 : vector<992x256xf32>
    %add3A_19 = arith.constant 5.000000e-01 : f32
    %add3A_20 = vector.broadcast %add3A_19 : f32 to vector<992x256xf32>
    %add3A_21 = arith.addf %mul3A_18, %add3A_20 : vector<992x256xf32>
    %reshape3A = vector.shape_cast %add3A_21 : vector<992x256xf32> to vector<32x31x256xf32>
    %slice3A = vector.extract_strided_slice %reshape3A {offsets = [0, 0, 0], sizes = [32, 1, 256], strides = [1, 1, 1]} : vector<32x31x256xf32> to vector<32x1x256xf32>
    %reshape3A_22 = vector.shape_cast %slice3A : vector<32x1x256xf32> to vector<32x1x1x256xf32>
    %broadcast_in_dim3A = vector.shape_cast %reshape3A_22 : vector<32x1x1x256xf32> to vector<32x1x1x256xf32>
    %broadcast_in_dim3A_23 = vector.broadcast %broadcast_in_dim3A : vector<32x1x1x256xf32> to vector<32x1x32x256xf32>
    %reshape3A_24 = vector.shape_cast %broadcast_in_dim3A_23 : vector<32x1x32x256xf32> to vector<32x32x256xf32>
    %iota3A = tpu.iota {dimensions = array<i32: 1>} : vector<1x32x1xi32>
    %shift_right_arithmetic3A = arith.constant 4 : i32
    %shift_right_arithmetic3A_25 = vector.broadcast %shift_right_arithmetic3A : i32 to vector<1x32x1xi32>
    %shift_right_arithmetic3A_26 = arith.shrsi %iota3A, %shift_right_arithmetic3A_25 : vector<1x32x1xi32>
    %and3A = arith.constant 1 : i32
    %and3A_27 = vector.broadcast %and3A : i32 to vector<1x32x1xi32>
    %and3A_28 = arith.andi %shift_right_arithmetic3A_26, %and3A_27 : vector<1x32x1xi32>
    %convert_element_type3A = arith.sitofp %and3A_28 : vector<1x32x1xi32> to vector<1x32x1xf32>
    %mul3A_29 = arith.constant 2.000000e+00 : f32
    %mul3A_30 = vector.broadcast %mul3A_29 : f32 to vector<1x32x1xf32>
    %mul3A_31 = arith.mulf %mul3A_30, %convert_element_type3A : vector<1x32x1xf32>
    %sub3A_32 = arith.constant 1.000000e+00 : f32
    %sub3A_33 = vector.broadcast %sub3A_32 : f32 to vector<1x32x1xf32>
    %sub3A_34 = arith.subf %mul3A_31, %sub3A_33 : vector<1x32x1xf32>
    %mul3A_35 = vector.broadcast %sub3A_34 : vector<1x32x1xf32> to vector<32x32x256xf32>
    %mul3A_36 = arith.mulf %mul3A_35, %reshape3A_24 : vector<32x32x256xf32>
    %sub3A_37 = arith.constant 1.000000e+00 : f32
    %sub3A_38 = vector.broadcast %sub3A_37 : f32 to vector<1x32x1xf32>
    %sub3A_39 = arith.subf %sub3A_38, %convert_element_type3A : vector<1x32x1xf32>
    %add3A_40 = vector.broadcast %sub3A_39 : vector<1x32x1xf32> to vector<32x32x256xf32>
    %add3A_41 = arith.addf %mul3A_36, %add3A_40 : vector<32x32x256xf32>
    %slice3A_42 = vector.extract_strided_slice %reshape3A {offsets = [0, 1, 0], sizes = [32, 2, 256], strides = [1, 1, 1]} : vector<32x31x256xf32> to vector<32x2x256xf32>
    %reshape3A_43 = vector.shape_cast %slice3A_42 : vector<32x2x256xf32> to vector<32x2x1x256xf32>
    %broadcast_in_dim3A_44 = vector.shape_cast %reshape3A_43 : vector<32x2x1x256xf32> to vector<32x2x1x256xf32>
    %broadcast_in_dim3A_45 = vector.broadcast %broadcast_in_dim3A_44 : vector<32x2x1x256xf32> to vector<32x2x16x256xf32>
    %reshape3A_46 = vector.shape_cast %broadcast_in_dim3A_45 : vector<32x2x16x256xf32> to vector<32x32x256xf32>
    %iota3A_47 = tpu.iota {dimensions = array<i32: 1>} : vector<1x32x1xi32>
    %shift_right_arithmetic3A_48 = arith.constant 3 : i32
    %shift_right_arithmetic3A_49 = vector.broadcast %shift_right_arithmetic3A_48 : i32 to vector<1x32x1xi32>
    %shift_right_arithmetic3A_50 = arith.shrsi %iota3A_47, %shift_right_arithmetic3A_49 : vector<1x32x1xi32>
    %and3A_51 = arith.constant 1 : i32
    %and3A_52 = vector.broadcast %and3A_51 : i32 to vector<1x32x1xi32>
    %and3A_53 = arith.andi %shift_right_arithmetic3A_50, %and3A_52 : vector<1x32x1xi32>
    %convert_element_type3A_54 = arith.sitofp %and3A_53 : vector<1x32x1xi32> to vector<1x32x1xf32>
    %mul3A_55 = arith.constant 2.000000e+00 : f32
    %mul3A_56 = vector.broadcast %mul3A_55 : f32 to vector<1x32x1xf32>
    %mul3A_57 = arith.mulf %mul3A_56, %convert_element_type3A_54 : vector<1x32x1xf32>
    %sub3A_58 = arith.constant 1.000000e+00 : f32
    %sub3A_59 = vector.broadcast %sub3A_58 : f32 to vector<1x32x1xf32>
    %sub3A_60 = arith.subf %mul3A_57, %sub3A_59 : vector<1x32x1xf32>
    %mul3A_61 = vector.broadcast %sub3A_60 : vector<1x32x1xf32> to vector<32x32x256xf32>
    %mul3A_62 = arith.mulf %mul3A_61, %reshape3A_46 : vector<32x32x256xf32>
    %sub3A_63 = arith.constant 1.000000e+00 : f32
    %sub3A_64 = vector.broadcast %sub3A_63 : f32 to vector<1x32x1xf32>
    %sub3A_65 = arith.subf %sub3A_64, %convert_element_type3A_54 : vector<1x32x1xf32>
    %add3A_66 = vector.broadcast %sub3A_65 : vector<1x32x1xf32> to vector<32x32x256xf32>
    %add3A_67 = arith.addf %mul3A_62, %add3A_66 : vector<32x32x256xf32>
    %mul3A_68 = arith.mulf %add3A_41, %add3A_67 : vector<32x32x256xf32>
    %slice3A_69 = vector.extract_strided_slice %reshape3A {offsets = [0, 3, 0], sizes = [32, 4, 256], strides = [1, 1, 1]} : vector<32x31x256xf32> to vector<32x4x256xf32>
    %reshape3A_70 = vector.shape_cast %slice3A_69 : vector<32x4x256xf32> to vector<32x4x1x256xf32>
    %broadcast_in_dim3A_71 = vector.shape_cast %reshape3A_70 : vector<32x4x1x256xf32> to vector<32x4x1x256xf32>
    %broadcast_in_dim3A_72 = vector.broadcast %broadcast_in_dim3A_71 : vector<32x4x1x256xf32> to vector<32x4x8x256xf32>
    %reshape3A_73 = vector.shape_cast %broadcast_in_dim3A_72 : vector<32x4x8x256xf32> to vector<32x32x256xf32>
    %iota3A_74 = tpu.iota {dimensions = array<i32: 1>} : vector<1x32x1xi32>
    %shift_right_arithmetic3A_75 = arith.constant 2 : i32
    %shift_right_arithmetic3A_76 = vector.broadcast %shift_right_arithmetic3A_75 : i32 to vector<1x32x1xi32>
    %shift_right_arithmetic3A_77 = arith.shrsi %iota3A_74, %shift_right_arithmetic3A_76 : vector<1x32x1xi32>
    %and3A_78 = arith.constant 1 : i32
    %and3A_79 = vector.broadcast %and3A_78 : i32 to vector<1x32x1xi32>
    %and3A_80 = arith.andi %shift_right_arithmetic3A_77, %and3A_79 : vector<1x32x1xi32>
    %convert_element_type3A_81 = arith.sitofp %and3A_80 : vector<1x32x1xi32> to vector<1x32x1xf32>
    %mul3A_82 = arith.constant 2.000000e+00 : f32
    %mul3A_83 = vector.broadcast %mul3A_82 : f32 to vector<1x32x1xf32>
    %mul3A_84 = arith.mulf %mul3A_83, %convert_element_type3A_81 : vector<1x32x1xf32>
    %sub3A_85 = arith.constant 1.000000e+00 : f32
    %sub3A_86 = vector.broadcast %sub3A_85 : f32 to vector<1x32x1xf32>
    %sub3A_87 = arith.subf %mul3A_84, %sub3A_86 : vector<1x32x1xf32>
    %mul3A_88 = vector.broadcast %sub3A_87 : vector<1x32x1xf32> to vector<32x32x256xf32>
    %mul3A_89 = arith.mulf %mul3A_88, %reshape3A_73 : vector<32x32x256xf32>
    %sub3A_90 = arith.constant 1.000000e+00 : f32
    %sub3A_91 = vector.broadcast %sub3A_90 : f32 to vector<1x32x1xf32>
    %sub3A_92 = arith.subf %sub3A_91, %convert_element_type3A_81 : vector<1x32x1xf32>
    %add3A_93 = vector.broadcast %sub3A_92 : vector<1x32x1xf32> to vector<32x32x256xf32>
    %add3A_94 = arith.addf %mul3A_89, %add3A_93 : vector<32x32x256xf32>
    %mul3A_95 = arith.mulf %mul3A_68, %add3A_94 : vector<32x32x256xf32>
    %slice3A_96 = vector.extract_strided_slice %reshape3A {offsets = [0, 7, 0], sizes = [32, 8, 256], strides = [1, 1, 1]} : vector<32x31x256xf32> to vector<32x8x256xf32>
    %reshape3A_97 = vector.shape_cast %slice3A_96 : vector<32x8x256xf32> to vector<32x8x1x256xf32>
    %broadcast_in_dim3A_98 = vector.shape_cast %reshape3A_97 : vector<32x8x1x256xf32> to vector<32x8x1x256xf32>
    %broadcast_in_dim3A_99 = vector.broadcast %broadcast_in_dim3A_98 : vector<32x8x1x256xf32> to vector<32x8x4x256xf32>
    %reshape3A_100 = vector.shape_cast %broadcast_in_dim3A_99 : vector<32x8x4x256xf32> to vector<32x32x256xf32>
    %iota3A_101 = tpu.iota {dimensions = array<i32: 1>} : vector<1x32x1xi32>
    %shift_right_arithmetic3A_102 = arith.constant 1 : i32
    %shift_right_arithmetic3A_103 = vector.broadcast %shift_right_arithmetic3A_102 : i32 to vector<1x32x1xi32>
    %shift_right_arithmetic3A_104 = arith.shrsi %iota3A_101, %shift_right_arithmetic3A_103 : vector<1x32x1xi32>
    %and3A_105 = arith.constant 1 : i32
    %and3A_106 = vector.broadcast %and3A_105 : i32 to vector<1x32x1xi32>
    %and3A_107 = arith.andi %shift_right_arithmetic3A_104, %and3A_106 : vector<1x32x1xi32>
    %convert_element_type3A_108 = arith.sitofp %and3A_107 : vector<1x32x1xi32> to vector<1x32x1xf32>
    %mul3A_109 = arith.constant 2.000000e+00 : f32
    %mul3A_110 = vector.broadcast %mul3A_109 : f32 to vector<1x32x1xf32>
    %mul3A_111 = arith.mulf %mul3A_110, %convert_element_type3A_108 : vector<1x32x1xf32>
    %sub3A_112 = arith.constant 1.000000e+00 : f32
    %sub3A_113 = vector.broadcast %sub3A_112 : f32 to vector<1x32x1xf32>
    %sub3A_114 = arith.subf %mul3A_111, %sub3A_113 : vector<1x32x1xf32>
    %mul3A_115 = vector.broadcast %sub3A_114 : vector<1x32x1xf32> to vector<32x32x256xf32>
    %mul3A_116 = arith.mulf %mul3A_115, %reshape3A_100 : vector<32x32x256xf32>
    %sub3A_117 = arith.constant 1.000000e+00 : f32
    %sub3A_118 = vector.broadcast %sub3A_117 : f32 to vector<1x32x1xf32>
    %sub3A_119 = arith.subf %sub3A_118, %convert_element_type3A_108 : vector<1x32x1xf32>
    %add3A_120 = vector.broadcast %sub3A_119 : vector<1x32x1xf32> to vector<32x32x256xf32>
    %add3A_121 = arith.addf %mul3A_116, %add3A_120 : vector<32x32x256xf32>
    %mul3A_122 = arith.mulf %mul3A_95, %add3A_121 : vector<32x32x256xf32>
    %slice3A_123 = vector.extract_strided_slice %reshape3A {offsets = [0, 15, 0], sizes = [32, 16, 256], strides = [1, 1, 1]} : vector<32x31x256xf32> to vector<32x16x256xf32>
    %reshape3A_124 = vector.shape_cast %slice3A_123 : vector<32x16x256xf32> to vector<32x16x1x256xf32>
    %broadcast_in_dim3A_125 = vector.shape_cast %reshape3A_124 : vector<32x16x1x256xf32> to vector<32x16x1x256xf32>
    %broadcast_in_dim3A_126 = vector.broadcast %broadcast_in_dim3A_125 : vector<32x16x1x256xf32> to vector<32x16x2x256xf32>
    %reshape3A_127 = vector.shape_cast %broadcast_in_dim3A_126 : vector<32x16x2x256xf32> to vector<32x32x256xf32>
    %iota3A_128 = tpu.iota {dimensions = array<i32: 1>} : vector<1x32x1xi32>
    %shift_right_arithmetic3A_129 = arith.constant 0 : i32
    %shift_right_arithmetic3A_130 = vector.broadcast %shift_right_arithmetic3A_129 : i32 to vector<1x32x1xi32>
    %shift_right_arithmetic3A_131 = arith.shrsi %iota3A_128, %shift_right_arithmetic3A_130 : vector<1x32x1xi32>
    %and3A_132 = arith.constant 1 : i32
    %and3A_133 = vector.broadcast %and3A_132 : i32 to vector<1x32x1xi32>
    %and3A_134 = arith.andi %shift_right_arithmetic3A_131, %and3A_133 : vector<1x32x1xi32>
    %convert_element_type3A_135 = arith.sitofp %and3A_134 : vector<1x32x1xi32> to vector<1x32x1xf32>
    %mul3A_136 = arith.constant 2.000000e+00 : f32
    %mul3A_137 = vector.broadcast %mul3A_136 : f32 to vector<1x32x1xf32>
    %mul3A_138 = arith.mulf %mul3A_137, %convert_element_type3A_135 : vector<1x32x1xf32>
    %sub3A_139 = arith.constant 1.000000e+00 : f32
    %sub3A_140 = vector.broadcast %sub3A_139 : f32 to vector<1x32x1xf32>
    %sub3A_141 = arith.subf %mul3A_138, %sub3A_140 : vector<1x32x1xf32>
    %mul3A_142 = vector.broadcast %sub3A_141 : vector<1x32x1xf32> to vector<32x32x256xf32>
    %mul3A_143 = arith.mulf %mul3A_142, %reshape3A_127 : vector<32x32x256xf32>
    %sub3A_144 = arith.constant 1.000000e+00 : f32
    %sub3A_145 = vector.broadcast %sub3A_144 : f32 to vector<1x32x1xf32>
    %sub3A_146 = arith.subf %sub3A_145, %convert_element_type3A_135 : vector<1x32x1xf32>
    %add3A_147 = vector.broadcast %sub3A_146 : vector<1x32x1xf32> to vector<32x32x256xf32>
    %add3A_148 = arith.addf %mul3A_143, %add3A_147 : vector<32x32x256xf32>
    %mul3A_149 = arith.mulf %mul3A_122, %add3A_148 : vector<32x32x256xf32>
    %reshape3A_150 = vector.shape_cast %mul3A_149 : vector<32x32x256xf32> to vector<1024x1x2x128xf32>
    %swap3A = arith.constant 0 : index
    %swap3A_151 = arith.constant 0 : index
    %swap3A_152 = arith.constant 0 : index
    %swap3A_153 = arith.constant 0 : index
    %swap3A_154 = vector.load %arg4[%swap3A, %swap3A_151, %swap3A_152, %swap3A_153] : memref<1024x1x2x128xf32, #tpu.memory_space<vmem>>, vector<1024x1x2x128xf32>
    tpu.vector_store %arg4[%swap3A, %swap3A_151, %swap3A_152, %swap3A_153], %reshape3A_150 {strides = array<i32>} : memref<1024x1x2x128xf32, #tpu.memory_space<vmem>>, vector<1024x1x2x128xf32>,
    return
  }
  func.func @transform_0(%arg0: i32) -> (i32, i32) {
    %c0_i32 = arith.constant 0 : i32
    %c0_i32_0 = arith.constant 0 : i32
    return %c0_i32, %arg0 : i32, i32
  }
  func.func @transform_1(%arg0: i32) -> (i32, i32) {
    %c0_i32 = arith.constant 0 : i32
    %c0_i32_0 = arith.constant 0 : i32
    %c0_i32_1 = arith.constant 0 : i32
    return %c0_i32, %c0_i32_0 : i32, i32
  }
  func.func @transform_2(%arg0: i32) -> (i32, i32) {
    %c0_i32 = arith.constant 0 : i32
    %c0_i32_0 = arith.constant 0 : i32
    %c0_i32_1 = arith.constant 0 : i32
    return %c0_i32, %c0_i32_0 : i32, i32
  }
  func.func @transform_3(%arg0: i32) -> (i32, i32, i32, i32) {
    %c0_i32 = arith.constant 0 : i32
    %c0_i32_0 = arith.constant 0 : i32
    %c0_i32_1 = arith.constant 0 : i32
    %c0_i32_2 = arith.constant 0 : i32
    return %c0_i32, %arg0, %c0_i32_0, %c0_i32_1 : i32, i32, i32, i32
  }
}

module attributes {stable_mosaic.version = 14 : i64} {
  func.func @_main_kernel(%arg0: i32, %arg1: i32, %arg2: memref<2048x128xi32, #tpu.memory_space<vmem>>, %arg3: memref<128x1x2x128xf32, #tpu.memory_space<vmem>>, %arg4: memref<2048x32xf32, #tpu.memory_space<vmem>>, %arg5: memref<128x32xf32, #tpu.memory_space<vmem>>, %arg6: memref<1x2x128x32xf32, #tpu.memory_space<vmem>>, %arg7: memref<1x2x128x32xf32, #tpu.memory_space<vmem>>) attributes {dimension_semantics = [#tpu.dimension_semantics<arbitrary>, #tpu.dimension_semantics<arbitrary>], iteration_bounds = array<i64: 8, 4>, scalar_prefetch = 0 : i64, scratch_operands = 0 : i64, tpu.core_type = #tpu.core_type<tc>, window_params = [{transform_indices = @transform_0, window_bounds = array<i64: 2048, 128>}, {transform_indices = @transform_1, window_bounds = array<i64: 128, 1, 2, 128>}, {transform_indices = @transform_2, window_bounds = array<i64: 2048, 32>}, {transform_indices = @transform_3, window_bounds = array<i64: 128, 32>}, {transform_indices = @transform_4, window_bounds = array<i64: 1, 2, 128, 32>}, {transform_indices = @transform_5, window_bounds = array<i64: 1, 2, 128, 32>}]} {
    %get3A = arith.constant 0 : index
    %get3A_0 = arith.constant 0 : index
    %get3A_1 = vector.load %arg2[%get3A, %get3A_0] : memref<2048x128xi32, #tpu.memory_space<vmem>>, vector<2048x128xi32>
    %shift_left3A = arith.constant 16 : i32
    %shift_left3A_2 = vector.broadcast %shift_left3A : i32 to vector<2048x128xi32>
    %shift_left3A_3 = arith.shli %get3A_1, %shift_left3A_2 : vector<2048x128xi32>
    %bitcast_convert_type3A = tpu.bitcast %shift_left3A_3 : vector<2048x128xi32> -> vector<2048x128xf32>
    %and3A = arith.constant -65536 : i32
    %and3A_4 = vector.broadcast %and3A : i32 to vector<2048x128xi32>
    %and3A_5 = arith.andi %get3A_1, %and3A_4 : vector<2048x128xi32>
    %bitcast_convert_type3A_6 = tpu.bitcast %and3A_5 : vector<2048x128xi32> -> vector<2048x128xf32>
    %get3A_7 = arith.constant 0 : index
    %get3A_8 = arith.constant 0 : index
    %get3A_9 = vector.load %arg4[%get3A_7, %get3A_8] : memref<2048x32xf32, #tpu.memory_space<vmem>>, vector<2048x32xf32>
    %get3A_10 = arith.constant 0 : index
    %get3A_11 = arith.constant 0 : index
    %get3A_12 = vector.load %arg5[%get3A_10, %get3A_11] : memref<128x32xf32, #tpu.memory_space<vmem>>, vector<128x32xf32>
    %get3A_13 = arith.constant 0 : index
    %get3A_14 = arith.constant 0 : index
    %get3A_15 = arith.constant 0 : index
    %get3A_16 = arith.constant 0 : index
    %get3A_17 = vector.load %arg3[%get3A_13, %get3A_14, %get3A_15, %get3A_16] : memref<128x1x2x128xf32, #tpu.memory_space<vmem>>, vector<128x1x2x128xf32>
    %slice3A = vector.extract_strided_slice %get3A_17 {offsets = [0, 0, 0, 0], sizes = [128, 1, 1, 128], strides = [1, 1, 1, 1]} : vector<128x1x2x128xf32> to vector<128x1x1x128xf32>
    %squeeze3A = vector.shape_cast %slice3A : vector<128x1x1x128xf32> to vector<128x128xf32>
    %reshape3A = vector.shape_cast %squeeze3A : vector<128x128xf32> to vector<128x1x128xf32>
    %broadcast_in_dim3A = vector.shape_cast %reshape3A : vector<128x1x128xf32> to vector<128x1x128xf32>
    %broadcast_in_dim3A_18 = vector.broadcast %broadcast_in_dim3A : vector<128x1x128xf32> to vector<128x16x128xf32>
    %reshape3A_19 = vector.shape_cast %broadcast_in_dim3A_18 : vector<128x16x128xf32> to vector<2048x128xf32>
    %mul3A = arith.mulf %reshape3A_19, %bitcast_convert_type3A : vector<2048x128xf32>
    %dot_general3A = arith.constant dense<0.000000e+00> : vector<128x32xf32>
    %dot_general3A_20 = tpu.matmul %mul3A, %get3A_9, %dot_general3A {dimension_numbers = #tpu.dot_dimension_numbers<[0], [0], [1], [1], [0, 1, 1, 1], [], []>, transpose_lhs_hint = false} : vector<2048x128xf32>, vector<2048x32xf32>, vector<128x32xf32> -> vector<128x32xf32>
    %dot_general3A_21 = arith.constant dense<0.000000e+00> : vector<128x32xf32>
    %dot_general3A_22 = tpu.matmul %squeeze3A, %get3A_12, %dot_general3A_21 {dimension_numbers = #tpu.dot_dimension_numbers<[0], [0], [1], [1], [0, 1, 1, 1], [], []>, transpose_lhs_hint = false} : vector<128x128xf32>, vector<128x32xf32>, vector<128x32xf32> -> vector<128x32xf32>
    %add3A = arith.addf %dot_general3A_20, %dot_general3A_22 : vector<128x32xf32>
    %eq3A = arith.constant 0 : i32
    %eq3A_23 = arith.cmpi eq, %arg1, %eq3A : i32
    %convert_element_type3A = arith.extui %eq3A_23 : i1 to i32
    %cond3A = arith.constant 0 : i32
    %cond3A_24 = arith.cmpi ne, %convert_element_type3A, %cond3A : i32
    scf.if %cond3A_24 {
      %get3A_51 = arith.constant 0 : index
      %get3A_52 = arith.constant 0 : index
      %get3A_53 = arith.constant 0 : index
      %get3A_54 = arith.constant 0 : index
      %get3A_55 = vector.load %arg6[%get3A_51, %get3A_52, %get3A_53, %get3A_54] : memref<1x2x128x32xf32, #tpu.memory_space<vmem>>, vector<1x1x128x32xf32>
      %get3A_56 = vector.shape_cast %get3A_55 : vector<1x1x128x32xf32> to vector<128x32xf32>
      %add3A_57 = arith.addf %get3A_56, %add3A : vector<128x32xf32>
      %swap3A = arith.constant 0 : index
      %swap3A_58 = arith.constant 0 : index
      %swap3A_59 = arith.constant 0 : index
      %swap3A_60 = arith.constant 0 : index
      %swap3A_61 = vector.load %arg7[%swap3A, %swap3A_58, %swap3A_59, %swap3A_60] : memref<1x2x128x32xf32, #tpu.memory_space<vmem>>, vector<1x1x128x32xf32>
      %swap3A_62 = vector.shape_cast %swap3A_61 : vector<1x1x128x32xf32> to vector<128x32xf32>
      %swap3A_63 = vector.shape_cast %add3A_57 : vector<128x32xf32> to vector<1x1x128x32xf32>
      tpu.vector_store %arg7[%swap3A, %swap3A_58, %swap3A_59, %swap3A_60], %swap3A_63 {strides = array<i32>} : memref<1x2x128x32xf32, #tpu.memory_space<vmem>>, vector<1x1x128x32xf32>,
    } else {
    }
    %gt3A = arith.constant 0 : i32
    %gt3A_25 = arith.cmpi sgt, %arg1, %gt3A : i32
    %convert_element_type3A_26 = arith.extui %gt3A_25 : i1 to i32
    %cond3A_27 = arith.constant 0 : i32
    %cond3A_28 = arith.cmpi ne, %convert_element_type3A_26, %cond3A_27 : i32
    scf.if %cond3A_28 {
      %get3A_51 = arith.constant 0 : index
      %get3A_52 = arith.constant 0 : index
      %get3A_53 = arith.constant 0 : index
      %get3A_54 = arith.constant 0 : index
      %get3A_55 = vector.load %arg7[%get3A_51, %get3A_52, %get3A_53, %get3A_54] : memref<1x2x128x32xf32, #tpu.memory_space<vmem>>, vector<1x1x128x32xf32>
      %get3A_56 = vector.shape_cast %get3A_55 : vector<1x1x128x32xf32> to vector<128x32xf32>
      %add3A_57 = arith.addf %get3A_56, %add3A : vector<128x32xf32>
      %swap3A = arith.constant 0 : index
      %swap3A_58 = arith.constant 0 : index
      %swap3A_59 = arith.constant 0 : index
      %swap3A_60 = arith.constant 0 : index
      %swap3A_61 = vector.load %arg7[%swap3A, %swap3A_58, %swap3A_59, %swap3A_60] : memref<1x2x128x32xf32, #tpu.memory_space<vmem>>, vector<1x1x128x32xf32>
      %swap3A_62 = vector.shape_cast %swap3A_61 : vector<1x1x128x32xf32> to vector<128x32xf32>
      %swap3A_63 = vector.shape_cast %add3A_57 : vector<128x32xf32> to vector<1x1x128x32xf32>
      tpu.vector_store %arg7[%swap3A, %swap3A_58, %swap3A_59, %swap3A_60], %swap3A_63 {strides = array<i32>} : memref<1x2x128x32xf32, #tpu.memory_space<vmem>>, vector<1x1x128x32xf32>,
    } else {
    }
    %slice3A_29 = vector.extract_strided_slice %get3A_17 {offsets = [0, 0, 1, 0], sizes = [128, 1, 1, 128], strides = [1, 1, 1, 1]} : vector<128x1x2x128xf32> to vector<128x1x1x128xf32>
    %squeeze3A_30 = vector.shape_cast %slice3A_29 : vector<128x1x1x128xf32> to vector<128x128xf32>
    %reshape3A_31 = vector.shape_cast %squeeze3A_30 : vector<128x128xf32> to vector<128x1x128xf32>
    %broadcast_in_dim3A_32 = vector.shape_cast %reshape3A_31 : vector<128x1x128xf32> to vector<128x1x128xf32>
    %broadcast_in_dim3A_33 = vector.broadcast %broadcast_in_dim3A_32 : vector<128x1x128xf32> to vector<128x16x128xf32>
    %reshape3A_34 = vector.shape_cast %broadcast_in_dim3A_33 : vector<128x16x128xf32> to vector<2048x128xf32>
    %mul3A_35 = arith.mulf %reshape3A_34, %bitcast_convert_type3A_6 : vector<2048x128xf32>
    %dot_general3A_36 = arith.constant dense<0.000000e+00> : vector<128x32xf32>
    %dot_general3A_37 = tpu.matmul %mul3A_35, %get3A_9, %dot_general3A_36 {dimension_numbers = #tpu.dot_dimension_numbers<[0], [0], [1], [1], [0, 1, 1, 1], [], []>, transpose_lhs_hint = false} : vector<2048x128xf32>, vector<2048x32xf32>, vector<128x32xf32> -> vector<128x32xf32>
    %dot_general3A_38 = arith.constant dense<0.000000e+00> : vector<128x32xf32>
    %dot_general3A_39 = tpu.matmul %squeeze3A_30, %get3A_12, %dot_general3A_38 {dimension_numbers = #tpu.dot_dimension_numbers<[0], [0], [1], [1], [0, 1, 1, 1], [], []>, transpose_lhs_hint = false} : vector<128x128xf32>, vector<128x32xf32>, vector<128x32xf32> -> vector<128x32xf32>
    %add3A_40 = arith.addf %dot_general3A_37, %dot_general3A_39 : vector<128x32xf32>
    %eq3A_41 = arith.constant 0 : i32
    %eq3A_42 = arith.cmpi eq, %arg1, %eq3A_41 : i32
    %convert_element_type3A_43 = arith.extui %eq3A_42 : i1 to i32
    %cond3A_44 = arith.constant 0 : i32
    %cond3A_45 = arith.cmpi ne, %convert_element_type3A_43, %cond3A_44 : i32
    scf.if %cond3A_45 {
      %get3A_51 = arith.constant 0 : index
      %get3A_52 = arith.constant 1 : index
      %get3A_53 = arith.constant 0 : index
      %get3A_54 = arith.constant 0 : index
      %get3A_55 = vector.load %arg6[%get3A_51, %get3A_52, %get3A_53, %get3A_54] : memref<1x2x128x32xf32, #tpu.memory_space<vmem>>, vector<1x1x128x32xf32>
      %get3A_56 = vector.shape_cast %get3A_55 : vector<1x1x128x32xf32> to vector<128x32xf32>
      %add3A_57 = arith.addf %get3A_56, %add3A_40 : vector<128x32xf32>
      %swap3A = arith.constant 0 : index
      %swap3A_58 = arith.constant 1 : index
      %swap3A_59 = arith.constant 0 : index
      %swap3A_60 = arith.constant 0 : index
      %swap3A_61 = vector.load %arg7[%swap3A, %swap3A_58, %swap3A_59, %swap3A_60] : memref<1x2x128x32xf32, #tpu.memory_space<vmem>>, vector<1x1x128x32xf32>
      %swap3A_62 = vector.shape_cast %swap3A_61 : vector<1x1x128x32xf32> to vector<128x32xf32>
      %swap3A_63 = vector.shape_cast %add3A_57 : vector<128x32xf32> to vector<1x1x128x32xf32>
      tpu.vector_store %arg7[%swap3A, %swap3A_58, %swap3A_59, %swap3A_60], %swap3A_63 {strides = array<i32>} : memref<1x2x128x32xf32, #tpu.memory_space<vmem>>, vector<1x1x128x32xf32>,
    } else {
    }
    %gt3A_46 = arith.constant 0 : i32
    %gt3A_47 = arith.cmpi sgt, %arg1, %gt3A_46 : i32
    %convert_element_type3A_48 = arith.extui %gt3A_47 : i1 to i32
    %cond3A_49 = arith.constant 0 : i32
    %cond3A_50 = arith.cmpi ne, %convert_element_type3A_48, %cond3A_49 : i32
    scf.if %cond3A_50 {
      %get3A_51 = arith.constant 0 : index
      %get3A_52 = arith.constant 1 : index
      %get3A_53 = arith.constant 0 : index
      %get3A_54 = arith.constant 0 : index
      %get3A_55 = vector.load %arg7[%get3A_51, %get3A_52, %get3A_53, %get3A_54] : memref<1x2x128x32xf32, #tpu.memory_space<vmem>>, vector<1x1x128x32xf32>
      %get3A_56 = vector.shape_cast %get3A_55 : vector<1x1x128x32xf32> to vector<128x32xf32>
      %add3A_57 = arith.addf %get3A_56, %add3A_40 : vector<128x32xf32>
      %swap3A = arith.constant 0 : index
      %swap3A_58 = arith.constant 1 : index
      %swap3A_59 = arith.constant 0 : index
      %swap3A_60 = arith.constant 0 : index
      %swap3A_61 = vector.load %arg7[%swap3A, %swap3A_58, %swap3A_59, %swap3A_60] : memref<1x2x128x32xf32, #tpu.memory_space<vmem>>, vector<1x1x128x32xf32>
      %swap3A_62 = vector.shape_cast %swap3A_61 : vector<1x1x128x32xf32> to vector<128x32xf32>
      %swap3A_63 = vector.shape_cast %add3A_57 : vector<128x32xf32> to vector<1x1x128x32xf32>
      tpu.vector_store %arg7[%swap3A, %swap3A_58, %swap3A_59, %swap3A_60], %swap3A_63 {strides = array<i32>} : memref<1x2x128x32xf32, #tpu.memory_space<vmem>>, vector<1x1x128x32xf32>,
    } else {
    }
    return
  }
  func.func @transform_0(%arg0: i32, %arg1: i32) -> (i32, i32) {
    %c0_i32 = arith.constant 0 : i32
    return %arg1, %arg0 : i32, i32
  }
  func.func @transform_1(%arg0: i32, %arg1: i32) -> (i32, i32, i32, i32) {
    %add3A = arith.constant 0 : i32
    %add3A_0 = arith.addi %arg1, %add3A : i32
    %c0_i32 = arith.constant 0 : i32
    %c0_i32_1 = arith.constant 0 : i32
    %c0_i32_2 = arith.constant 0 : i32
    return %add3A_0, %arg0, %c0_i32, %c0_i32_1 : i32, i32, i32, i32
  }
  func.func @transform_2(%arg0: i32, %arg1: i32) -> (i32, i32) {
    %add3A = arith.constant 0 : i32
    %add3A_0 = arith.addi %arg1, %add3A : i32
    %c0_i32 = arith.constant 0 : i32
    %c0_i32_1 = arith.constant 0 : i32
    return %add3A_0, %c0_i32 : i32, i32
  }
  func.func @transform_3(%arg0: i32, %arg1: i32) -> (i32, i32) {
    %add3A = arith.constant 0 : i32
    %add3A_0 = arith.addi %arg1, %add3A : i32
    %c0_i32 = arith.constant 0 : i32
    %c0_i32_1 = arith.constant 0 : i32
    return %add3A_0, %c0_i32 : i32, i32
  }
  func.func @transform_4(%arg0: i32, %arg1: i32) -> (i32, i32, i32, i32) {
    %c0_i32 = arith.constant 0 : i32
    %c0_i32_0 = arith.constant 0 : i32
    %c0_i32_1 = arith.constant 0 : i32
    %c0_i32_2 = arith.constant 0 : i32
    return %arg0, %c0_i32, %c0_i32_0, %c0_i32_1 : i32, i32, i32, i32
  }
  func.func @transform_5(%arg0: i32, %arg1: i32) -> (i32, i32, i32, i32) {
    %c0_i32 = arith.constant 0 : i32
    %c0_i32_0 = arith.constant 0 : i32
    %c0_i32_1 = arith.constant 0 : i32
    %c0_i32_2 = arith.constant 0 : i32
    return %arg0, %c0_i32, %c0_i32_0, %c0_i32_1 : i32, i32, i32, i32
  }
}

module attributes {stable_mosaic.version = 14 : i64} {
  func.func @_main_kernel(%arg0: i32, %arg1: i32, %arg2: memref<2048x128xi32, #tpu.memory_space<vmem>>, %arg3: memref<128x1x2x128xf32, #tpu.memory_space<vmem>>, %arg4: memref<2048x32xf32, #tpu.memory_space<vmem>>, %arg5: memref<128x32xf32, #tpu.memory_space<vmem>>, %arg6: memref<1x2x128x32xf32, #tpu.memory_space<vmem>>, %arg7: memref<1x2x128x32xf32, #tpu.memory_space<vmem>>) attributes {dimension_semantics = [#tpu.dimension_semantics<arbitrary>, #tpu.dimension_semantics<arbitrary>], iteration_bounds = array<i64: 8, 4>, scalar_prefetch = 0 : i64, scratch_operands = 0 : i64, tpu.core_type = #tpu.core_type<tc>, window_params = [{transform_indices = @transform_0, window_bounds = array<i64: 2048, 128>}, {transform_indices = @transform_1, window_bounds = array<i64: 128, 1, 2, 128>}, {transform_indices = @transform_2, window_bounds = array<i64: 2048, 32>}, {transform_indices = @transform_3, window_bounds = array<i64: 128, 32>}, {transform_indices = @transform_4, window_bounds = array<i64: 1, 2, 128, 32>}, {transform_indices = @transform_5, window_bounds = array<i64: 1, 2, 128, 32>}]} {
    %get3A = arith.constant 0 : index
    %get3A_0 = arith.constant 0 : index
    %get3A_1 = vector.load %arg2[%get3A, %get3A_0] : memref<2048x128xi32, #tpu.memory_space<vmem>>, vector<2048x128xi32>
    %shift_left3A = arith.constant 16 : i32
    %shift_left3A_2 = vector.broadcast %shift_left3A : i32 to vector<2048x128xi32>
    %shift_left3A_3 = arith.shli %get3A_1, %shift_left3A_2 : vector<2048x128xi32>
    %bitcast_convert_type3A = tpu.bitcast %shift_left3A_3 : vector<2048x128xi32> -> vector<2048x128xf32>
    %and3A = arith.constant -65536 : i32
    %and3A_4 = vector.broadcast %and3A : i32 to vector<2048x128xi32>
    %and3A_5 = arith.andi %get3A_1, %and3A_4 : vector<2048x128xi32>
    %bitcast_convert_type3A_6 = tpu.bitcast %and3A_5 : vector<2048x128xi32> -> vector<2048x128xf32>
    %get3A_7 = arith.constant 0 : index
    %get3A_8 = arith.constant 0 : index
    %get3A_9 = vector.load %arg4[%get3A_7, %get3A_8] : memref<2048x32xf32, #tpu.memory_space<vmem>>, vector<2048x32xf32>
    %get3A_10 = arith.constant 0 : index
    %get3A_11 = arith.constant 0 : index
    %get3A_12 = vector.load %arg5[%get3A_10, %get3A_11] : memref<128x32xf32, #tpu.memory_space<vmem>>, vector<128x32xf32>
    %get3A_13 = arith.constant 0 : index
    %get3A_14 = arith.constant 0 : index
    %get3A_15 = arith.constant 0 : index
    %get3A_16 = arith.constant 0 : index
    %get3A_17 = vector.load %arg3[%get3A_13, %get3A_14, %get3A_15, %get3A_16] : memref<128x1x2x128xf32, #tpu.memory_space<vmem>>, vector<128x1x2x128xf32>
    %slice3A = vector.extract_strided_slice %get3A_17 {offsets = [0, 0, 0, 0], sizes = [128, 1, 1, 128], strides = [1, 1, 1, 1]} : vector<128x1x2x128xf32> to vector<128x1x1x128xf32>
    %squeeze3A = vector.shape_cast %slice3A : vector<128x1x1x128xf32> to vector<128x128xf32>
    %reshape3A = vector.shape_cast %squeeze3A : vector<128x128xf32> to vector<128x1x128xf32>
    %broadcast_in_dim3A = vector.shape_cast %reshape3A : vector<128x1x128xf32> to vector<128x1x128xf32>
    %broadcast_in_dim3A_18 = vector.broadcast %broadcast_in_dim3A : vector<128x1x128xf32> to vector<128x16x128xf32>
    %reshape3A_19 = vector.shape_cast %broadcast_in_dim3A_18 : vector<128x16x128xf32> to vector<2048x128xf32>
    %mul3A = arith.mulf %reshape3A_19, %bitcast_convert_type3A : vector<2048x128xf32>
    %dot_general3A = arith.constant dense<0.000000e+00> : vector<128x32xf32>
    %dot_general3A_20 = tpu.matmul %mul3A, %get3A_9, %dot_general3A {dimension_numbers = #tpu.dot_dimension_numbers<[0], [0], [1], [1], [0, 1, 1, 1], [], []>, transpose_lhs_hint = false} : vector<2048x128xf32>, vector<2048x32xf32>, vector<128x32xf32> -> vector<128x32xf32>
    %dot_general3A_21 = arith.constant dense<0.000000e+00> : vector<128x32xf32>
    %dot_general3A_22 = tpu.matmul %squeeze3A, %get3A_12, %dot_general3A_21 {dimension_numbers = #tpu.dot_dimension_numbers<[0], [0], [1], [1], [0, 1, 1, 1], [], []>, transpose_lhs_hint = false} : vector<128x128xf32>, vector<128x32xf32>, vector<128x32xf32> -> vector<128x32xf32>
    %add3A = arith.addf %dot_general3A_20, %dot_general3A_22 : vector<128x32xf32>
    %eq3A = arith.constant 0 : i32
    %eq3A_23 = arith.cmpi eq, %arg1, %eq3A : i32
    %convert_element_type3A = arith.extui %eq3A_23 : i1 to i32
    %cond3A = arith.constant 0 : i32
    %cond3A_24 = arith.cmpi ne, %convert_element_type3A, %cond3A : i32
    scf.if %cond3A_24 {
      %get3A_51 = arith.constant 0 : index
      %get3A_52 = arith.constant 0 : index
      %get3A_53 = arith.constant 0 : index
      %get3A_54 = arith.constant 0 : index
      %get3A_55 = vector.load %arg6[%get3A_51, %get3A_52, %get3A_53, %get3A_54] : memref<1x2x128x32xf32, #tpu.memory_space<vmem>>, vector<1x1x128x32xf32>
      %get3A_56 = vector.shape_cast %get3A_55 : vector<1x1x128x32xf32> to vector<128x32xf32>
      %add3A_57 = arith.addf %get3A_56, %add3A : vector<128x32xf32>
      %swap3A = arith.constant 0 : index
      %swap3A_58 = arith.constant 0 : index
      %swap3A_59 = arith.constant 0 : index
      %swap3A_60 = arith.constant 0 : index
      %swap3A_61 = vector.load %arg7[%swap3A, %swap3A_58, %swap3A_59, %swap3A_60] : memref<1x2x128x32xf32, #tpu.memory_space<vmem>>, vector<1x1x128x32xf32>
      %swap3A_62 = vector.shape_cast %swap3A_61 : vector<1x1x128x32xf32> to vector<128x32xf32>
      %swap3A_63 = vector.shape_cast %add3A_57 : vector<128x32xf32> to vector<1x1x128x32xf32>
      tpu.vector_store %arg7[%swap3A, %swap3A_58, %swap3A_59, %swap3A_60], %swap3A_63 {strides = array<i32>} : memref<1x2x128x32xf32, #tpu.memory_space<vmem>>, vector<1x1x128x32xf32>,
    } else {
    }
    %gt3A = arith.constant 0 : i32
    %gt3A_25 = arith.cmpi sgt, %arg1, %gt3A : i32
    %convert_element_type3A_26 = arith.extui %gt3A_25 : i1 to i32
    %cond3A_27 = arith.constant 0 : i32
    %cond3A_28 = arith.cmpi ne, %convert_element_type3A_26, %cond3A_27 : i32
    scf.if %cond3A_28 {
      %get3A_51 = arith.constant 0 : index
      %get3A_52 = arith.constant 0 : index
      %get3A_53 = arith.constant 0 : index
      %get3A_54 = arith.constant 0 : index
      %get3A_55 = vector.load %arg7[%get3A_51, %get3A_52, %get3A_53, %get3A_54] : memref<1x2x128x32xf32, #tpu.memory_space<vmem>>, vector<1x1x128x32xf32>
      %get3A_56 = vector.shape_cast %get3A_55 : vector<1x1x128x32xf32> to vector<128x32xf32>
      %add3A_57 = arith.addf %get3A_56, %add3A : vector<128x32xf32>
      %swap3A = arith.constant 0 : index
      %swap3A_58 = arith.constant 0 : index
      %swap3A_59 = arith.constant 0 : index
      %swap3A_60 = arith.constant 0 : index
      %swap3A_61 = vector.load %arg7[%swap3A, %swap3A_58, %swap3A_59, %swap3A_60] : memref<1x2x128x32xf32, #tpu.memory_space<vmem>>, vector<1x1x128x32xf32>
      %swap3A_62 = vector.shape_cast %swap3A_61 : vector<1x1x128x32xf32> to vector<128x32xf32>
      %swap3A_63 = vector.shape_cast %add3A_57 : vector<128x32xf32> to vector<1x1x128x32xf32>
      tpu.vector_store %arg7[%swap3A, %swap3A_58, %swap3A_59, %swap3A_60], %swap3A_63 {strides = array<i32>} : memref<1x2x128x32xf32, #tpu.memory_space<vmem>>, vector<1x1x128x32xf32>,
    } else {
    }
    %slice3A_29 = vector.extract_strided_slice %get3A_17 {offsets = [0, 0, 1, 0], sizes = [128, 1, 1, 128], strides = [1, 1, 1, 1]} : vector<128x1x2x128xf32> to vector<128x1x1x128xf32>
    %squeeze3A_30 = vector.shape_cast %slice3A_29 : vector<128x1x1x128xf32> to vector<128x128xf32>
    %reshape3A_31 = vector.shape_cast %squeeze3A_30 : vector<128x128xf32> to vector<128x1x128xf32>
    %broadcast_in_dim3A_32 = vector.shape_cast %reshape3A_31 : vector<128x1x128xf32> to vector<128x1x128xf32>
    %broadcast_in_dim3A_33 = vector.broadcast %broadcast_in_dim3A_32 : vector<128x1x128xf32> to vector<128x16x128xf32>
    %reshape3A_34 = vector.shape_cast %broadcast_in_dim3A_33 : vector<128x16x128xf32> to vector<2048x128xf32>
    %mul3A_35 = arith.mulf %reshape3A_34, %bitcast_convert_type3A_6 : vector<2048x128xf32>
    %dot_general3A_36 = arith.constant dense<0.000000e+00> : vector<128x32xf32>
    %dot_general3A_37 = tpu.matmul %mul3A_35, %get3A_9, %dot_general3A_36 {dimension_numbers = #tpu.dot_dimension_numbers<[0], [0], [1], [1], [0, 1, 1, 1], [], []>, transpose_lhs_hint = false} : vector<2048x128xf32>, vector<2048x32xf32>, vector<128x32xf32> -> vector<128x32xf32>
    %dot_general3A_38 = arith.constant dense<0.000000e+00> : vector<128x32xf32>
    %dot_general3A_39 = tpu.matmul %squeeze3A_30, %get3A_12, %dot_general3A_38 {dimension_numbers = #tpu.dot_dimension_numbers<[0], [0], [1], [1], [0, 1, 1, 1], [], []>, transpose_lhs_hint = false} : vector<128x128xf32>, vector<128x32xf32>, vector<128x32xf32> -> vector<128x32xf32>
    %add3A_40 = arith.addf %dot_general3A_37, %dot_general3A_39 : vector<128x32xf32>
    %eq3A_41 = arith.constant 0 : i32
    %eq3A_42 = arith.cmpi eq, %arg1, %eq3A_41 : i32
    %convert_element_type3A_43 = arith.extui %eq3A_42 : i1 to i32
    %cond3A_44 = arith.constant 0 : i32
    %cond3A_45 = arith.cmpi ne, %convert_element_type3A_43, %cond3A_44 : i32
    scf.if %cond3A_45 {
      %get3A_51 = arith.constant 0 : index
      %get3A_52 = arith.constant 1 : index
      %get3A_53 = arith.constant 0 : index
      %get3A_54 = arith.constant 0 : index
      %get3A_55 = vector.load %arg6[%get3A_51, %get3A_52, %get3A_53, %get3A_54] : memref<1x2x128x32xf32, #tpu.memory_space<vmem>>, vector<1x1x128x32xf32>
      %get3A_56 = vector.shape_cast %get3A_55 : vector<1x1x128x32xf32> to vector<128x32xf32>
      %add3A_57 = arith.addf %get3A_56, %add3A_40 : vector<128x32xf32>
      %swap3A = arith.constant 0 : index
      %swap3A_58 = arith.constant 1 : index
      %swap3A_59 = arith.constant 0 : index
      %swap3A_60 = arith.constant 0 : index
      %swap3A_61 = vector.load %arg7[%swap3A, %swap3A_58, %swap3A_59, %swap3A_60] : memref<1x2x128x32xf32, #tpu.memory_space<vmem>>, vector<1x1x128x32xf32>
      %swap3A_62 = vector.shape_cast %swap3A_61 : vector<1x1x128x32xf32> to vector<128x32xf32>
      %swap3A_63 = vector.shape_cast %add3A_57 : vector<128x32xf32> to vector<1x1x128x32xf32>
      tpu.vector_store %arg7[%swap3A, %swap3A_58, %swap3A_59, %swap3A_60], %swap3A_63 {strides = array<i32>} : memref<1x2x128x32xf32, #tpu.memory_space<vmem>>, vector<1x1x128x32xf32>,
    } else {
    }
    %gt3A_46 = arith.constant 0 : i32
    %gt3A_47 = arith.cmpi sgt, %arg1, %gt3A_46 : i32
    %convert_element_type3A_48 = arith.extui %gt3A_47 : i1 to i32
    %cond3A_49 = arith.constant 0 : i32
    %cond3A_50 = arith.cmpi ne, %convert_element_type3A_48, %cond3A_49 : i32
    scf.if %cond3A_50 {
      %get3A_51 = arith.constant 0 : index
      %get3A_52 = arith.constant 1 : index
      %get3A_53 = arith.constant 0 : index
      %get3A_54 = arith.constant 0 : index
      %get3A_55 = vector.load %arg7[%get3A_51, %get3A_52, %get3A_53, %get3A_54] : memref<1x2x128x32xf32, #tpu.memory_space<vmem>>, vector<1x1x128x32xf32>
      %get3A_56 = vector.shape_cast %get3A_55 : vector<1x1x128x32xf32> to vector<128x32xf32>
      %add3A_57 = arith.addf %get3A_56, %add3A_40 : vector<128x32xf32>
      %swap3A = arith.constant 0 : index
      %swap3A_58 = arith.constant 1 : index
      %swap3A_59 = arith.constant 0 : index
      %swap3A_60 = arith.constant 0 : index
      %swap3A_61 = vector.load %arg7[%swap3A, %swap3A_58, %swap3A_59, %swap3A_60] : memref<1x2x128x32xf32, #tpu.memory_space<vmem>>, vector<1x1x128x32xf32>
      %swap3A_62 = vector.shape_cast %swap3A_61 : vector<1x1x128x32xf32> to vector<128x32xf32>
      %swap3A_63 = vector.shape_cast %add3A_57 : vector<128x32xf32> to vector<1x1x128x32xf32>
      tpu.vector_store %arg7[%swap3A, %swap3A_58, %swap3A_59, %swap3A_60], %swap3A_63 {strides = array<i32>} : memref<1x2x128x32xf32, #tpu.memory_space<vmem>>, vector<1x1x128x32xf32>,
    } else {
    }
    return
  }
  func.func @transform_0(%arg0: i32, %arg1: i32) -> (i32, i32) {
    %c0_i32 = arith.constant 0 : i32
    return %arg1, %arg0 : i32, i32
  }
  func.func @transform_1(%arg0: i32, %arg1: i32) -> (i32, i32, i32, i32) {
    %add3A = arith.constant 4 : i32
    %add3A_0 = arith.addi %arg1, %add3A : i32
    %c0_i32 = arith.constant 0 : i32
    %c0_i32_1 = arith.constant 0 : i32
    %c0_i32_2 = arith.constant 0 : i32
    return %add3A_0, %arg0, %c0_i32, %c0_i32_1 : i32, i32, i32, i32
  }
  func.func @transform_2(%arg0: i32, %arg1: i32) -> (i32, i32) {
    %add3A = arith.constant 4 : i32
    %add3A_0 = arith.addi %arg1, %add3A : i32
    %c0_i32 = arith.constant 0 : i32
    %c0_i32_1 = arith.constant 0 : i32
    return %add3A_0, %c0_i32 : i32, i32
  }
  func.func @transform_3(%arg0: i32, %arg1: i32) -> (i32, i32) {
    %add3A = arith.constant 4 : i32
    %add3A_0 = arith.addi %arg1, %add3A : i32
    %c0_i32 = arith.constant 0 : i32
    %c0_i32_1 = arith.constant 0 : i32
    return %add3A_0, %c0_i32 : i32, i32
  }
  func.func @transform_4(%arg0: i32, %arg1: i32) -> (i32, i32, i32, i32) {
    %c0_i32 = arith.constant 0 : i32
    %c0_i32_0 = arith.constant 0 : i32
    %c0_i32_1 = arith.constant 0 : i32
    %c0_i32_2 = arith.constant 0 : i32
    return %arg0, %c0_i32, %c0_i32_0, %c0_i32_1 : i32, i32, i32, i32
  }
  func.func @transform_5(%arg0: i32, %arg1: i32) -> (i32, i32, i32, i32) {
    %c0_i32 = arith.constant 0 : i32
    %c0_i32_0 = arith.constant 0 : i32
    %c0_i32_1 = arith.constant 0 : i32
    %c0_i32_2 = arith.constant 0 : i32
    return %arg0, %c0_i32, %c0_i32_0, %c0_i32_1 : i32, i32, i32, i32
  }
}

</mosaic_0001>

<sc_bundles>
// kernel: kernel.12.cloned.1.call-start
scs
__scs_entry_jumppad:
0x0: {  	(pc) =	sbr.rel $0x88, $3  }
0x1: {  	(tag) =	ssettag $0x0;
	lr =	simm.s32 $0x1  }
0x2: {  	[smem:$0x3F9D] =	sst lr;
	_ =	strace $0xD0000000  }
0x3: {  	_ = 	snop  }
0x4: {  	_ = 	snop  }
0x5: {  	_ = 	snop  }
0x6: {  	_ = 	snop  }
0x7: {  	_ = 	snop  }
__scs_overlays_trampoline_lowered:
0x8: {  	[smem:$0x3FAC] =	sst s0  }
0x9: {  	[smem:$0x3FAD] =	sst s1  }
0xa: {  	[smem:$0x3FAE] =	sst s2  }
0xb: {  	[smem:$0x3FAF] =	sst s3  }
0xc: {  	[smem:$0x3FB0] =	sst s4  }
0xd: {  	[smem:$0x3FB1] =	sst s5  }
0xe: {  	[smem:$0x3FB2] =	sst s6  }
0xf: {  	[smem:$0x3FB3] =	sst s7  }
0x10: {  	[smem:$0x3FB4] =	sst s8  }
0x11: {  	[smem:$0x3FB5] =	sst s9;
	s0 =	simm.s32 @!p0 $0x0  }
0x12: {  	s1 =	sld [smem:$0x3F9B];
	s0 =	simm.s32 @p0 $0x1  }
0x13: {  	[smem:$0x3FB6] =	sst s0;
	s0 =	simm.s32 @!p1 $0x0  }
0x14: {  	s2 =	sld [smem:$0x3F9A];
	s0 =	simm.s32 @p1 $0x1  }
0x15: {  	[smem:$0x3FB7] =	sst s0;
	s0 =	simm.s32 @!p2 $0x0  }
0x16: {  	s3 =	sld [smem:$0x3FDB];
	s0 =	simm.s32 @p2 $0x1  }
0x17: {  	s4 =	simm.s32 $0x1BF5;
	[smem:$0x3FB9] =	sst s0  }
0x18: {  	s0 =	sld [smem:$0x3F9C];
	_ =	swait.ge [sflag:s4], $0x0  }
0x19: {  	s7 =	sld [smem:$0x3F9D]  }
0x1a: {  	s8 =	sadd.s32 $0xFFFFE003, lr  }
0x1b: {  	s9 =	sadd.s32 $0xFFFFFEF7, lr;
	s5 =	simm.s32 $0xFFFFFFFF;
	p2 =	slt.u32 s8, $0xFFFFF086  }
0x1c: {  	p1 =	slt.u32 s9, $0xF7A;
	s5 =	simm.s32 @!p2 $0x0  }
0x1d: {  	s5 =	simm.s32 @p1 $0x1;
	p0 =	seq.s32 s7, s2  }
0x1e: {  	s7 =	smul.u32 @!p0 $0xF7A, s2;
	p2 =	seq.s32 @!p0 s5, $0x0  }
0x1f: {  	s9 =	smul.u32 $0xF7A, s1;
	s8 =	simm.s32 @!p0 $0x1BF5;
	p2 =	por !p2, p0  }
0x20: {  	[sflag:s8] =	ssyncset.s32 @!p0 $0xFFFFF086;
	s6 =	sadd.s32 @!p0 s3, s7;
	s7 =	simm.s32 @!p0 $0x108  }
0x21: {  	s3 =	sadd.s32 s3, s9;
	s6 =	sadd.s32 @!p0 $0x88, s6;
	s7 =	simm.s32 @p2 $0x1082  }
0x22: {  	[simem:s7], [sflag:s8] =	dma.local @!p0 [hbm:s6], $0xF7A  }
0x23: {  	s9 =	sor.u32 $0xD0000000, s2;
	s6 =	simm.s32 $0x108;
	_ =	swait.ge @!p0 [sflag:s8], $0x0  }
0x24: {  	s3 =	sadd.s32 $0x88, s3;
	s6 =	simm.s32 @!p1 $0x1082;
	[sflag:s4] =	ssyncset.s32 $0xFFFFF086  }
0x25: {  	[simem:s6], [sflag:s4] =	dma.local [hbm:s3], $0xF7A  }
0x26: {  	[smem:$0x3F9D] =	sst s1;
	(tag) =	ssettag s2;
	_ =	strace s9  }
0x27: {  	s1 =	sld [smem:$0x3FAD]  }
0x28: {  	s2 =	sld [smem:$0x3FAE]  }
0x29: {  	s4 =	sld [smem:$0x3FB0]  }
0x2a: {  	p0 =	seq.s32 s5, $0x0;
	s5 =	sld [smem:$0x3FB1]  }
0x2b: {  	s6 =	sld [smem:$0x3FB2]  }
0x2c: {  	s7 =	sld [smem:$0x3FB3]  }
0x2d: {  	s3 =	simm.s32 $0x108;
	s8 =	sld [smem:$0x3FB4]  }
0x2e: {  	s3 =	simm.s32 @!p0 $0x1082;
	s9 =	sld [smem:$0x3FB5]  }
0x2f: {  	lr =	sadd.s32 s0, s3;
	s0 =	sld [smem:$0x3FAC]  }
0x30: {  	s3 =	sld [smem:$0x3FAF]  }
0x31: {  	[smem:$0x3FB8] =	sst s10  }
0x32: {  	s10 =	sld [smem:$0x3FB6];
	_ =	sdelay $0x3  }
0x33: {  	p0 =	seq.s32 s10, $0x1;
	s10 =	sld [smem:$0x3FB8];
	_ =	sdelay $0x3  }
0x34: {  	[smem:$0x3FB8] =	sst s10  }
0x35: {  	s10 =	sld [smem:$0x3FB7];
	_ =	sdelay $0x3  }
0x36: {  	p1 =	seq.s32 s10, $0x1;
	s10 =	sld [smem:$0x3FB8];
	_ =	sdelay $0x3  }
0x37: {  	[smem:$0x3FB8] =	sst s10  }
0x38: {  	s10 =	sld [smem:$0x3FB9]  }
0x39: {  	_ = 	snop;
	(pc) =	sbr.ind lr, $3  }
0x3a: {  	_ = 	snop  }
0x3b: {  	_ = 	snop  }
0x3c: {  	p2 =	seq.s32 s10, $0x1;
	s10 =	sld [smem:$0x3FB8]  }
0x3d: {  	_ =	shalt  }
0x3e: {  	_ =	shalt  }
0x3f: {  	_ =	shalt  }
0x40: {  	_ =	shalt  }
0x41: {  	_ =	shalt  }
0x42: {  	_ =	shalt  }
0x43: {  	_ =	shalt  }
0x44: {  	_ =	shalt  }
0x45: {  	_ =	shalt  }
0x46: {  	_ =	shalt  }
0x47: {  	_ =	shalt  }
0x48: {  	_ =	shalt  }
0x49: {  	_ =	shalt  }
0x4a: {  	_ =	shalt  }
0x4b: {  	_ =	shalt  }
0x4c: {  	_ =	shalt  }
0x4d: {  	_ =	shalt  }
0x4e: {  	_ =	shalt  }
0x4f: {  	_ =	shalt  }
0x50: {  	_ =	shalt  }
0x51: {  	_ =	shalt  }
0x52: {  	_ =	shalt  }
0x53: {  	_ =	shalt  }
0x54: {  	_ =	shalt  }
0x55: {  	_ =	shalt  }
0x56: {  	_ =	shalt  }
0x57: {  	_ =	shalt  }
0x58: {  	_ =	shalt  }
0x59: {  	_ =	shalt  }
0x5a: {  	_ =	shalt  }
0x5b: {  	_ =	shalt  }
0x5c: {  	_ =	shalt  }
0x5d: {  	_ =	shalt  }
0x5e: {  	_ =	shalt  }
0x5f: {  	_ =	shalt  }
0x60: {  	_ =	shalt  }
0x61: {  	_ =	shalt  }
0x62: {  	_ =	shalt  }
0x63: {  	_ =	shalt  }
0x64: {  	_ =	shalt  }
0x65: {  	_ =	shalt  }
0x66: {  	_ =	shalt  }
0x67: {  	_ =	shalt  }
0x68: {  	_ =	shalt  }
0x69: {  	_ =	shalt  }
0x6a: {  	_ =	shalt  }
0x6b: {  	_ =	shalt  }
0x6c: {  	_ =	shalt  }
0x6d: {  	_ =	shalt  }
0x6e: {  	_ =	shalt  }
0x6f: {  	_ =	shalt  }
0x70: {  	_ =	shalt  }
0x71: {  	_ =	shalt  }
0x72: {  	_ =	shalt  }
0x73: {  	_ =	shalt  }
0x74: {  	_ =	shalt  }
0x75: {  	_ =	shalt  }
0x76: {  	_ =	shalt  }
0x77: {  	_ =	shalt  }
0x78: {  	_ =	shalt  }
0x79: {  	_ =	shalt  }
0x7a: {  	_ =	shalt  }
0x7b: {  	_ =	shalt  }
0x7c: {  	_ =	shalt  }
0x7d: {  	_ =	shalt  }
0x7e: {  	_ =	shalt  }
0x7f: {  	_ =	shalt  }
0x80: {  	_ =	shalt  }
0x81: {  	_ =	shalt  }
0x82: {  	_ =	shalt  }
0x83: {  	_ =	shalt  }
0x84: {  	_ =	shalt  }
0x85: {  	_ =	shalt  }
0x86: {  	_ =	shalt  }
0x87: {  	_ =	shalt  }
.Lfunc_end0:
.L_simem_size_0:
called_computation.1_lowered:
.L_overlay_start_0:
0x88: {  	s2 =	sld [smem:$0x3FD9]  }
0x89: {  	s3 =	sld [smem:$0x3FFE];
	_ =	sdelay $0x1  }
0x8a: {  	s1 =	srdreg.scid  }
0x8b: {  	s0 =	sand.u32 $0x1, s1  }
0x8c: {  	s17 =	sshll.u32 s0, $0xA;
	s2 =	sadd.s32 s3, s2  }
0x8d: {  	s2 =	sadd.s32 s2, s17  }
0x8e: {  	[smem:$0x3FC4] =	sst s2  }
0x8f: {  	_ = 	snop  }
0x90: {  	s18 =	sld [smem:$0x3FD0];
	(tm) =	ssettm $0x1  }
0x91: {  	s19 =	sld [smem:$0x3FFB];
	_ =	sdelay $0x3  }
0x92: {  	_ =	strace s19  }
0x93: {  	s2 =	sld [smem:$0x3FFC];
	_ =	sdelay $0x3  }
0x94: {  	_ =	strace s2  }
0x95: {  	s2 =	sld [smem:$0x3FFD];
	_ =	sdelay $0x3  }
0x96: {  	_ =	strace s2  }
0x97: {  	_ =	strace $0x8FFFFFFF  }
0x98: {  	s20 =	sld [smem:$0x3FDB];
	_ =	sdelay $0x1  }
0x99: {  	s4 =	simm.s32 $_scs_section_size  }
0x9a: {  	s5 =	simm.s32 $_size__tile_overlayer_lowered;
	s6 =	simm.s32 $_tile_overlayer_lowered  }
0x9b: {  	s7 =	simm.s32 $0x1BFF;
	s21 =	sshll.u32 s6, $0x1;
	s4 =	sadd.s32 s4, s20  }
0x9c: {  	s22 =	simm.s32 $0x0;
	s5 =	sshll.u32 s5, $0x1;
	s6 =	sadd.s32 s21, s4  }
0x9d: {  	[timem:s22], [sflag:s7] =	dma.local [hbm:s6], s5  }
0x9e: {  	_ =	swait.ge [sflag:s7], s5  }
0x9f: {  	s5 =	ssub.s32 $0x0, s5;
	[sflag:s7] =	ssyncset.done $0x0  }
0xa0: {  	[sflag:s7] =	ssyncadd.s32 s5;
	_ =	sdelay $0x1  }
0xa1: {  	s23 =	simm.s32 $0x1B8B  }
0xa2: {  	_ =	swait.ge [sflag:s23], $0x1  }
0xa3: {  	[sflag:s23] =	ssyncset.done $0x0  }
0xa4: {  	[sflag:s23] =	ssyncadd.s32 $0xFFFFFFFF  }
0xa5: {  	s5 =	sld [smem:$0x0]  }
0xa6: {  	s6 =	sand.u32 $0xFFFFFFFE, s1  }
0xa7: {  	p0 =	sne.s32 s1, s6  }
0xa8: {  	s6 =	sshll.u32 @p0 s6, $0xE  }
0xa9: {  	s6 =	sadd.s32 @p0 $0x11B8D, s6;
	s7 =	sshll.u32 @p0 s5, $0x11  }
0xaa: {  	s6 =	sor.u32 @p0 s7, s6  }
0xab: {  	[sflag:s6] =	ssyncadd.remote.s32 @p0 $0x1;
	_ =	sdelay $0x1  }
0xac: {  	s6 =	simm.s32 @p0 $0x1B8D  }
0xad: {  	_ =	swait.eq @p0 [sflag:s6], $0x1  }
0xae: {  	[sflag:s6] =	ssyncadd.s32 @p0 $0xFFFFFFFF  }
0xaf: {  	s7 =	sshll.u32 @!p0 s1, $0xE  }
0xb0: {  	s7 =	sor.u32 @!p0 $0x4000, s7;
	s6 =	simm.s32 @!p0 $0x1B8D  }
0xb1: {  	s5 =	sshll.u32 @!p0 s5, $0x11;
	s7 =	sadd.s32 @!p0 $0x11B8D, s7;
	_ =	swait.eq @!p0 [sflag:s6], $0x1  }
0xb2: {  	s5 =	sor.u32 @!p0 s5, s7;
	[sflag:s6] =	ssyncadd.s32 @!p0 $0xFFFFFFFF  }
0xb3: {  	s25 =	simm.s32 $0x1B8E;
	s24 =	sld [smem:$0x3FFE];
	[sflag:s5] =	ssyncadd.remote.s32 @!p0 $0x1  }
0xb4: {  	s26 =	simm.s32 $execute0_lowered;
	[smem:$0x3FD2] =	sst s25  }
0xb5: {  	s6 =	sshll.u32 s26, $0x1;
	_ =	strace $0x80000049;
	[dreg:$0x1] =	wrdreg $0xFFFFFFFF  }
0xb6: {  	s28 =	simm.s32 $_size_execute0_lowered;
	s4 =	sadd.s32 s4, s6;
	[dreg:$0x0] =	wrdreg $0x0  }
0xb7: {  	s6 =	sshll.u32 s28, $0x1;
	[dreg:$0x2] =	wrdreg s4  }
0xb8: {  	[dreg:$0x3] =	wrdreg s6  }
0xb9: {  	[dreg:$0x4] =	wrdreg $0xC0  }
0xba: {  	_ =	task [dreg:s22], $0x5FFFF  }
0xbb: {  	[dreg:$0x1] =	wrdreg $0xFFFFFFFF  }
0xbc: {  	[dreg:$0x0] =	wrdreg $0x60  }
0xbd: {  	[dreg:$0x2] =	wrdreg s24  }
0xbe: {  	[dreg:$0x3] =	wrdreg s18  }
0xbf: {  	[dreg:$0x4] =	wrdreg $0xA  }
0xc0: {  	_ =	task.clear_ibuf [dreg:s22], $0x5FFFF;
	_ =	strace $0x90000049  }
0xc1: {  	s29 =	simm.s32 $0xA;
	_ =	strace $0x8000004B  }
0xc2: {  	_ =	swait.ge [sflag:s29], $0x1  }
0xc3: {  	[sflag:s29] =	ssyncadd.s32 $0xFFFFFFFF  }
0xc4: {  	_ =	strace $0x9000004B  }
0xc5: {  	_ =	sfence  }
0xc6: {  	s30 =	sld [smem:$0x0];
	_ =	sdelay $0x2  }
0xc7: {  	s31 =	sshll.u32 s1, $0xD;
	s1 =	sshrl.u32 s1, $0x2  }
0xc8: {  	s4 =	sand.u32 $0x4000, s31;
	s1 =	sadd.s32 s1, s30  }
0xc9: {  	s0 =	sor.u32 s4, s0;
	s1 =	sshll.u32 s1, $0x11  }
0xca: {  	s0 =	sor.u32 s1, s0  }
0xcb: {  	s0 =	sadd.s32 $0x8F2B, s0  }
0xcc: {  	[sflag:s0] =	ssyncadd.remote.s32 $0x1  }
0xcd: {  	_ =	sfence.sel $0xFFFF  }
0xce: {  	[dreg:$0x0] =	wrdreg $0xFFFFFFFF;
	(pc) =	sbr.abs _section_cstart, $3  }
0xcf: {  	[dreg:$0x1] =	wrdreg $0xFFFFFFFF  }
0xd0: {  	_ =	task.clear_ibuf [dreg:s22], $0x2FFFF;
	_ =	strace $0x9FFFFFFF  }
0xd1: {  	(tm) =	ssettm $0x7FFFFFFF  }
tec
execute0_lowered:
.L_overlay_start_1:
0x0: {  	(tag) =	ssettag $0x1  }
0x1: {  	s0 =	srdreg.scid  }
0x2: {  	s1 =	rddreg [dreg:$0x0];
	s2 =	stileid.u32  }
0x3: {  	s3 =	rddreg [dreg:$0x1];
	s9 =	simm.s32 $0x100;
	s17 =	simm.s32 $0x1  }
0x4: {  	s18 =	simm.s32 $0x3;
	s19 =	simm.s32 $0x2;
	s28 =	simm.s32 $0x2900  }
0x5: {  	s29 =	simm.s32 $0x3100;
	s30 =	simm.s32 $0x3900;
	s31 =	simm.s32 $0x4100  }
0x6: {  	s15 =	simm.s32 $0x5100;
	s10 =	simm.s32 $0x6100;
	s0 =	sand.u32 $0x1, s0  }
0x7: {  	s11 =	simm.s32 $0x6900;
	s4 =	sshll.u32 s2, $0x9;
	s5 =	sshll.u32 s0, $0x8  }
0x8: {  	s12 =	simm.s32 $0x7100;
	s13 =	simm.s32 $0x7900;
	s4 =	sor.u32 s5, s4  }
0x9: {  	s2 =	simm.s32 $0x0;
	s5 =	sshll.u32 s4, $0x7;
	s4 =	sshrl.u32 s4, $0x3  }
0xa: {  	[smem:$0x7FF] =	sst s2;
	s7 =	sadd.s32 s5, s1;
	s3 =	sadd.s32 s3, s4  }
0xb: {  	_ =	strace $0x8000004A;
	[dreg:$0x3] =	wrdreg s3;
	s20 =	sadd.s32 $0x112E00, s7  }
0xc: {  	s0 =	ssub.s32 $0x2, s0;
	s21 =	sadd.s32 $0x113E00, s7;
	[dreg:$0x4] =	wrdreg s20  }
0xd: {  	s23 =	sshrl.u32 s0, $0x1;
	s22 =	sadd.s32 $0x114E00, s7;
	[dreg:$0x5] =	wrdreg s21  }
0xe: {  	s0 =	ssub.s32 s0, s23;
	s24 =	sadd.s32 $0x115E00, s7;
	[dreg:$0x6] =	wrdreg s22  }
0xf: {  	s23 =	simm.s32 $0x1100;
	s25 =	sadd.s32 $0x116E00, s7;
	[dreg:$0x7] =	wrdreg s24  }
0x10: {  	s4 =	sadd.s32 $0x2B00, s1;
	s6 =	sadd.s32 $0x117E00, s7;
	[dreg:$0x8] =	wrdreg s25  }
0x11: {  	s5 =	sadd.s32 $0x2C00, s1;
	s8 =	sadd.s32 $0x118E00, s7;
	[dreg:$0x9] =	wrdreg s6  }
0x12: {  	s3 =	sadd.s32 $0x2A00, s1;
	s26 =	sadd.s32 $0x119E00, s7;
	[dreg:$0xa] =	wrdreg s8  }
0x13: {  	v2 =	vlaneseq.u32;
	s7 =	smax.u32 s0, $0x1;
	s6 =	sadd.s32 $0x2D00, s1;
	[dreg:$0xb] =	wrdreg s26  }
0x14: {  	vm0 =	vmmov $0xffff;
	v1 =	vshrl.u32 v2, $0x3;
	s25 =	simm.s32 $0x8100;
	s20 =	simm.s32 $0x4;
	s22 =	simm.s32 $0x900  }
0x15: {  	v0 =	vand.u32 $0x7, v2;
	v2 =	vor.u32 $0x8, v2;
	v1 =	vmul.u32 $0x8, v1;
	s24 =	simm.s32 $0x1900;
	s26 =	simm.s32 $0x2100;
	s8 =	simm.s32 $0x5900  }
.LBB2_1:
0x16: {  	s21 =	rddreg [dreg:$0x3];
	s14 =	simm.s32 $0x5  }
0x17: {  	[tilespmem:s2], [sflag:$0x5] =	stream.linear.gather [hbm4b:s21+s2], $0x100, $0x38;
	[tilespmem:$0x10100] =	vst v63  }
0x18: {  	_ =	swait.ge [sflag:s14], $0x100  }
0x19: {  	[sflag:s14] =	ssyncset.done $0x0  }
0x1a: {  	[sflag:s14] =	ssyncadd.s32 $0xFFFFFF00  }
0x1b: {  	v3 =	vld [tilespmem:$0x0];
	_ =	sdelay $0x4  }
0x1c: {  	v4 =	vshll.u32 v3, $0x3  }
0x1d: {  	v3 =	vand.u32 $0x7, v3;
	v4 =	vand.u32 $0xFFFFFFC0, v4  }
0x1e: {  	v3 =	vor.u32 v3, v4  }
0x1f: {  	v4 =	vperm.xlane v3, v0;
	_ =	sdelay $0x1  }
0x20: {  	v4 =	vadd.s32 v1, v4;
	_ =	sdelay $0x4  }
0x21: {  	[tilespmem:s9], [sflag:$0x1] =	stream.indirect_vreg.gather [hbm4b:s3+s2], $0x80, v4, vm0, $0xb8;
	[tilespmem:$0x10100] =	vst v63  }
0x22: {  	v3 =	vperm.xlane v3, v2  }
0x23: {  	[tilespmem:s22], [sflag:$0x1] =	stream.indirect_vreg.gather [hbm4b:s4+s2], $0x80, v4, vm0, $0xb8;
	[tilespmem:$0x10100] =	vst v63  }
0x24: {  	v3 =	vadd.s32 v1, v3  }
0x25: {  	[tilespmem:s23], [sflag:$0x1] =	stream.indirect_vreg.gather [hbm4b:s5+s2], $0x80, v4, vm0, $0xb8;
	[tilespmem:$0x10100] =	vst v63  }
0x26: {  	_ = 	snop  }
0x27: {  	[tilespmem:s24], [sflag:$0x1] =	stream.indirect_vreg.gather [hbm4b:s6+s2], $0x80, v4, vm0, $0xb8;
	[tilespmem:$0x10100] =	vst v63  }
0x28: {  	_ = 	snop  }
0x29: {  	[tilespmem:s26], [sflag:$0x1] =	stream.indirect_vreg.gather [hbm4b:s3+s2], $0x80, v3, vm0, $0xb8;
	[tilespmem:$0x10100] =	vst v63  }
0x2a: {  	_ = 	snop  }
0x2b: {  	[tilespmem:s28], [sflag:$0x1] =	stream.indirect_vreg.gather [hbm4b:s4+s2], $0x80, v3, vm0, $0xb8;
	[tilespmem:$0x10100] =	vst v63  }
0x2c: {  	_ = 	snop  }
0x2d: {  	[tilespmem:s29], [sflag:$0x1] =	stream.indirect_vreg.gather [hbm4b:s5+s2], $0x80, v3, vm0, $0xb8;
	[tilespmem:$0x10100] =	vst v63  }
0x2e: {  	_ = 	snop  }
0x2f: {  	[tilespmem:s30], [sflag:$0x1] =	stream.indirect_vreg.gather [hbm4b:s6+s2], $0x80, v3, vm0, $0xb8;
	[tilespmem:$0x10100] =	vst v63  }
0x30: {  	v3 =	vld [tilespmem:$0x10];
	_ =	sdelay $0x4  }
0x31: {  	v49 =	vshll.u32 v3, $0x3  }
0x32: {  	v3 =	vand.u32 $0x7, v3;
	v4 =	vand.u32 $0xFFFFFFC0, v49  }
0x33: {  	v3 =	vor.u32 v3, v4  }
0x34: {  	v4 =	vperm.xlane v3, v0;
	_ =	sdelay $0x1  }
0x35: {  	v4 =	vadd.s32 v1, v4;
	_ =	sdelay $0x4  }
0x36: {  	[tilespmem:s31], [sflag:$0x1] =	stream.indirect_vreg.gather [hbm4b:s3+s2], $0x80, v4, vm0, $0xb8;
	[tilespmem:$0x10100] =	vst v63  }
0x37: {  	s1 =	simm.s32 $0x4900;
	v3 =	vperm.xlane v3, v2  }
0x38: {  	[tilespmem:s1], [sflag:$0x1] =	stream.indirect_vreg.gather [hbm4b:s4+s2], $0x80, v4, vm0, $0xb8;
	[tilespmem:$0x10100] =	vst v63  }
0x39: {  	v3 =	vadd.s32 v1, v3  }
0x3a: {  	[tilespmem:s15], [sflag:$0x1] =	stream.indirect_vreg.gather [hbm4b:s5+s2], $0x80, v4, vm0, $0xb8;
	[tilespmem:$0x10100] =	vst v63  }
0x3b: {  	_ = 	snop  }
0x3c: {  	[tilespmem:s8], [sflag:$0x1] =	stream.indirect_vreg.gather [hbm4b:s6+s2], $0x80, v4, vm0, $0xb8;
	[tilespmem:$0x10100] =	vst v63  }
0x3d: {  	_ = 	snop  }
0x3e: {  	[tilespmem:s10], [sflag:$0x1] =	stream.indirect_vreg.gather [hbm4b:s3+s2], $0x80, v3, vm0, $0xb8;
	[tilespmem:$0x10100] =	vst v63  }
0x3f: {  	_ = 	snop  }
0x40: {  	[tilespmem:s11], [sflag:$0x1] =	stream.indirect_vreg.gather [hbm4b:s4+s2], $0x80, v3, vm0, $0xb8;
	[tilespmem:$0x10100] =	vst v63  }
0x41: {  	_ = 	snop  }
0x42: {  	[tilespmem:s12], [sflag:$0x1] =	stream.indirect_vreg.gather [hbm4b:s5+s2], $0x80, v3, vm0, $0xb8;
	[tilespmem:$0x10100] =	vst v63  }
0x43: {  	_ = 	snop  }
0x44: {  	[tilespmem:s13], [sflag:$0x1] =	stream.indirect_vreg.gather [hbm4b:s6+s2], $0x80, v3, vm0, $0xb8;
	[tilespmem:$0x10100] =	vst v63  }
0x45: {  	v3 =	vld [tilespmem:$0x20];
	_ =	sdelay $0x4  }
0x46: {  	v50 =	vshll.u32 v3, $0x3  }
0x47: {  	v3 =	vand.u32 $0x7, v3;
	v4 =	vand.u32 $0xFFFFFFC0, v50  }
0x48: {  	v3 =	vor.u32 v3, v4  }
0x49: {  	v4 =	vperm.xlane v3, v0;
	_ =	sdelay $0x1  }
0x4a: {  	v4 =	vadd.s32 v1, v4;
	_ =	sdelay $0x4  }
0x4b: {  	[tilespmem:s25], [sflag:$0x2] =	stream.indirect_vreg.gather [hbm4b:s3+s2], $0x80, v4, vm0, $0xb8;
	[tilespmem:$0x10100] =	vst v63  }
0x4c: {  	s14 =	simm.s32 $0x8900;
	v3 =	vperm.xlane v3, v2  }
0x4d: {  	[tilespmem:s14], [sflag:$0x2] =	stream.indirect_vreg.gather [hbm4b:s4+s2], $0x80, v4, vm0, $0xb8;
	[tilespmem:$0x10100] =	vst v63  }
0x4e: {  	s16 =	simm.s32 $0x9100;
	v3 =	vadd.s32 v1, v3  }
0x4f: {  	[tilespmem:s16], [sflag:$0x2] =	stream.indirect_vreg.gather [hbm4b:s5+s2], $0x80, v4, vm0, $0xb8;
	[tilespmem:$0x10100] =	vst v63  }
0x50: {  	s21 =	simm.s32 $0x9900  }
0x51: {  	[tilespmem:s21], [sflag:$0x2] =	stream.indirect_vreg.gather [hbm4b:s6+s2], $0x80, v4, vm0, $0xb8;
	[tilespmem:$0x10100] =	vst v63  }
0x52: {  	s16 =	simm.s32 $0xA100  }
0x53: {  	[tilespmem:s16], [sflag:$0x2] =	stream.indirect_vreg.gather [hbm4b:s3+s2], $0x80, v3, vm0, $0xb8;
	[tilespmem:$0x10100] =	vst v63  }
0x54: {  	s14 =	simm.s32 $0xA900  }
0x55: {  	[tilespmem:s14], [sflag:$0x2] =	stream.indirect_vreg.gather [hbm4b:s4+s2], $0x80, v3, vm0, $0xb8;
	[tilespmem:$0x10100] =	vst v63  }
0x56: {  	s16 =	simm.s32 $0xB100  }
0x57: {  	[tilespmem:s16], [sflag:$0x2] =	stream.indirect_vreg.gather [hbm4b:s5+s2], $0x80, v3, vm0, $0xb8;
	[tilespmem:$0x10100] =	vst v63  }
0x58: {  	s14 =	simm.s32 $0xB900  }
0x59: {  	[tilespmem:s14], [sflag:$0x2] =	stream.indirect_vreg.gather [hbm4b:s6+s2], $0x80, v3, vm0, $0xb8;
	[tilespmem:$0x10100] =	vst v63  }
0x5a: {  	v3 =	vld [tilespmem:$0x30];
	_ =	sdelay $0x4  }
0x5b: {  	v51 =	vshll.u32 v3, $0x3  }
0x5c: {  	v3 =	vand.u32 $0x7, v3;
	v4 =	vand.u32 $0xFFFFFFC0, v51  }
0x5d: {  	v3 =	vor.u32 v3, v4  }
0x5e: {  	v4 =	vperm.xlane v3, v0;
	_ =	sdelay $0x1  }
0x5f: {  	v4 =	vadd.s32 v1, v4;
	_ =	sdelay $0x3  }
0x60: {  	s16 =	simm.s32 $0xC100  }
0x61: {  	[tilespmem:s16], [sflag:$0x2] =	stream.indirect_vreg.gather [hbm4b:s3+s2], $0x80, v4, vm0, $0xb8;
	[tilespmem:$0x10100] =	vst v63  }
0x62: {  	s21 =	simm.s32 $0xC900;
	v3 =	vperm.xlane v3, v2  }
0x63: {  	[tilespmem:s21], [sflag:$0x2] =	stream.indirect_vreg.gather [hbm4b:s4+s2], $0x80, v4, vm0, $0xb8;
	[tilespmem:$0x10100] =	vst v63  }
0x64: {  	v3 =	vadd.s32 v1, v3;
	s21 =	simm.s32 $0xD100  }
0x65: {  	[tilespmem:s21], [sflag:$0x2] =	stream.indirect_vreg.gather [hbm4b:s5+s2], $0x80, v4, vm0, $0xb8;
	[tilespmem:$0x10100] =	vst v63  }
0x66: {  	s21 =	simm.s32 $0xD900  }
0x67: {  	[tilespmem:s21], [sflag:$0x2] =	stream.indirect_vreg.gather [hbm4b:s6+s2], $0x80, v4, vm0, $0xb8;
	[tilespmem:$0x10100] =	vst v63  }
0x68: {  	s21 =	simm.s32 $0xE100  }
0x69: {  	[tilespmem:s21], [sflag:$0x2] =	stream.indirect_vreg.gather [hbm4b:s3+s2], $0x80, v3, vm0, $0xb8;
	[tilespmem:$0x10100] =	vst v63  }
0x6a: {  	s21 =	simm.s32 $0xE900  }
0x6b: {  	[tilespmem:s21], [sflag:$0x2] =	stream.indirect_vreg.gather [hbm4b:s4+s2], $0x80, v3, vm0, $0xb8;
	[tilespmem:$0x10100] =	vst v63  }
0x6c: {  	s21 =	simm.s32 $0xF100  }
0x6d: {  	[tilespmem:s21], [sflag:$0x2] =	stream.indirect_vreg.gather [hbm4b:s5+s2], $0x80, v3, vm0, $0xb8;
	[tilespmem:$0x10100] =	vst v63  }
0x6e: {  	s21 =	simm.s32 $0xF900  }
0x6f: {  	[tilespmem:s21], [sflag:$0x2] =	stream.indirect_vreg.gather [hbm4b:s6+s2], $0x80, v3, vm0, $0xb8;
	[tilespmem:$0x10100] =	vst v63  }
0x70: {  	_ =	swait.ge [sflag:s17], $0x8000  }
0x71: {  	[sflag:s17] =	ssyncset.done $0x0  }
0x72: {  	s21 =	rddreg [dreg:$0x4];
	[sflag:s17] =	ssyncadd.s32 $0xFFFF8000  }
0x73: {  	[hbm4b:s21+s2] =	stream.linear.scatter [tilespmem:s9], [sflag:$0x3], $0x8000, $0x38;
	[tilespmem:$0x10100] =	vst v63  }
0x74: {  	_ =	swait.ge [sflag:s18], $0x8000  }
0x75: {  	[sflag:s18] =	ssyncset.done $0x0  }
0x76: {  	[sflag:s18] =	ssyncadd.s32 $0xFFFF8000  }
0x77: {  	v3 =	vld [tilespmem:$0x40];
	_ =	sdelay $0x4  }
0x78: {  	v52 =	vshll.u32 v3, $0x3  }
0x79: {  	v3 =	vand.u32 $0x7, v3;
	v4 =	vand.u32 $0xFFFFFFC0, v52  }
0x7a: {  	v3 =	vor.u32 v3, v4  }
0x7b: {  	v4 =	vperm.xlane v3, v0;
	_ =	sdelay $0x1  }
0x7c: {  	v4 =	vadd.s32 v1, v4;
	_ =	sdelay $0x4  }
0x7d: {  	[tilespmem:s9], [sflag:$0x1] =	stream.indirect_vreg.gather [hbm4b:s3+s2], $0x80, v4, vm0, $0xb8;
	[tilespmem:$0x10100] =	vst v63  }
0x7e: {  	v3 =	vperm.xlane v3, v2  }
0x7f: {  	[tilespmem:s22], [sflag:$0x1] =	stream.indirect_vreg.gather [hbm4b:s4+s2], $0x80, v4, vm0, $0xb8;
	[tilespmem:$0x10100] =	vst v63  }
0x80: {  	v3 =	vadd.s32 v1, v3  }
0x81: {  	[tilespmem:s23], [sflag:$0x1] =	stream.indirect_vreg.gather [hbm4b:s5+s2], $0x80, v4, vm0, $0xb8;
	[tilespmem:$0x10100] =	vst v63  }
0x82: {  	_ = 	snop  }
0x83: {  	[tilespmem:s24], [sflag:$0x1] =	stream.indirect_vreg.gather [hbm4b:s6+s2], $0x80, v4, vm0, $0xb8;
	[tilespmem:$0x10100] =	vst v63  }
0x84: {  	_ = 	snop  }
0x85: {  	[tilespmem:s26], [sflag:$0x1] =	stream.indirect_vreg.gather [hbm4b:s3+s2], $0x80, v3, vm0, $0xb8;
	[tilespmem:$0x10100] =	vst v63  }
0x86: {  	_ = 	snop  }
0x87: {  	[tilespmem:s28], [sflag:$0x1] =	stream.indirect_vreg.gather [hbm4b:s4+s2], $0x80, v3, vm0, $0xb8;
	[tilespmem:$0x10100] =	vst v63  }
0x88: {  	_ = 	snop  }
0x89: {  	[tilespmem:s29], [sflag:$0x1] =	stream.indirect_vreg.gather [hbm4b:s5+s2], $0x80, v3, vm0, $0xb8;
	[tilespmem:$0x10100] =	vst v63  }
0x8a: {  	_ = 	snop  }
0x8b: {  	[tilespmem:s30], [sflag:$0x1] =	stream.indirect_vreg.gather [hbm4b:s6+s2], $0x80, v3, vm0, $0xb8;
	[tilespmem:$0x10100] =	vst v63  }
0x8c: {  	v3 =	vld [tilespmem:$0x50];
	_ =	sdelay $0x4  }
0x8d: {  	v53 =	vshll.u32 v3, $0x3  }
0x8e: {  	v3 =	vand.u32 $0x7, v3;
	v4 =	vand.u32 $0xFFFFFFC0, v53  }
0x8f: {  	v3 =	vor.u32 v3, v4  }
0x90: {  	v4 =	vperm.xlane v3, v0;
	_ =	sdelay $0x1  }
0x91: {  	v4 =	vadd.s32 v1, v4;
	_ =	sdelay $0x4  }
0x92: {  	[tilespmem:s31], [sflag:$0x1] =	stream.indirect_vreg.gather [hbm4b:s3+s2], $0x80, v4, vm0, $0xb8;
	[tilespmem:$0x10100] =	vst v63  }
0x93: {  	v3 =	vperm.xlane v3, v2  }
0x94: {  	[tilespmem:s1], [sflag:$0x1] =	stream.indirect_vreg.gather [hbm4b:s4+s2], $0x80, v4, vm0, $0xb8;
	[tilespmem:$0x10100] =	vst v63  }
0x95: {  	v3 =	vadd.s32 v1, v3  }
0x96: {  	[tilespmem:s15], [sflag:$0x1] =	stream.indirect_vreg.gather [hbm4b:s5+s2], $0x80, v4, vm0, $0xb8;
	[tilespmem:$0x10100] =	vst v63  }
0x97: {  	_ = 	snop  }
0x98: {  	[tilespmem:s8], [sflag:$0x1] =	stream.indirect_vreg.gather [hbm4b:s6+s2], $0x80, v4, vm0, $0xb8;
	[tilespmem:$0x10100] =	vst v63  }
0x99: {  	_ = 	snop  }
0x9a: {  	[tilespmem:s10], [sflag:$0x1] =	stream.indirect_vreg.gather [hbm4b:s3+s2], $0x80, v3, vm0, $0xb8;
	[tilespmem:$0x10100] =	vst v63  }
0x9b: {  	_ = 	snop  }
0x9c: {  	[tilespmem:s11], [sflag:$0x1] =	stream.indirect_vreg.gather [hbm4b:s4+s2], $0x80, v3, vm0, $0xb8;
	[tilespmem:$0x10100] =	vst v63  }
0x9d: {  	_ = 	snop  }
0x9e: {  	[tilespmem:s12], [sflag:$0x1] =	stream.indirect_vreg.gather [hbm4b:s5+s2], $0x80, v3, vm0, $0xb8;
	[tilespmem:$0x10100] =	vst v63  }
0x9f: {  	_ = 	snop  }
0xa0: {  	[tilespmem:s13], [sflag:$0x1] =	stream.indirect_vreg.gather [hbm4b:s6+s2], $0x80, v3, vm0, $0xb8;
	[tilespmem:$0x10100] =	vst v63  }
0xa1: {  	_ =	swait.ge [sflag:s19], $0x8000  }
0xa2: {  	[sflag:s19] =	ssyncset.done $0x0  }
0xa3: {  	s21 =	rddreg [dreg:$0x5];
	[sflag:s19] =	ssyncadd.s32 $0xFFFF8000  }
0xa4: {  	[hbm4b:s21+s2] =	stream.linear.scatter [tilespmem:s25], [sflag:$0x4], $0x8000, $0x38;
	[tilespmem:$0x10100] =	vst v63  }
0xa5: {  	_ =	swait.ge [sflag:s20], $0x8000  }
0xa6: {  	[sflag:s20] =	ssyncset.done $0x0  }
0xa7: {  	[sflag:s20] =	ssyncadd.s32 $0xFFFF8000  }
0xa8: {  	v3 =	vld [tilespmem:$0x60];
	_ =	sdelay $0x4  }
0xa9: {  	v54 =	vshll.u32 v3, $0x3  }
0xaa: {  	v3 =	vand.u32 $0x7, v3;
	v4 =	vand.u32 $0xFFFFFFC0, v54  }
0xab: {  	v3 =	vor.u32 v3, v4  }
0xac: {  	v4 =	vperm.xlane v3, v0;
	_ =	sdelay $0x1  }
0xad: {  	v4 =	vadd.s32 v1, v4;
	_ =	sdelay $0x4  }
0xae: {  	[tilespmem:s25], [sflag:$0x2] =	stream.indirect_vreg.gather [hbm4b:s3+s2], $0x80, v4, vm0, $0xb8;
	[tilespmem:$0x10100] =	vst v63  }
0xaf: {  	s0 =	simm.s32 $0x8900;
	v3 =	vperm.xlane v3, v2  }
0xb0: {  	[tilespmem:s0], [sflag:$0x2] =	stream.indirect_vreg.gather [hbm4b:s4+s2], $0x80, v4, vm0, $0xb8;
	[tilespmem:$0x10100] =	vst v63  }
0xb1: {  	v3 =	vadd.s32 v1, v3;
	s0 =	simm.s32 $0x9100  }
0xb2: {  	[tilespmem:s0], [sflag:$0x2] =	stream.indirect_vreg.gather [hbm4b:s5+s2], $0x80, v4, vm0, $0xb8;
	[tilespmem:$0x10100] =	vst v63  }
0xb3: {  	s21 =	simm.s32 $0x9900  }
0xb4: {  	[tilespmem:s21], [sflag:$0x2] =	stream.indirect_vreg.gather [hbm4b:s6+s2], $0x80, v4, vm0, $0xb8;
	[tilespmem:$0x10100] =	vst v63  }
0xb5: {  	s21 =	simm.s32 $0xA100  }
0xb6: {  	[tilespmem:s21], [sflag:$0x2] =	stream.indirect_vreg.gather [hbm4b:s3+s2], $0x80, v3, vm0, $0xb8;
	[tilespmem:$0x10100] =	vst v63  }
0xb7: {  	s21 =	simm.s32 $0xA900  }
0xb8: {  	[tilespmem:s21], [sflag:$0x2] =	stream.indirect_vreg.gather [hbm4b:s4+s2], $0x80, v3, vm0, $0xb8;
	[tilespmem:$0x10100] =	vst v63  }
0xb9: {  	s21 =	simm.s32 $0xB100  }
0xba: {  	[tilespmem:s21], [sflag:$0x2] =	stream.indirect_vreg.gather [hbm4b:s5+s2], $0x80, v3, vm0, $0xb8;
	[tilespmem:$0x10100] =	vst v63  }
0xbb: {  	s14 =	simm.s32 $0xB900  }
0xbc: {  	[tilespmem:s14], [sflag:$0x2] =	stream.indirect_vreg.gather [hbm4b:s6+s2], $0x80, v3, vm0, $0xb8;
	[tilespmem:$0x10100] =	vst v63  }
0xbd: {  	v3 =	vld [tilespmem:$0x70];
	_ =	sdelay $0x4  }
0xbe: {  	v55 =	vshll.u32 v3, $0x3  }
0xbf: {  	v3 =	vand.u32 $0x7, v3;
	v4 =	vand.u32 $0xFFFFFFC0, v55  }
0xc0: {  	v3 =	vor.u32 v3, v4  }
0xc1: {  	v4 =	vperm.xlane v3, v0;
	_ =	sdelay $0x1  }
0xc2: {  	v4 =	vadd.s32 v1, v4;
	_ =	sdelay $0x3  }
0xc3: {  	s16 =	simm.s32 $0xC100  }
0xc4: {  	[tilespmem:s16], [sflag:$0x2] =	stream.indirect_vreg.gather [hbm4b:s3+s2], $0x80, v4, vm0, $0xb8;
	[tilespmem:$0x10100] =	vst v63  }
0xc5: {  	s21 =	simm.s32 $0xC900;
	v3 =	vperm.xlane v3, v2  }
0xc6: {  	[tilespmem:s21], [sflag:$0x2] =	stream.indirect_vreg.gather [hbm4b:s4+s2], $0x80, v4, vm0, $0xb8;
	[tilespmem:$0x10100] =	vst v63  }
0xc7: {  	v3 =	vadd.s32 v1, v3;
	s16 =	simm.s32 $0xD100  }
0xc8: {  	[tilespmem:s16], [sflag:$0x2] =	stream.indirect_vreg.gather [hbm4b:s5+s2], $0x80, v4, vm0, $0xb8;
	[tilespmem:$0x10100] =	vst v63  }
0xc9: {  	s21 =	simm.s32 $0xD900  }
0xca: {  	[tilespmem:s21], [sflag:$0x2] =	stream.indirect_vreg.gather [hbm4b:s6+s2], $0x80, v4, vm0, $0xb8;
	[tilespmem:$0x10100] =	vst v63  }
0xcb: {  	s16 =	simm.s32 $0xE100  }
0xcc: {  	[tilespmem:s16], [sflag:$0x2] =	stream.indirect_vreg.gather [hbm4b:s3+s2], $0x80, v3, vm0, $0xb8;
	[tilespmem:$0x10100] =	vst v63  }
0xcd: {  	s21 =	simm.s32 $0xE900  }
0xce: {  	[tilespmem:s21], [sflag:$0x2] =	stream.indirect_vreg.gather [hbm4b:s4+s2], $0x80, v3, vm0, $0xb8;
	[tilespmem:$0x10100] =	vst v63  }
0xcf: {  	s16 =	simm.s32 $0xF100  }
0xd0: {  	[tilespmem:s16], [sflag:$0x2] =	stream.indirect_vreg.gather [hbm4b:s5+s2], $0x80, v3, vm0, $0xb8;
	[tilespmem:$0x10100] =	vst v63  }
0xd1: {  	s21 =	simm.s32 $0xF900  }
0xd2: {  	[tilespmem:s21], [sflag:$0x2] =	stream.indirect_vreg.gather [hbm4b:s6+s2], $0x80, v3, vm0, $0xb8;
	[tilespmem:$0x10100] =	vst v63  }
0xd3: {  	_ =	swait.ge [sflag:s17], $0x8000  }
0xd4: {  	[sflag:s17] =	ssyncset.done $0x0  }
0xd5: {  	s16 =	rddreg [dreg:$0x6];
	[sflag:s17] =	ssyncadd.s32 $0xFFFF8000  }
0xd6: {  	[hbm4b:s16+s2] =	stream.linear.scatter [tilespmem:s9], [sflag:$0x3], $0x8000, $0x38;
	[tilespmem:$0x10100] =	vst v63  }
0xd7: {  	_ =	swait.ge [sflag:s18], $0x8000  }
0xd8: {  	[sflag:s18] =	ssyncset.done $0x0  }
0xd9: {  	[sflag:s18] =	ssyncadd.s32 $0xFFFF8000  }
0xda: {  	v3 =	vld [tilespmem:$0x80];
	_ =	sdelay $0x4  }
0xdb: {  	v56 =	vshll.u32 v3, $0x3  }
0xdc: {  	v3 =	vand.u32 $0x7, v3;
	v4 =	vand.u32 $0xFFFFFFC0, v56  }
0xdd: {  	v3 =	vor.u32 v3, v4  }
0xde: {  	v4 =	vperm.xlane v3, v0;
	_ =	sdelay $0x1  }
0xdf: {  	v4 =	vadd.s32 v1, v4;
	_ =	sdelay $0x4  }
0xe0: {  	[tilespmem:s9], [sflag:$0x1] =	stream.indirect_vreg.gather [hbm4b:s3+s2], $0x80, v4, vm0, $0xb8;
	[tilespmem:$0x10100] =	vst v63  }
0xe1: {  	v3 =	vperm.xlane v3, v2  }
0xe2: {  	[tilespmem:s22], [sflag:$0x1] =	stream.indirect_vreg.gather [hbm4b:s4+s2], $0x80, v4, vm0, $0xb8;
	[tilespmem:$0x10100] =	vst v63  }
0xe3: {  	v3 =	vadd.s32 v1, v3  }
0xe4: {  	[tilespmem:s23], [sflag:$0x1] =	stream.indirect_vreg.gather [hbm4b:s5+s2], $0x80, v4, vm0, $0xb8;
	[tilespmem:$0x10100] =	vst v63  }
0xe5: {  	_ = 	snop  }
0xe6: {  	[tilespmem:s24], [sflag:$0x1] =	stream.indirect_vreg.gather [hbm4b:s6+s2], $0x80, v4, vm0, $0xb8;
	[tilespmem:$0x10100] =	vst v63  }
0xe7: {  	_ = 	snop  }
0xe8: {  	[tilespmem:s26], [sflag:$0x1] =	stream.indirect_vreg.gather [hbm4b:s3+s2], $0x80, v3, vm0, $0xb8;
	[tilespmem:$0x10100] =	vst v63  }
0xe9: {  	_ = 	snop  }
0xea: {  	[tilespmem:s28], [sflag:$0x1] =	stream.indirect_vreg.gather [hbm4b:s4+s2], $0x80, v3, vm0, $0xb8;
	[tilespmem:$0x10100] =	vst v63  }
0xeb: {  	_ = 	snop  }
0xec: {  	[tilespmem:s29], [sflag:$0x1] =	stream.indirect_vreg.gather [hbm4b:s5+s2], $0x80, v3, vm0, $0xb8;
	[tilespmem:$0x10100] =	vst v63  }
0xed: {  	_ = 	snop  }
0xee: {  	[tilespmem:s30], [sflag:$0x1] =	stream.indirect_vreg.gather [hbm4b:s6+s2], $0x80, v3, vm0, $0xb8;
	[tilespmem:$0x10100] =	vst v63  }
0xef: {  	v3 =	vld [tilespmem:$0x90];
	_ =	sdelay $0x4  }
0xf0: {  	v57 =	vshll.u32 v3, $0x3  }
0xf1: {  	v3 =	vand.u32 $0x7, v3;
	v4 =	vand.u32 $0xFFFFFFC0, v57  }
0xf2: {  	v3 =	vor.u32 v3, v4  }
0xf3: {  	v4 =	vperm.xlane v3, v0;
	_ =	sdelay $0x1  }
0xf4: {  	v4 =	vadd.s32 v1, v4;
	_ =	sdelay $0x4  }
0xf5: {  	[tilespmem:s31], [sflag:$0x1] =	stream.indirect_vreg.gather [hbm4b:s3+s2], $0x80, v4, vm0, $0xb8;
	[tilespmem:$0x10100] =	vst v63  }
0xf6: {  	v3 =	vperm.xlane v3, v2  }
0xf7: {  	[tilespmem:s1], [sflag:$0x1] =	stream.indirect_vreg.gather [hbm4b:s4+s2], $0x80, v4, vm0, $0xb8;
	[tilespmem:$0x10100] =	vst v63  }
0xf8: {  	v3 =	vadd.s32 v1, v3  }
0xf9: {  	[tilespmem:s15], [sflag:$0x1] =	stream.indirect_vreg.gather [hbm4b:s5+s2], $0x80, v4, vm0, $0xb8;
	[tilespmem:$0x10100] =	vst v63  }
0xfa: {  	_ = 	snop  }
0xfb: {  	[tilespmem:s8], [sflag:$0x1] =	stream.indirect_vreg.gather [hbm4b:s6+s2], $0x80, v4, vm0, $0xb8;
	[tilespmem:$0x10100] =	vst v63  }
0xfc: {  	_ = 	snop  }
0xfd: {  	[tilespmem:s10], [sflag:$0x1] =	stream.indirect_vreg.gather [hbm4b:s3+s2], $0x80, v3, vm0, $0xb8;
	[tilespmem:$0x10100] =	vst v63  }
0xfe: {  	_ = 	snop  }
0xff: {  	[tilespmem:s11], [sflag:$0x1] =	stream.indirect_vreg.gather [hbm4b:s4+s2], $0x80, v3, vm0, $0xb8;
	[tilespmem:$0x10100] =	vst v63  }
0x100: {  	_ = 	snop  }
0x101: {  	[tilespmem:s12], [sflag:$0x1] =	stream.indirect_vreg.gather [hbm4b:s5+s2], $0x80, v3, vm0, $0xb8;
	[tilespmem:$0x10100] =	vst v63  }
0x102: {  	_ = 	snop  }
0x103: {  	[tilespmem:s13], [sflag:$0x1] =	stream.indirect_vreg.gather [hbm4b:s6+s2], $0x80, v3, vm0, $0xb8;
	[tilespmem:$0x10100] =	vst v63  }
0x104: {  	_ =	swait.ge [sflag:s19], $0x8000  }
0x105: {  	[sflag:s19] =	ssyncset.done $0x0  }
0x106: {  	s14 =	rddreg [dreg:$0x7];
	[sflag:s19] =	ssyncadd.s32 $0xFFFF8000  }
0x107: {  	[hbm4b:s14+s2] =	stream.linear.scatter [tilespmem:s25], [sflag:$0x4], $0x8000, $0x38;
	[tilespmem:$0x10100] =	vst v63  }
0x108: {  	_ =	swait.ge [sflag:s20], $0x8000  }
0x109: {  	[sflag:s20] =	ssyncset.done $0x0  }
0x10a: {  	[sflag:s20] =	ssyncadd.s32 $0xFFFF8000  }
0x10b: {  	v3 =	vld [tilespmem:$0xA0];
	_ =	sdelay $0x4  }
0x10c: {  	v58 =	vshll.u32 v3, $0x3  }
0x10d: {  	v3 =	vand.u32 $0x7, v3;
	v4 =	vand.u32 $0xFFFFFFC0, v58  }
0x10e: {  	v3 =	vor.u32 v3, v4  }
0x10f: {  	v4 =	vperm.xlane v3, v0;
	_ =	sdelay $0x1  }
0x110: {  	v4 =	vadd.s32 v1, v4;
	_ =	sdelay $0x4  }
0x111: {  	[tilespmem:s25], [sflag:$0x2] =	stream.indirect_vreg.gather [hbm4b:s3+s2], $0x80, v4, vm0, $0xb8;
	[tilespmem:$0x10100] =	vst v63  }
0x112: {  	s16 =	simm.s32 $0x8900;
	v3 =	vperm.xlane v3, v2  }
0x113: {  	[tilespmem:s16], [sflag:$0x2] =	stream.indirect_vreg.gather [hbm4b:s4+s2], $0x80, v4, vm0, $0xb8;
	[tilespmem:$0x10100] =	vst v63  }
0x114: {  	v3 =	vadd.s32 v1, v3  }
0x115: {  	[tilespmem:s0], [sflag:$0x2] =	stream.indirect_vreg.gather [hbm4b:s5+s2], $0x80, v4, vm0, $0xb8;
	[tilespmem:$0x10100] =	vst v63  }
0x116: {  	s21 =	simm.s32 $0x9900  }
0x117: {  	[tilespmem:s21], [sflag:$0x2] =	stream.indirect_vreg.gather [hbm4b:s6+s2], $0x80, v4, vm0, $0xb8;
	[tilespmem:$0x10100] =	vst v63  }
0x118: {  	s16 =	simm.s32 $0xA100  }
0x119: {  	[tilespmem:s16], [sflag:$0x2] =	stream.indirect_vreg.gather [hbm4b:s3+s2], $0x80, v3, vm0, $0xb8;
	[tilespmem:$0x10100] =	vst v63  }
0x11a: {  	s21 =	simm.s32 $0xA900  }
0x11b: {  	[tilespmem:s21], [sflag:$0x2] =	stream.indirect_vreg.gather [hbm4b:s4+s2], $0x80, v3, vm0, $0xb8;
	[tilespmem:$0x10100] =	vst v63  }
0x11c: {  	s21 =	simm.s32 $0xB100  }
0x11d: {  	[tilespmem:s21], [sflag:$0x2] =	stream.indirect_vreg.gather [hbm4b:s5+s2], $0x80, v3, vm0, $0xb8;
	[tilespmem:$0x10100] =	vst v63  }
0x11e: {  	s21 =	simm.s32 $0xB900  }
0x11f: {  	[tilespmem:s21], [sflag:$0x2] =	stream.indirect_vreg.gather [hbm4b:s6+s2], $0x80, v3, vm0, $0xb8;
	[tilespmem:$0x10100] =	vst v63  }
0x120: {  	v3 =	vld [tilespmem:$0xB0];
	_ =	sdelay $0x4  }
0x121: {  	v59 =	vshll.u32 v3, $0x3  }
0x122: {  	v3 =	vand.u32 $0x7, v3;
	v4 =	vand.u32 $0xFFFFFFC0, v59  }
0x123: {  	v3 =	vor.u32 v3, v4  }
0x124: {  	v4 =	vperm.xlane v3, v0;
	_ =	sdelay $0x1  }
0x125: {  	v4 =	vadd.s32 v1, v4;
	_ =	sdelay $0x3  }
0x126: {  	s21 =	simm.s32 $0xC100  }
0x127: {  	[tilespmem:s21], [sflag:$0x2] =	stream.indirect_vreg.gather [hbm4b:s3+s2], $0x80, v4, vm0, $0xb8;
	[tilespmem:$0x10100] =	vst v63  }
0x128: {  	v3 =	vperm.xlane v3, v2;
	s21 =	simm.s32 $0xC900  }
0x129: {  	[tilespmem:s21], [sflag:$0x2] =	stream.indirect_vreg.gather [hbm4b:s4+s2], $0x80, v4, vm0, $0xb8;
	[tilespmem:$0x10100] =	vst v63  }
0x12a: {  	v3 =	vadd.s32 v1, v3;
	s21 =	simm.s32 $0xD100  }
0x12b: {  	[tilespmem:s21], [sflag:$0x2] =	stream.indirect_vreg.gather [hbm4b:s5+s2], $0x80, v4, vm0, $0xb8;
	[tilespmem:$0x10100] =	vst v63  }
0x12c: {  	s21 =	simm.s32 $0xD900  }
0x12d: {  	[tilespmem:s21], [sflag:$0x2] =	stream.indirect_vreg.gather [hbm4b:s6+s2], $0x80, v4, vm0, $0xb8;
	[tilespmem:$0x10100] =	vst v63  }
0x12e: {  	s21 =	simm.s32 $0xE100  }
0x12f: {  	[tilespmem:s21], [sflag:$0x2] =	stream.indirect_vreg.gather [hbm4b:s3+s2], $0x80, v3, vm0, $0xb8;
	[tilespmem:$0x10100] =	vst v63  }
0x130: {  	s21 =	simm.s32 $0xE900  }
0x131: {  	[tilespmem:s21], [sflag:$0x2] =	stream.indirect_vreg.gather [hbm4b:s4+s2], $0x80, v3, vm0, $0xb8;
	[tilespmem:$0x10100] =	vst v63  }
0x132: {  	s21 =	simm.s32 $0xF100  }
0x133: {  	[tilespmem:s21], [sflag:$0x2] =	stream.indirect_vreg.gather [hbm4b:s5+s2], $0x80, v3, vm0, $0xb8;
	[tilespmem:$0x10100] =	vst v63  }
0x134: {  	s21 =	simm.s32 $0xF900  }
0x135: {  	[tilespmem:s21], [sflag:$0x2] =	stream.indirect_vreg.gather [hbm4b:s6+s2], $0x80, v3, vm0, $0xb8;
	[tilespmem:$0x10100] =	vst v63  }
0x136: {  	_ =	swait.ge [sflag:s17], $0x8000  }
0x137: {  	[sflag:s17] =	ssyncset.done $0x0  }
0x138: {  	s21 =	rddreg [dreg:$0x8];
	[sflag:s17] =	ssyncadd.s32 $0xFFFF8000  }
0x139: {  	[hbm4b:s21+s2] =	stream.linear.scatter [tilespmem:s9], [sflag:$0x3], $0x8000, $0x38;
	[tilespmem:$0x10100] =	vst v63  }
0x13a: {  	_ =	swait.ge [sflag:s18], $0x8000  }
0x13b: {  	[sflag:s18] =	ssyncset.done $0x0  }
0x13c: {  	[sflag:s18] =	ssyncadd.s32 $0xFFFF8000  }
0x13d: {  	v3 =	vld [tilespmem:$0xC0];
	_ =	sdelay $0x4  }
0x13e: {  	v60 =	vshll.u32 v3, $0x3  }
0x13f: {  	v3 =	vand.u32 $0x7, v3;
	v4 =	vand.u32 $0xFFFFFFC0, v60  }
0x140: {  	v3 =	vor.u32 v3, v4  }
0x141: {  	v4 =	vperm.xlane v3, v0;
	_ =	sdelay $0x1  }
0x142: {  	v4 =	vadd.s32 v1, v4;
	_ =	sdelay $0x4  }
0x143: {  	[tilespmem:s9], [sflag:$0x1] =	stream.indirect_vreg.gather [hbm4b:s3+s2], $0x80, v4, vm0, $0xb8;
	[tilespmem:$0x10100] =	vst v63  }
0x144: {  	v3 =	vperm.xlane v3, v2  }
0x145: {  	[tilespmem:s22], [sflag:$0x1] =	stream.indirect_vreg.gather [hbm4b:s4+s2], $0x80, v4, vm0, $0xb8;
	[tilespmem:$0x10100] =	vst v63  }
0x146: {  	v3 =	vadd.s32 v1, v3  }
0x147: {  	[tilespmem:s23], [sflag:$0x1] =	stream.indirect_vreg.gather [hbm4b:s5+s2], $0x80, v4, vm0, $0xb8;
	[tilespmem:$0x10100] =	vst v63  }
0x148: {  	_ = 	snop  }
0x149: {  	[tilespmem:s24], [sflag:$0x1] =	stream.indirect_vreg.gather [hbm4b:s6+s2], $0x80, v4, vm0, $0xb8;
	[tilespmem:$0x10100] =	vst v63  }
0x14a: {  	_ = 	snop  }
0x14b: {  	[tilespmem:s26], [sflag:$0x1] =	stream.indirect_vreg.gather [hbm4b:s3+s2], $0x80, v3, vm0, $0xb8;
	[tilespmem:$0x10100] =	vst v63  }
0x14c: {  	_ = 	snop  }
0x14d: {  	[tilespmem:s28], [sflag:$0x1] =	stream.indirect_vreg.gather [hbm4b:s4+s2], $0x80, v3, vm0, $0xb8;
	[tilespmem:$0x10100] =	vst v63  }
0x14e: {  	_ = 	snop  }
0x14f: {  	[tilespmem:s29], [sflag:$0x1] =	stream.indirect_vreg.gather [hbm4b:s5+s2], $0x80, v3, vm0, $0xb8;
	[tilespmem:$0x10100] =	vst v63  }
0x150: {  	_ = 	snop  }
0x151: {  	[tilespmem:s30], [sflag:$0x1] =	stream.indirect_vreg.gather [hbm4b:s6+s2], $0x80, v3, vm0, $0xb8;
	[tilespmem:$0x10100] =	vst v63  }
0x152: {  	v3 =	vld [tilespmem:$0xD0];
	_ =	sdelay $0x4  }
0x153: {  	v61 =	vshll.u32 v3, $0x3  }
0x154: {  	v3 =	vand.u32 $0x7, v3;
	v4 =	vand.u32 $0xFFFFFFC0, v61  }
0x155: {  	v3 =	vor.u32 v3, v4  }
0x156: {  	v4 =	vperm.xlane v3, v0;
	_ =	sdelay $0x1  }
0x157: {  	v4 =	vadd.s32 v1, v4;
	_ =	sdelay $0x4  }
0x158: {  	[tilespmem:s31], [sflag:$0x1] =	stream.indirect_vreg.gather [hbm4b:s3+s2], $0x80, v4, vm0, $0xb8;
	[tilespmem:$0x10100] =	vst v63  }
0x159: {  	v3 =	vperm.xlane v3, v2  }
0x15a: {  	[tilespmem:s1], [sflag:$0x1] =	stream.indirect_vreg.gather [hbm4b:s4+s2], $0x80, v4, vm0, $0xb8;
	[tilespmem:$0x10100] =	vst v63  }
0x15b: {  	v3 =	vadd.s32 v1, v3  }
0x15c: {  	[tilespmem:s15], [sflag:$0x1] =	stream.indirect_vreg.gather [hbm4b:s5+s2], $0x80, v4, vm0, $0xb8;
	[tilespmem:$0x10100] =	vst v63  }
0x15d: {  	_ = 	snop  }
0x15e: {  	[tilespmem:s8], [sflag:$0x1] =	stream.indirect_vreg.gather [hbm4b:s6+s2], $0x80, v4, vm0, $0xb8;
	[tilespmem:$0x10100] =	vst v63  }
0x15f: {  	_ = 	snop  }
0x160: {  	[tilespmem:s10], [sflag:$0x1] =	stream.indirect_vreg.gather [hbm4b:s3+s2], $0x80, v3, vm0, $0xb8;
	[tilespmem:$0x10100] =	vst v63  }
0x161: {  	_ = 	snop  }
0x162: {  	[tilespmem:s11], [sflag:$0x1] =	stream.indirect_vreg.gather [hbm4b:s4+s2], $0x80, v3, vm0, $0xb8;
	[tilespmem:$0x10100] =	vst v63  }
0x163: {  	_ = 	snop  }
0x164: {  	[tilespmem:s12], [sflag:$0x1] =	stream.indirect_vreg.gather [hbm4b:s5+s2], $0x80, v3, vm0, $0xb8;
	[tilespmem:$0x10100] =	vst v63  }
0x165: {  	_ = 	snop  }
0x166: {  	[tilespmem:s13], [sflag:$0x1] =	stream.indirect_vreg.gather [hbm4b:s6+s2], $0x80, v3, vm0, $0xb8;
	[tilespmem:$0x10100] =	vst v63  }
0x167: {  	_ =	swait.ge [sflag:s19], $0x8000  }
0x168: {  	[sflag:s19] =	ssyncset.done $0x0  }
0x169: {  	s1 =	rddreg [dreg:$0x9];
	[sflag:s19] =	ssyncadd.s32 $0xFFFF8000  }
0x16a: {  	[hbm4b:s1+s2] =	stream.linear.scatter [tilespmem:s25], [sflag:$0x4], $0x8000, $0x38;
	[tilespmem:$0x10100] =	vst v63  }
0x16b: {  	_ =	swait.ge [sflag:s20], $0x8000  }
0x16c: {  	[sflag:s20] =	ssyncset.done $0x0  }
0x16d: {  	[sflag:s20] =	ssyncadd.s32 $0xFFFF8000  }
0x16e: {  	v3 =	vld [tilespmem:$0xE0];
	_ =	sdelay $0x4  }
0x16f: {  	v62 =	vshll.u32 v3, $0x3  }
0x170: {  	v3 =	vand.u32 $0x7, v3;
	v4 =	vand.u32 $0xFFFFFFC0, v62  }
0x171: {  	v3 =	vor.u32 v3, v4  }
0x172: {  	v4 =	vperm.xlane v3, v0;
	_ =	sdelay $0x1  }
0x173: {  	v4 =	vadd.s32 v1, v4;
	_ =	sdelay $0x4  }
0x174: {  	[tilespmem:s25], [sflag:$0x2] =	stream.indirect_vreg.gather [hbm4b:s3+s2], $0x80, v4, vm0, $0xb8;
	[tilespmem:$0x10100] =	vst v63  }
0x175: {  	s21 =	simm.s32 $0x8900;
	v3 =	vperm.xlane v3, v2  }
0x176: {  	[tilespmem:s21], [sflag:$0x2] =	stream.indirect_vreg.gather [hbm4b:s4+s2], $0x80, v4, vm0, $0xb8;
	[tilespmem:$0x10100] =	vst v63  }
0x177: {  	s0 =	simm.s32 $0x9100;
	v3 =	vadd.s32 v1, v3  }
0x178: {  	[tilespmem:s0], [sflag:$0x2] =	stream.indirect_vreg.gather [hbm4b:s5+s2], $0x80, v4, vm0, $0xb8;
	[tilespmem:$0x10100] =	vst v63  }
0x179: {  	s1 =	simm.s32 $0x9900  }
0x17a: {  	[tilespmem:s1], [sflag:$0x2] =	stream.indirect_vreg.gather [hbm4b:s6+s2], $0x80, v4, vm0, $0xb8;
	[tilespmem:$0x10100] =	vst v63  }
0x17b: {  	s14 =	simm.s32 $0xA100  }
0x17c: {  	[tilespmem:s14], [sflag:$0x2] =	stream.indirect_vreg.gather [hbm4b:s3+s2], $0x80, v3, vm0, $0xb8;
	[tilespmem:$0x10100] =	vst v63  }
0x17d: {  	s16 =	simm.s32 $0xA900  }
0x17e: {  	[tilespmem:s16], [sflag:$0x2] =	stream.indirect_vreg.gather [hbm4b:s4+s2], $0x80, v3, vm0, $0xb8;
	[tilespmem:$0x10100] =	vst v63  }
0x17f: {  	s21 =	simm.s32 $0xB100  }
0x180: {  	[tilespmem:s21], [sflag:$0x2] =	stream.indirect_vreg.gather [hbm4b:s5+s2], $0x80, v3, vm0, $0xb8;
	[tilespmem:$0x10100] =	vst v63  }
0x181: {  	s1 =	simm.s32 $0xB900  }
0x182: {  	[tilespmem:s1], [sflag:$0x2] =	stream.indirect_vreg.gather [hbm4b:s6+s2], $0x80, v3, vm0, $0xb8;
	[tilespmem:$0x10100] =	vst v63  }
0x183: {  	v3 =	vld [tilespmem:$0xF0];
	_ =	sdelay $0x4  }
0x184: {  	v63 =	vshll.u32 v3, $0x3  }
0x185: {  	v3 =	vand.u32 $0x7, v3;
	v4 =	vand.u32 $0xFFFFFFC0, v63  }
0x186: {  	v3 =	vor.u32 v3, v4  }
0x187: {  	v4 =	vperm.xlane v3, v0;
	_ =	sdelay $0x1  }
0x188: {  	v4 =	vadd.s32 v1, v4;
	_ =	sdelay $0x3  }
0x189: {  	s14 =	simm.s32 $0xC100  }
0x18a: {  	[tilespmem:s14], [sflag:$0x2] =	stream.indirect_vreg.gather [hbm4b:s3+s2], $0x80, v4, vm0, $0xb8;
	[tilespmem:$0x10100] =	vst v63  }
0x18b: {  	s16 =	simm.s32 $0xC900;
	v3 =	vperm.xlane v3, v2  }
0x18c: {  	[tilespmem:s16], [sflag:$0x2] =	stream.indirect_vreg.gather [hbm4b:s4+s2], $0x80, v4, vm0, $0xb8;
	[tilespmem:$0x10100] =	vst v63  }
0x18d: {  	s21 =	simm.s32 $0xD100;
	v3 =	vadd.s32 v1, v3  }
0x18e: {  	[tilespmem:s21], [sflag:$0x2] =	stream.indirect_vreg.gather [hbm4b:s5+s2], $0x80, v4, vm0, $0xb8;
	[tilespmem:$0x10100] =	vst v63  }
0x18f: {  	s1 =	simm.s32 $0xD900  }
0x190: {  	[tilespmem:s1], [sflag:$0x2] =	stream.indirect_vreg.gather [hbm4b:s6+s2], $0x80, v4, vm0, $0xb8;
	[tilespmem:$0x10100] =	vst v63  }
0x191: {  	s14 =	simm.s32 $0xE100  }
0x192: {  	[tilespmem:s14], [sflag:$0x2] =	stream.indirect_vreg.gather [hbm4b:s3+s2], $0x80, v3, vm0, $0xb8;
	[tilespmem:$0x10100] =	vst v63  }
0x193: {  	s16 =	simm.s32 $0xE900  }
0x194: {  	[tilespmem:s16], [sflag:$0x2] =	stream.indirect_vreg.gather [hbm4b:s4+s2], $0x80, v3, vm0, $0xb8;
	[tilespmem:$0x10100] =	vst v63  }
0x195: {  	s21 =	simm.s32 $0xF100  }
0x196: {  	[tilespmem:s21], [sflag:$0x2] =	stream.indirect_vreg.gather [hbm4b:s5+s2], $0x80, v3, vm0, $0xb8;
	[tilespmem:$0x10100] =	vst v63  }
0x197: {  	s1 =	simm.s32 $0xF900  }
0x198: {  	[tilespmem:s1], [sflag:$0x2] =	stream.indirect_vreg.gather [hbm4b:s6+s2], $0x80, v3, vm0, $0xb8;
	[tilespmem:$0x10100] =	vst v63  }
0x199: {  	_ =	swait.ge [sflag:s17], $0x8000  }
0x19a: {  	[sflag:s17] =	ssyncset.done $0x0  }
0x19b: {  	s14 =	rddreg [dreg:$0xa];
	[sflag:s17] =	ssyncadd.s32 $0xFFFF8000  }
0x19c: {  	[hbm4b:s14+s2] =	stream.linear.scatter [tilespmem:s9], [sflag:$0x3], $0x8000, $0x38;
	[tilespmem:$0x10100] =	vst v63  }
0x19d: {  	_ =	swait.ge [sflag:s18], $0x8000  }
0x19e: {  	[sflag:s18] =	ssyncset.done $0x0  }
0x19f: {  	[sflag:s18] =	ssyncadd.s32 $0xFFFF8000  }
0x1a0: {  	_ =	swait.ge [sflag:s19], $0x8000  }
0x1a1: {  	p0 =	sne.s32 s7, $0x1;
	[sflag:s19] =	ssyncset.done $0x0  }
.Ltmp0:
0x1a2: {  	s16 =	rddreg [dreg:$0xb];
	[sflag:s19] =	ssyncadd.s32 $0xFFFF8000;
	(pc) =	sbr.rel @p0 .LBB2_1-.Ltmp0, $4  }
0x1a3: {  	[hbm4b:s16+s2] =	stream.linear.scatter [tilespmem:s25], [sflag:$0x4], $0x8000, $0x38;
	[tilespmem:$0x10100] =	vst v63  }
0x1a4: {  	_ =	swait.ge [sflag:s20], $0x8000  }
0x1a5: {  	[sflag:s20] =	ssyncset.done $0x0  }
0x1a6: {  	s7 =	sadd.s32 $0xFFFFFFFF, s7;
	[sflag:s20] =	ssyncadd.s32 $0xFFFF8000  }
0x1a7: {  	_ =	sfence.sel $0x180000  }
0x1a8: {  	[bflag:$0x0] =	sbarrier.arrive $0xFFFF  }
0x1a9: {  	_ =	strace $0x9000004A  }
0x1aa: {  	s0 =	stileid.u32;
	[bflag:$0x2] =	sbarrier.arrive $0xFFFF  }
0x1ab: {  	p0 =	sne.s32 s0, $0x0;
	s0 =	rddreg [dreg:$0x2]  }
0x1ac: {  	s0 =	sadd.s32 @!p0 $0x100000, s0  }
0x1ad: {  	[sflag:s0] =	ssyncadd.tile.s32 @!p0 $0x1;
	_ =	shalt  }
.Lfunc_end2:
_tile_overlayer_lowered:
.L_overlay_start_2:
0x1ae: {  	(tag) =	ssettag $0x2  }
0x1af: {  	s0 =	rddreg [dreg:$0x0];
	s2 =	stileid.u32  }
0x1b0: {  	s1 =	rddreg [dreg:$0x1];
	p0 =	sne.s32 s2, $0x0  }
0x1b1: {  	s3 =	rddreg [dreg:$0x2];
	[bflag:$0x3] =	sbarrier.arrive $0xFFFF;
	s2 =	simm.s32 @!p0 $0x1C05  }
0x1b2: {  	[timem:s3], [sflag:s2] =	dma.local @!p0 [hbm:s0], s1  }
0x1b3: {  	s0 =	simm.s32 @!p0 $0x5  }
0x1b4: {  	_ =	swait.ge @!p0 [sflag:s0], s1  }
0x1b5: {  	s1 =	ssub.s32 @!p0 $0x0, s1;
	[sflag:s0] =	ssyncset.done @!p0 $0x0  }
0x1b6: {  	[sflag:s0] =	ssyncadd.s32 @!p0 s1  }
0x1b7: {  	[bflag:$0x3] =	sbarrier.arrive $0xFFFF  }
0x1b8: {  	_ =	shalt  }

// kernel: kernel.9.cloned.1.call-start
scs
__scs_entry_jumppad:
0x0: {  	(pc) =	sbr.rel $0x88, $3  }
0x1: {  	(tag) =	ssettag $0x0;
	lr =	simm.s32 $0x1  }
0x2: {  	[smem:$0x3F9D] =	sst lr;
	_ =	strace $0xD0000000  }
0x3: {  	_ = 	snop  }
0x4: {  	_ = 	snop  }
0x5: {  	_ = 	snop  }
0x6: {  	_ = 	snop  }
0x7: {  	_ = 	snop  }
__scs_overlays_trampoline_lowered:
0x8: {  	[smem:$0x3FAC] =	sst s0  }
0x9: {  	[smem:$0x3FAD] =	sst s1  }
0xa: {  	[smem:$0x3FAE] =	sst s2  }
0xb: {  	[smem:$0x3FAF] =	sst s3  }
0xc: {  	[smem:$0x3FB0] =	sst s4  }
0xd: {  	[smem:$0x3FB1] =	sst s5  }
0xe: {  	[smem:$0x3FB2] =	sst s6  }
0xf: {  	[smem:$0x3FB3] =	sst s7  }
0x10: {  	[smem:$0x3FB4] =	sst s8  }
0x11: {  	[smem:$0x3FB5] =	sst s9;
	s0 =	simm.s32 @!p0 $0x0  }
0x12: {  	s1 =	sld [smem:$0x3F9B];
	s0 =	simm.s32 @p0 $0x1  }
0x13: {  	[smem:$0x3FB6] =	sst s0;
	s0 =	simm.s32 @!p1 $0x0  }
0x14: {  	s2 =	sld [smem:$0x3F9A];
	s0 =	simm.s32 @p1 $0x1  }
0x15: {  	[smem:$0x3FB7] =	sst s0;
	s0 =	simm.s32 @!p2 $0x0  }
0x16: {  	s3 =	sld [smem:$0x3FDB];
	s0 =	simm.s32 @p2 $0x1  }
0x17: {  	s4 =	simm.s32 $0x1BF5;
	[smem:$0x3FB9] =	sst s0  }
0x18: {  	s0 =	sld [smem:$0x3F9C];
	_ =	swait.ge [sflag:s4], $0x0  }
0x19: {  	s7 =	sld [smem:$0x3F9D]  }
0x1a: {  	s8 =	sadd.s32 $0xFFFFE003, lr  }
0x1b: {  	s9 =	sadd.s32 $0xFFFFFEF7, lr;
	s5 =	simm.s32 $0xFFFFFFFF;
	p2 =	slt.u32 s8, $0xFFFFF086  }
0x1c: {  	p1 =	slt.u32 s9, $0xF7A;
	s5 =	simm.s32 @!p2 $0x0  }
0x1d: {  	s5 =	simm.s32 @p1 $0x1;
	p0 =	seq.s32 s7, s2  }
0x1e: {  	s7 =	smul.u32 @!p0 $0xF7A, s2;
	p2 =	seq.s32 @!p0 s5, $0x0  }
0x1f: {  	s9 =	smul.u32 $0xF7A, s1;
	s8 =	simm.s32 @!p0 $0x1BF5;
	p2 =	por !p2, p0  }
0x20: {  	[sflag:s8] =	ssyncset.s32 @!p0 $0xFFFFF086;
	s6 =	sadd.s32 @!p0 s3, s7;
	s7 =	simm.s32 @!p0 $0x108  }
0x21: {  	s3 =	sadd.s32 s3, s9;
	s6 =	sadd.s32 @!p0 $0x88, s6;
	s7 =	simm.s32 @p2 $0x1082  }
0x22: {  	[simem:s7], [sflag:s8] =	dma.local @!p0 [hbm:s6], $0xF7A  }
0x23: {  	s9 =	sor.u32 $0xD0000000, s2;
	s6 =	simm.s32 $0x108;
	_ =	swait.ge @!p0 [sflag:s8], $0x0  }
0x24: {  	s3 =	sadd.s32 $0x88, s3;
	s6 =	simm.s32 @!p1 $0x1082;
	[sflag:s4] =	ssyncset.s32 $0xFFFFF086  }
0x25: {  	[simem:s6], [sflag:s4] =	dma.local [hbm:s3], $0xF7A  }
0x26: {  	[smem:$0x3F9D] =	sst s1;
	(tag) =	ssettag s2;
	_ =	strace s9  }
0x27: {  	s1 =	sld [smem:$0x3FAD]  }
0x28: {  	s2 =	sld [smem:$0x3FAE]  }
0x29: {  	s4 =	sld [smem:$0x3FB0]  }
0x2a: {  	p0 =	seq.s32 s5, $0x0;
	s5 =	sld [smem:$0x3FB1]  }
0x2b: {  	s6 =	sld [smem:$0x3FB2]  }
0x2c: {  	s7 =	sld [smem:$0x3FB3]  }
0x2d: {  	s3 =	simm.s32 $0x108;
	s8 =	sld [smem:$0x3FB4]  }
0x2e: {  	s3 =	simm.s32 @!p0 $0x1082;
	s9 =	sld [smem:$0x3FB5]  }
0x2f: {  	lr =	sadd.s32 s0, s3;
	s0 =	sld [smem:$0x3FAC]  }
0x30: {  	s3 =	sld [smem:$0x3FAF]  }
0x31: {  	[smem:$0x3FB8] =	sst s10  }
0x32: {  	s10 =	sld [smem:$0x3FB6];
	_ =	sdelay $0x3  }
0x33: {  	p0 =	seq.s32 s10, $0x1;
	s10 =	sld [smem:$0x3FB8];
	_ =	sdelay $0x3  }
0x34: {  	[smem:$0x3FB8] =	sst s10  }
0x35: {  	s10 =	sld [smem:$0x3FB7];
	_ =	sdelay $0x3  }
0x36: {  	p1 =	seq.s32 s10, $0x1;
	s10 =	sld [smem:$0x3FB8];
	_ =	sdelay $0x3  }
0x37: {  	[smem:$0x3FB8] =	sst s10  }
0x38: {  	s10 =	sld [smem:$0x3FB9]  }
0x39: {  	_ = 	snop;
	(pc) =	sbr.ind lr, $3  }
0x3a: {  	_ = 	snop  }
0x3b: {  	_ = 	snop  }
0x3c: {  	p2 =	seq.s32 s10, $0x1;
	s10 =	sld [smem:$0x3FB8]  }
0x3d: {  	_ =	shalt  }
0x3e: {  	_ =	shalt  }
0x3f: {  	_ =	shalt  }
0x40: {  	_ =	shalt  }
0x41: {  	_ =	shalt  }
0x42: {  	_ =	shalt  }
0x43: {  	_ =	shalt  }
0x44: {  	_ =	shalt  }
0x45: {  	_ =	shalt  }
0x46: {  	_ =	shalt  }
0x47: {  	_ =	shalt  }
0x48: {  	_ =	shalt  }
0x49: {  	_ =	shalt  }
0x4a: {  	_ =	shalt  }
0x4b: {  	_ =	shalt  }
0x4c: {  	_ =	shalt  }
0x4d: {  	_ =	shalt  }
0x4e: {  	_ =	shalt  }
0x4f: {  	_ =	shalt  }
0x50: {  	_ =	shalt  }
0x51: {  	_ =	shalt  }
0x52: {  	_ =	shalt  }
0x53: {  	_ =	shalt  }
0x54: {  	_ =	shalt  }
0x55: {  	_ =	shalt  }
0x56: {  	_ =	shalt  }
0x57: {  	_ =	shalt  }
0x58: {  	_ =	shalt  }
0x59: {  	_ =	shalt  }
0x5a: {  	_ =	shalt  }
0x5b: {  	_ =	shalt  }
0x5c: {  	_ =	shalt  }
0x5d: {  	_ =	shalt  }
0x5e: {  	_ =	shalt  }
0x5f: {  	_ =	shalt  }
0x60: {  	_ =	shalt  }
0x61: {  	_ =	shalt  }
0x62: {  	_ =	shalt  }
0x63: {  	_ =	shalt  }
0x64: {  	_ =	shalt  }
0x65: {  	_ =	shalt  }
0x66: {  	_ =	shalt  }
0x67: {  	_ =	shalt  }
0x68: {  	_ =	shalt  }
0x69: {  	_ =	shalt  }
0x6a: {  	_ =	shalt  }
0x6b: {  	_ =	shalt  }
0x6c: {  	_ =	shalt  }
0x6d: {  	_ =	shalt  }
0x6e: {  	_ =	shalt  }
0x6f: {  	_ =	shalt  }
0x70: {  	_ =	shalt  }
0x71: {  	_ =	shalt  }
0x72: {  	_ =	shalt  }
0x73: {  	_ =	shalt  }
0x74: {  	_ =	shalt  }
0x75: {  	_ =	shalt  }
0x76: {  	_ =	shalt  }
0x77: {  	_ =	shalt  }
0x78: {  	_ =	shalt  }
0x79: {  	_ =	shalt  }
0x7a: {  	_ =	shalt  }
0x7b: {  	_ =	shalt  }
0x7c: {  	_ =	shalt  }
0x7d: {  	_ =	shalt  }
0x7e: {  	_ =	shalt  }
0x7f: {  	_ =	shalt  }
0x80: {  	_ =	shalt  }
0x81: {  	_ =	shalt  }
0x82: {  	_ =	shalt  }
0x83: {  	_ =	shalt  }
0x84: {  	_ =	shalt  }
0x85: {  	_ =	shalt  }
0x86: {  	_ =	shalt  }
0x87: {  	_ =	shalt  }
.Lfunc_end0:
.L_simem_size_0:
called_computation_lowered:
.L_overlay_start_0:
0x88: {  	s2 =	sld [smem:$0x3FD9]  }
0x89: {  	s3 =	sld [smem:$0x3FFE];
	_ =	sdelay $0x1  }
0x8a: {  	s1 =	srdreg.scid  }
0x8b: {  	s0 =	sand.u32 $0x1, s1  }
0x8c: {  	s16 =	sshll.u32 s0, $0xA;
	s2 =	sadd.s32 s3, s2  }
0x8d: {  	s2 =	sadd.s32 s2, s16  }
0x8e: {  	[smem:$0x3FC4] =	sst s2  }
0x8f: {  	_ = 	snop  }
0x90: {  	(tm) =	ssettm $0x1  }
0x91: {  	s17 =	sld [smem:$0x3FFB];
	_ =	sdelay $0x3  }
0x92: {  	_ =	strace s17  }
0x93: {  	s2 =	sld [smem:$0x3FFC];
	_ =	sdelay $0x3  }
0x94: {  	_ =	strace s2  }
0x95: {  	s2 =	sld [smem:$0x3FFD];
	_ =	sdelay $0x3  }
0x96: {  	_ =	strace s2  }
0x97: {  	_ =	strace $0x8FFFFFFF  }
0x98: {  	s18 =	sld [smem:$0x3FDB];
	_ =	sdelay $0x1  }
0x99: {  	s19 =	simm.s32 $_scs_section_size  }
0x9a: {  	s4 =	simm.s32 $_size__tile_overlayer_lowered;
	s5 =	simm.s32 $_tile_overlayer_lowered  }
0x9b: {  	s22 =	simm.s32 $0x1BFF;
	s21 =	sshll.u32 s5, $0x1;
	s2 =	sadd.s32 s19, s18  }
0x9c: {  	s6 =	simm.s32 $0x0;
	s20 =	sshll.u32 s4, $0x1;
	s4 =	sadd.s32 s21, s2  }
0x9d: {  	[timem:s6], [sflag:s22] =	dma.local [hbm:s4], s20  }
0x9e: {  	_ =	swait.ge [sflag:s22], s20  }
0x9f: {  	s3 =	ssub.s32 $0x0, s20;
	[sflag:s22] =	ssyncset.done $0x0  }
0xa0: {  	[sflag:s22] =	ssyncadd.s32 s3;
	_ =	sdelay $0x1  }
0xa1: {  	s23 =	simm.s32 $0x1B8B  }
0xa2: {  	_ =	swait.ge [sflag:s23], $0x1  }
0xa3: {  	[sflag:s23] =	ssyncset.done $0x0  }
0xa4: {  	s25 =	simm.s32 $0x1B8E;
	s24 =	sld [smem:$0x3FFE];
	[sflag:s23] =	ssyncadd.s32 $0xFFFFFFFF  }
0xa5: {  	s26 =	simm.s32 $execute0_lowered;
	[smem:$0x3FD2] =	sst s25  }
0xa6: {  	s4 =	sshll.u32 s26, $0x1;
	_ =	strace $0x80000046;
	[dreg:$0x1] =	wrdreg $0xFFFFFFFF  }
0xa7: {  	s28 =	simm.s32 $_size_execute0_lowered;
	s2 =	sadd.s32 s2, s4;
	[dreg:$0x0] =	wrdreg $0x0  }
0xa8: {  	s4 =	sshll.u32 s28, $0x1;
	[dreg:$0x2] =	wrdreg s2  }
0xa9: {  	[dreg:$0x3] =	wrdreg s4  }
0xaa: {  	[dreg:$0x4] =	wrdreg $0xC0  }
0xab: {  	_ =	task [dreg:s6], $0x5FFFF  }
0xac: {  	[dreg:$0x1] =	wrdreg $0xFFFFFFFF  }
0xad: {  	[dreg:$0x0] =	wrdreg $0x60  }
0xae: {  	[dreg:$0x2] =	wrdreg s24  }
0xaf: {  	[dreg:$0x3] =	wrdreg $0x9  }
0xb0: {  	_ =	task.clear_ibuf [dreg:s6], $0x4FFFF;
	_ =	strace $0x90000046  }
0xb1: {  	s29 =	simm.s32 $0x9;
	_ =	strace $0x80000048  }
0xb2: {  	_ =	swait.ge [sflag:s29], $0x1  }
0xb3: {  	[sflag:s29] =	ssyncadd.s32 $0xFFFFFFFF  }
0xb4: {  	_ =	strace $0x90000048  }
0xb5: {  	_ =	sfence  }
0xb6: {  	s30 =	sld [smem:$0x0];
	_ =	sdelay $0x2  }
0xb7: {  	s31 =	sshll.u32 s1, $0xD;
	s1 =	sshrl.u32 s1, $0x2  }
0xb8: {  	s3 =	sand.u32 $0x4000, s31;
	s1 =	sadd.s32 s1, s30  }
0xb9: {  	s0 =	sor.u32 s3, s0;
	s1 =	sshll.u32 s1, $0x11  }
0xba: {  	s0 =	sor.u32 s1, s0  }
0xbb: {  	s0 =	sadd.s32 $0x8F2B, s0  }
0xbc: {  	[sflag:s0] =	ssyncadd.remote.s32 $0x1  }
0xbd: {  	_ =	sfence.sel $0xFFFF  }
0xbe: {  	[dreg:$0x0] =	wrdreg $0xFFFFFFFF;
	(pc) =	sbr.abs _section_cstart, $3  }
0xbf: {  	[dreg:$0x1] =	wrdreg $0xFFFFFFFF  }
0xc0: {  	_ =	task.clear_ibuf [dreg:s6], $0x2FFFF;
	_ =	strace $0x9FFFFFFF  }
0xc1: {  	(tm) =	ssettm $0x7FFFFFFF  }
tec
execute0_lowered:
.L_overlay_start_1:
0x0: {  	(tag) =	ssettag $0x1  }
0x1: {  	s0 =	srdreg.scid  }
0x2: {  	s1 =	stileid.u32;
	s6 =	rddreg [dreg:$0x0]  }
0x3: {  	s9 =	simm.s32 $0x100;
	s17 =	simm.s32 $0x1;
	s18 =	simm.s32 $0x3  }
0x4: {  	s19 =	simm.s32 $0x2;
	s20 =	simm.s32 $0x4;
	s28 =	simm.s32 $0x2900  }
0x5: {  	s29 =	simm.s32 $0x3100;
	s30 =	simm.s32 $0x3900;
	s0 =	sand.u32 $0x1, s0  }
0x6: {  	s31 =	simm.s32 $0x4100;
	s1 =	sshll.u32 s1, $0x9;
	s2 =	sshll.u32 s0, $0x8  }
0x7: {  	s15 =	simm.s32 $0x5100;
	s8 =	simm.s32 $0x5900;
	s1 =	sor.u32 s2, s1  }
0x8: {  	s10 =	simm.s32 $0x6100;
	s11 =	simm.s32 $0x6900;
	s3 =	sshrl.u32 s1, $0x3  }
0x9: {  	s2 =	simm.s32 $0x0;
	s1 =	sshll.u32 s1, $0x7;
	s3 =	sadd.s32 s3, s6  }
0xa: {  	[smem:$0x7FF] =	sst s2;
	s1 =	sadd.s32 s1, s6;
	s3 =	sadd.s32 $0x12A00, s3  }
0xb: {  	_ =	strace $0x80000047;
	s4 =	sadd.s32 $0x12E00, s1;
	[dreg:$0x2] =	wrdreg s3  }
0xc: {  	s12 =	simm.s32 $0x7100;
	s22 =	sadd.s32 $0x13E00, s1;
	[dreg:$0x3] =	wrdreg s4  }
0xd: {  	s13 =	simm.s32 $0x7900;
	s23 =	sadd.s32 $0x14E00, s1;
	[dreg:$0x4] =	wrdreg s22  }
0xe: {  	s0 =	ssub.s32 $0x2, s0;
	s24 =	sadd.s32 $0x15E00, s1;
	[dreg:$0x5] =	wrdreg s23  }
0xf: {  	s5 =	sshrl.u32 s0, $0x1;
	s25 =	sadd.s32 $0x16E00, s1;
	[dreg:$0x6] =	wrdreg s24  }
0x10: {  	s0 =	ssub.s32 s0, s5;
	s7 =	sadd.s32 $0x17E00, s1;
	[dreg:$0x7] =	wrdreg s25  }
0x11: {  	s5 =	sadd.s32 $0x2C00, s6;
	s26 =	sadd.s32 $0x18E00, s1;
	[dreg:$0x8] =	wrdreg s7  }
0x12: {  	s1 =	sadd.s32 $0x19E00, s1;
	s3 =	sadd.s32 $0x2A00, s6;
	[dreg:$0x9] =	wrdreg s26  }
0x13: {  	v2 =	vlaneseq.u32;
	s4 =	sadd.s32 $0x2B00, s6;
	s6 =	sadd.s32 $0x2D00, s6;
	[dreg:$0xa] =	wrdreg s1  }
0x14: {  	vm0 =	vmmov $0xffff;
	v1 =	vshrl.u32 v2, $0x3;
	s7 =	smax.u32 s0, $0x1;
	s25 =	simm.s32 $0x8100;
	s22 =	simm.s32 $0x900  }
0x15: {  	v0 =	vand.u32 $0x7, v2;
	v2 =	vor.u32 $0x8, v2;
	v1 =	vmul.u32 $0x8, v1;
	s23 =	simm.s32 $0x1100;
	s24 =	simm.s32 $0x1900;
	s26 =	simm.s32 $0x2100  }
.LBB2_1:
0x16: {  	s21 =	rddreg [dreg:$0x2];
	s14 =	simm.s32 $0x5  }
0x17: {  	[tilespmem:s2], [sflag:$0x5] =	stream.linear.gather [hbm4b:s21+s2], $0x100, $0x38;
	[tilespmem:$0x10100] =	vst v63  }
0x18: {  	_ =	swait.ge [sflag:s14], $0x100  }
0x19: {  	[sflag:s14] =	ssyncset.done $0x0  }
0x1a: {  	[sflag:s14] =	ssyncadd.s32 $0xFFFFFF00  }
0x1b: {  	v3 =	vld [tilespmem:$0x0];
	_ =	sdelay $0x4  }
0x1c: {  	v4 =	vshll.u32 v3, $0x3  }
0x1d: {  	v3 =	vand.u32 $0x7, v3;
	v4 =	vand.u32 $0xFFFFFFC0, v4  }
0x1e: {  	v3 =	vor.u32 v3, v4  }
0x1f: {  	v4 =	vperm.xlane v3, v0;
	_ =	sdelay $0x1  }
0x20: {  	v4 =	vadd.s32 v1, v4;
	_ =	sdelay $0x4  }
0x21: {  	[tilespmem:s9], [sflag:$0x1] =	stream.indirect_vreg.gather [hbm4b:s3+s2], $0x80, v4, vm0, $0xb8;
	[tilespmem:$0x10100] =	vst v63  }
0x22: {  	v3 =	vperm.xlane v3, v2  }
0x23: {  	[tilespmem:s22], [sflag:$0x1] =	stream.indirect_vreg.gather [hbm4b:s4+s2], $0x80, v4, vm0, $0xb8;
	[tilespmem:$0x10100] =	vst v63  }
0x24: {  	v3 =	vadd.s32 v1, v3  }
0x25: {  	[tilespmem:s23], [sflag:$0x1] =	stream.indirect_vreg.gather [hbm4b:s5+s2], $0x80, v4, vm0, $0xb8;
	[tilespmem:$0x10100] =	vst v63  }
0x26: {  	_ = 	snop  }
0x27: {  	[tilespmem:s24], [sflag:$0x1] =	stream.indirect_vreg.gather [hbm4b:s6+s2], $0x80, v4, vm0, $0xb8;
	[tilespmem:$0x10100] =	vst v63  }
0x28: {  	_ = 	snop  }
0x29: {  	[tilespmem:s26], [sflag:$0x1] =	stream.indirect_vreg.gather [hbm4b:s3+s2], $0x80, v3, vm0, $0xb8;
	[tilespmem:$0x10100] =	vst v63  }
0x2a: {  	_ = 	snop  }
0x2b: {  	[tilespmem:s28], [sflag:$0x1] =	stream.indirect_vreg.gather [hbm4b:s4+s2], $0x80, v3, vm0, $0xb8;
	[tilespmem:$0x10100] =	vst v63  }
0x2c: {  	_ = 	snop  }
0x2d: {  	[tilespmem:s29], [sflag:$0x1] =	stream.indirect_vreg.gather [hbm4b:s5+s2], $0x80, v3, vm0, $0xb8;
	[tilespmem:$0x10100] =	vst v63  }
0x2e: {  	_ = 	snop  }
0x2f: {  	[tilespmem:s30], [sflag:$0x1] =	stream.indirect_vreg.gather [hbm4b:s6+s2], $0x80, v3, vm0, $0xb8;
	[tilespmem:$0x10100] =	vst v63  }
0x30: {  	v3 =	vld [tilespmem:$0x10];
	_ =	sdelay $0x4  }
0x31: {  	v49 =	vshll.u32 v3, $0x3  }
0x32: {  	v3 =	vand.u32 $0x7, v3;
	v4 =	vand.u32 $0xFFFFFFC0, v49  }
0x33: {  	v3 =	vor.u32 v3, v4  }
0x34: {  	v4 =	vperm.xlane v3, v0;
	_ =	sdelay $0x1  }
0x35: {  	v4 =	vadd.s32 v1, v4;
	_ =	sdelay $0x4  }
0x36: {  	[tilespmem:s31], [sflag:$0x1] =	stream.indirect_vreg.gather [hbm4b:s3+s2], $0x80, v4, vm0, $0xb8;
	[tilespmem:$0x10100] =	vst v63  }
0x37: {  	s1 =	simm.s32 $0x4900;
	v3 =	vperm.xlane v3, v2  }
0x38: {  	[tilespmem:s1], [sflag:$0x1] =	stream.indirect_vreg.gather [hbm4b:s4+s2], $0x80, v4, vm0, $0xb8;
	[tilespmem:$0x10100] =	vst v63  }
0x39: {  	v3 =	vadd.s32 v1, v3  }
0x3a: {  	[tilespmem:s15], [sflag:$0x1] =	stream.indirect_vreg.gather [hbm4b:s5+s2], $0x80, v4, vm0, $0xb8;
	[tilespmem:$0x10100] =	vst v63  }
0x3b: {  	_ = 	snop  }
0x3c: {  	[tilespmem:s8], [sflag:$0x1] =	stream.indirect_vreg.gather [hbm4b:s6+s2], $0x80, v4, vm0, $0xb8;
	[tilespmem:$0x10100] =	vst v63  }
0x3d: {  	_ = 	snop  }
0x3e: {  	[tilespmem:s10], [sflag:$0x1] =	stream.indirect_vreg.gather [hbm4b:s3+s2], $0x80, v3, vm0, $0xb8;
	[tilespmem:$0x10100] =	vst v63  }
0x3f: {  	_ = 	snop  }
0x40: {  	[tilespmem:s11], [sflag:$0x1] =	stream.indirect_vreg.gather [hbm4b:s4+s2], $0x80, v3, vm0, $0xb8;
	[tilespmem:$0x10100] =	vst v63  }
0x41: {  	_ = 	snop  }
0x42: {  	[tilespmem:s12], [sflag:$0x1] =	stream.indirect_vreg.gather [hbm4b:s5+s2], $0x80, v3, vm0, $0xb8;
	[tilespmem:$0x10100] =	vst v63  }
0x43: {  	_ = 	snop  }
0x44: {  	[tilespmem:s13], [sflag:$0x1] =	stream.indirect_vreg.gather [hbm4b:s6+s2], $0x80, v3, vm0, $0xb8;
	[tilespmem:$0x10100] =	vst v63  }
0x45: {  	v3 =	vld [tilespmem:$0x20];
	_ =	sdelay $0x4  }
0x46: {  	v50 =	vshll.u32 v3, $0x3  }
0x47: {  	v3 =	vand.u32 $0x7, v3;
	v4 =	vand.u32 $0xFFFFFFC0, v50  }
0x48: {  	v3 =	vor.u32 v3, v4  }
0x49: {  	v4 =	vperm.xlane v3, v0;
	_ =	sdelay $0x1  }
0x4a: {  	v4 =	vadd.s32 v1, v4;
	_ =	sdelay $0x4  }
0x4b: {  	[tilespmem:s25], [sflag:$0x2] =	stream.indirect_vreg.gather [hbm4b:s3+s2], $0x80, v4, vm0, $0xb8;
	[tilespmem:$0x10100] =	vst v63  }
0x4c: {  	s14 =	simm.s32 $0x8900;
	v3 =	vperm.xlane v3, v2  }
0x4d: {  	[tilespmem:s14], [sflag:$0x2] =	stream.indirect_vreg.gather [hbm4b:s4+s2], $0x80, v4, vm0, $0xb8;
	[tilespmem:$0x10100] =	vst v63  }
0x4e: {  	s16 =	simm.s32 $0x9100;
	v3 =	vadd.s32 v1, v3  }
0x4f: {  	[tilespmem:s16], [sflag:$0x2] =	stream.indirect_vreg.gather [hbm4b:s5+s2], $0x80, v4, vm0, $0xb8;
	[tilespmem:$0x10100] =	vst v63  }
0x50: {  	s21 =	simm.s32 $0x9900  }
0x51: {  	[tilespmem:s21], [sflag:$0x2] =	stream.indirect_vreg.gather [hbm4b:s6+s2], $0x80, v4, vm0, $0xb8;
	[tilespmem:$0x10100] =	vst v63  }
0x52: {  	s16 =	simm.s32 $0xA100  }
0x53: {  	[tilespmem:s16], [sflag:$0x2] =	stream.indirect_vreg.gather [hbm4b:s3+s2], $0x80, v3, vm0, $0xb8;
	[tilespmem:$0x10100] =	vst v63  }
0x54: {  	s14 =	simm.s32 $0xA900  }
0x55: {  	[tilespmem:s14], [sflag:$0x2] =	stream.indirect_vreg.gather [hbm4b:s4+s2], $0x80, v3, vm0, $0xb8;
	[tilespmem:$0x10100] =	vst v63  }
0x56: {  	s16 =	simm.s32 $0xB100  }
0x57: {  	[tilespmem:s16], [sflag:$0x2] =	stream.indirect_vreg.gather [hbm4b:s5+s2], $0x80, v3, vm0, $0xb8;
	[tilespmem:$0x10100] =	vst v63  }
0x58: {  	s14 =	simm.s32 $0xB900  }
0x59: {  	[tilespmem:s14], [sflag:$0x2] =	stream.indirect_vreg.gather [hbm4b:s6+s2], $0x80, v3, vm0, $0xb8;
	[tilespmem:$0x10100] =	vst v63  }
0x5a: {  	v3 =	vld [tilespmem:$0x30];
	_ =	sdelay $0x4  }
0x5b: {  	v51 =	vshll.u32 v3, $0x3  }
0x5c: {  	v3 =	vand.u32 $0x7, v3;
	v4 =	vand.u32 $0xFFFFFFC0, v51  }
0x5d: {  	v3 =	vor.u32 v3, v4  }
0x5e: {  	v4 =	vperm.xlane v3, v0;
	_ =	sdelay $0x1  }
0x5f: {  	v4 =	vadd.s32 v1, v4;
	_ =	sdelay $0x3  }
0x60: {  	s16 =	simm.s32 $0xC100  }
0x61: {  	[tilespmem:s16], [sflag:$0x2] =	stream.indirect_vreg.gather [hbm4b:s3+s2], $0x80, v4, vm0, $0xb8;
	[tilespmem:$0x10100] =	vst v63  }
0x62: {  	s21 =	simm.s32 $0xC900;
	v3 =	vperm.xlane v3, v2  }
0x63: {  	[tilespmem:s21], [sflag:$0x2] =	stream.indirect_vreg.gather [hbm4b:s4+s2], $0x80, v4, vm0, $0xb8;
	[tilespmem:$0x10100] =	vst v63  }
0x64: {  	v3 =	vadd.s32 v1, v3;
	s21 =	simm.s32 $0xD100  }
0x65: {  	[tilespmem:s21], [sflag:$0x2] =	stream.indirect_vreg.gather [hbm4b:s5+s2], $0x80, v4, vm0, $0xb8;
	[tilespmem:$0x10100] =	vst v63  }
0x66: {  	s21 =	simm.s32 $0xD900  }
0x67: {  	[tilespmem:s21], [sflag:$0x2] =	stream.indirect_vreg.gather [hbm4b:s6+s2], $0x80, v4, vm0, $0xb8;
	[tilespmem:$0x10100] =	vst v63  }
0x68: {  	s21 =	simm.s32 $0xE100  }
0x69: {  	[tilespmem:s21], [sflag:$0x2] =	stream.indirect_vreg.gather [hbm4b:s3+s2], $0x80, v3, vm0, $0xb8;
	[tilespmem:$0x10100] =	vst v63  }
0x6a: {  	s21 =	simm.s32 $0xE900  }
0x6b: {  	[tilespmem:s21], [sflag:$0x2] =	stream.indirect_vreg.gather [hbm4b:s4+s2], $0x80, v3, vm0, $0xb8;
	[tilespmem:$0x10100] =	vst v63  }
0x6c: {  	s21 =	simm.s32 $0xF100  }
0x6d: {  	[tilespmem:s21], [sflag:$0x2] =	stream.indirect_vreg.gather [hbm4b:s5+s2], $0x80, v3, vm0, $0xb8;
	[tilespmem:$0x10100] =	vst v63  }
0x6e: {  	s21 =	simm.s32 $0xF900  }
0x6f: {  	[tilespmem:s21], [sflag:$0x2] =	stream.indirect_vreg.gather [hbm4b:s6+s2], $0x80, v3, vm0, $0xb8;
	[tilespmem:$0x10100] =	vst v63  }
0x70: {  	_ =	swait.ge [sflag:s17], $0x8000  }
0x71: {  	[sflag:s17] =	ssyncset.done $0x0  }
0x72: {  	s21 =	rddreg [dreg:$0x3];
	[sflag:s17] =	ssyncadd.s32 $0xFFFF8000  }
0x73: {  	[hbm4b:s21+s2] =	stream.linear.scatter [tilespmem:s9], [sflag:$0x3], $0x8000, $0x38;
	[tilespmem:$0x10100] =	vst v63  }
0x74: {  	_ =	swait.ge [sflag:s18], $0x8000  }
0x75: {  	[sflag:s18] =	ssyncset.done $0x0  }
0x76: {  	[sflag:s18] =	ssyncadd.s32 $0xFFFF8000  }
0x77: {  	v3 =	vld [tilespmem:$0x40];
	_ =	sdelay $0x4  }
0x78: {  	v52 =	vshll.u32 v3, $0x3  }
0x79: {  	v3 =	vand.u32 $0x7, v3;
	v4 =	vand.u32 $0xFFFFFFC0, v52  }
0x7a: {  	v3 =	vor.u32 v3, v4  }
0x7b: {  	v4 =	vperm.xlane v3, v0;
	_ =	sdelay $0x1  }
0x7c: {  	v4 =	vadd.s32 v1, v4;
	_ =	sdelay $0x4  }
0x7d: {  	[tilespmem:s9], [sflag:$0x1] =	stream.indirect_vreg.gather [hbm4b:s3+s2], $0x80, v4, vm0, $0xb8;
	[tilespmem:$0x10100] =	vst v63  }
0x7e: {  	v3 =	vperm.xlane v3, v2  }
0x7f: {  	[tilespmem:s22], [sflag:$0x1] =	stream.indirect_vreg.gather [hbm4b:s4+s2], $0x80, v4, vm0, $0xb8;
	[tilespmem:$0x10100] =	vst v63  }
0x80: {  	v3 =	vadd.s32 v1, v3  }
0x81: {  	[tilespmem:s23], [sflag:$0x1] =	stream.indirect_vreg.gather [hbm4b:s5+s2], $0x80, v4, vm0, $0xb8;
	[tilespmem:$0x10100] =	vst v63  }
0x82: {  	_ = 	snop  }
0x83: {  	[tilespmem:s24], [sflag:$0x1] =	stream.indirect_vreg.gather [hbm4b:s6+s2], $0x80, v4, vm0, $0xb8;
	[tilespmem:$0x10100] =	vst v63  }
0x84: {  	_ = 	snop  }
0x85: {  	[tilespmem:s26], [sflag:$0x1] =	stream.indirect_vreg.gather [hbm4b:s3+s2], $0x80, v3, vm0, $0xb8;
	[tilespmem:$0x10100] =	vst v63  }
0x86: {  	_ = 	snop  }
0x87: {  	[tilespmem:s28], [sflag:$0x1] =	stream.indirect_vreg.gather [hbm4b:s4+s2], $0x80, v3, vm0, $0xb8;
	[tilespmem:$0x10100] =	vst v63  }
0x88: {  	_ = 	snop  }
0x89: {  	[tilespmem:s29], [sflag:$0x1] =	stream.indirect_vreg.gather [hbm4b:s5+s2], $0x80, v3, vm0, $0xb8;
	[tilespmem:$0x10100] =	vst v63  }
0x8a: {  	_ = 	snop  }
0x8b: {  	[tilespmem:s30], [sflag:$0x1] =	stream.indirect_vreg.gather [hbm4b:s6+s2], $0x80, v3, vm0, $0xb8;
	[tilespmem:$0x10100] =	vst v63  }
0x8c: {  	v3 =	vld [tilespmem:$0x50];
	_ =	sdelay $0x4  }
0x8d: {  	v53 =	vshll.u32 v3, $0x3  }
0x8e: {  	v3 =	vand.u32 $0x7, v3;
	v4 =	vand.u32 $0xFFFFFFC0, v53  }
0x8f: {  	v3 =	vor.u32 v3, v4  }
0x90: {  	v4 =	vperm.xlane v3, v0;
	_ =	sdelay $0x1  }
0x91: {  	v4 =	vadd.s32 v1, v4;
	_ =	sdelay $0x4  }
0x92: {  	[tilespmem:s31], [sflag:$0x1] =	stream.indirect_vreg.gather [hbm4b:s3+s2], $0x80, v4, vm0, $0xb8;
	[tilespmem:$0x10100] =	vst v63  }
0x93: {  	v3 =	vperm.xlane v3, v2  }
0x94: {  	[tilespmem:s1], [sflag:$0x1] =	stream.indirect_vreg.gather [hbm4b:s4+s2], $0x80, v4, vm0, $0xb8;
	[tilespmem:$0x10100] =	vst v63  }
0x95: {  	v3 =	vadd.s32 v1, v3  }
0x96: {  	[tilespmem:s15], [sflag:$0x1] =	stream.indirect_vreg.gather [hbm4b:s5+s2], $0x80, v4, vm0, $0xb8;
	[tilespmem:$0x10100] =	vst v63  }
0x97: {  	_ = 	snop  }
0x98: {  	[tilespmem:s8], [sflag:$0x1] =	stream.indirect_vreg.gather [hbm4b:s6+s2], $0x80, v4, vm0, $0xb8;
	[tilespmem:$0x10100] =	vst v63  }
0x99: {  	_ = 	snop  }
0x9a: {  	[tilespmem:s10], [sflag:$0x1] =	stream.indirect_vreg.gather [hbm4b:s3+s2], $0x80, v3, vm0, $0xb8;
	[tilespmem:$0x10100] =	vst v63  }
0x9b: {  	_ = 	snop  }
0x9c: {  	[tilespmem:s11], [sflag:$0x1] =	stream.indirect_vreg.gather [hbm4b:s4+s2], $0x80, v3, vm0, $0xb8;
	[tilespmem:$0x10100] =	vst v63  }
0x9d: {  	_ = 	snop  }
0x9e: {  	[tilespmem:s12], [sflag:$0x1] =	stream.indirect_vreg.gather [hbm4b:s5+s2], $0x80, v3, vm0, $0xb8;
	[tilespmem:$0x10100] =	vst v63  }
0x9f: {  	_ = 	snop  }
0xa0: {  	[tilespmem:s13], [sflag:$0x1] =	stream.indirect_vreg.gather [hbm4b:s6+s2], $0x80, v3, vm0, $0xb8;
	[tilespmem:$0x10100] =	vst v63  }
0xa1: {  	_ =	swait.ge [sflag:s19], $0x8000  }
0xa2: {  	[sflag:s19] =	ssyncset.done $0x0  }
0xa3: {  	s21 =	rddreg [dreg:$0x4];
	[sflag:s19] =	ssyncadd.s32 $0xFFFF8000  }
0xa4: {  	[hbm4b:s21+s2] =	stream.linear.scatter [tilespmem:s25], [sflag:$0x4], $0x8000, $0x38;
	[tilespmem:$0x10100] =	vst v63  }
0xa5: {  	_ =	swait.ge [sflag:s20], $0x8000  }
0xa6: {  	[sflag:s20] =	ssyncset.done $0x0  }
0xa7: {  	[sflag:s20] =	ssyncadd.s32 $0xFFFF8000  }
0xa8: {  	v3 =	vld [tilespmem:$0x60];
	_ =	sdelay $0x4  }
0xa9: {  	v54 =	vshll.u32 v3, $0x3  }
0xaa: {  	v3 =	vand.u32 $0x7, v3;
	v4 =	vand.u32 $0xFFFFFFC0, v54  }
0xab: {  	v3 =	vor.u32 v3, v4  }
0xac: {  	v4 =	vperm.xlane v3, v0;
	_ =	sdelay $0x1  }
0xad: {  	v4 =	vadd.s32 v1, v4;
	_ =	sdelay $0x4  }
0xae: {  	[tilespmem:s25], [sflag:$0x2] =	stream.indirect_vreg.gather [hbm4b:s3+s2], $0x80, v4, vm0, $0xb8;
	[tilespmem:$0x10100] =	vst v63  }
0xaf: {  	s0 =	simm.s32 $0x8900;
	v3 =	vperm.xlane v3, v2  }
0xb0: {  	[tilespmem:s0], [sflag:$0x2] =	stream.indirect_vreg.gather [hbm4b:s4+s2], $0x80, v4, vm0, $0xb8;
	[tilespmem:$0x10100] =	vst v63  }
0xb1: {  	v3 =	vadd.s32 v1, v3;
	s0 =	simm.s32 $0x9100  }
0xb2: {  	[tilespmem:s0], [sflag:$0x2] =	stream.indirect_vreg.gather [hbm4b:s5+s2], $0x80, v4, vm0, $0xb8;
	[tilespmem:$0x10100] =	vst v63  }
0xb3: {  	s21 =	simm.s32 $0x9900  }
0xb4: {  	[tilespmem:s21], [sflag:$0x2] =	stream.indirect_vreg.gather [hbm4b:s6+s2], $0x80, v4, vm0, $0xb8;
	[tilespmem:$0x10100] =	vst v63  }
0xb5: {  	s21 =	simm.s32 $0xA100  }
0xb6: {  	[tilespmem:s21], [sflag:$0x2] =	stream.indirect_vreg.gather [hbm4b:s3+s2], $0x80, v3, vm0, $0xb8;
	[tilespmem:$0x10100] =	vst v63  }
0xb7: {  	s21 =	simm.s32 $0xA900  }
0xb8: {  	[tilespmem:s21], [sflag:$0x2] =	stream.indirect_vreg.gather [hbm4b:s4+s2], $0x80, v3, vm0, $0xb8;
	[tilespmem:$0x10100] =	vst v63  }
0xb9: {  	s21 =	simm.s32 $0xB100  }
0xba: {  	[tilespmem:s21], [sflag:$0x2] =	stream.indirect_vreg.gather [hbm4b:s5+s2], $0x80, v3, vm0, $0xb8;
	[tilespmem:$0x10100] =	vst v63  }
0xbb: {  	s14 =	simm.s32 $0xB900  }
0xbc: {  	[tilespmem:s14], [sflag:$0x2] =	stream.indirect_vreg.gather [hbm4b:s6+s2], $0x80, v3, vm0, $0xb8;
	[tilespmem:$0x10100] =	vst v63  }
0xbd: {  	v3 =	vld [tilespmem:$0x70];
	_ =	sdelay $0x4  }
0xbe: {  	v55 =	vshll.u32 v3, $0x3  }
0xbf: {  	v3 =	vand.u32 $0x7, v3;
	v4 =	vand.u32 $0xFFFFFFC0, v55  }
0xc0: {  	v3 =	vor.u32 v3, v4  }
0xc1: {  	v4 =	vperm.xlane v3, v0;
	_ =	sdelay $0x1  }
0xc2: {  	v4 =	vadd.s32 v1, v4;
	_ =	sdelay $0x3  }
0xc3: {  	s16 =	simm.s32 $0xC100  }
0xc4: {  	[tilespmem:s16], [sflag:$0x2] =	stream.indirect_vreg.gather [hbm4b:s3+s2], $0x80, v4, vm0, $0xb8;
	[tilespmem:$0x10100] =	vst v63  }
0xc5: {  	s21 =	simm.s32 $0xC900;
	v3 =	vperm.xlane v3, v2  }
0xc6: {  	[tilespmem:s21], [sflag:$0x2] =	stream.indirect_vreg.gather [hbm4b:s4+s2], $0x80, v4, vm0, $0xb8;
	[tilespmem:$0x10100] =	vst v63  }
0xc7: {  	v3 =	vadd.s32 v1, v3;
	s16 =	simm.s32 $0xD100  }
0xc8: {  	[tilespmem:s16], [sflag:$0x2] =	stream.indirect_vreg.gather [hbm4b:s5+s2], $0x80, v4, vm0, $0xb8;
	[tilespmem:$0x10100] =	vst v63  }
0xc9: {  	s21 =	simm.s32 $0xD900  }
0xca: {  	[tilespmem:s21], [sflag:$0x2] =	stream.indirect_vreg.gather [hbm4b:s6+s2], $0x80, v4, vm0, $0xb8;
	[tilespmem:$0x10100] =	vst v63  }
0xcb: {  	s16 =	simm.s32 $0xE100  }
0xcc: {  	[tilespmem:s16], [sflag:$0x2] =	stream.indirect_vreg.gather [hbm4b:s3+s2], $0x80, v3, vm0, $0xb8;
	[tilespmem:$0x10100] =	vst v63  }
0xcd: {  	s21 =	simm.s32 $0xE900  }
0xce: {  	[tilespmem:s21], [sflag:$0x2] =	stream.indirect_vreg.gather [hbm4b:s4+s2], $0x80, v3, vm0, $0xb8;
	[tilespmem:$0x10100] =	vst v63  }
0xcf: {  	s16 =	simm.s32 $0xF100  }
0xd0: {  	[tilespmem:s16], [sflag:$0x2] =	stream.indirect_vreg.gather [hbm4b:s5+s2], $0x80, v3, vm0, $0xb8;
	[tilespmem:$0x10100] =	vst v63  }
0xd1: {  	s21 =	simm.s32 $0xF900  }
0xd2: {  	[tilespmem:s21], [sflag:$0x2] =	stream.indirect_vreg.gather [hbm4b:s6+s2], $0x80, v3, vm0, $0xb8;
	[tilespmem:$0x10100] =	vst v63  }
0xd3: {  	_ =	swait.ge [sflag:s17], $0x8000  }
0xd4: {  	[sflag:s17] =	ssyncset.done $0x0  }
0xd5: {  	s16 =	rddreg [dreg:$0x5];
	[sflag:s17] =	ssyncadd.s32 $0xFFFF8000  }
0xd6: {  	[hbm4b:s16+s2] =	stream.linear.scatter [tilespmem:s9], [sflag:$0x3], $0x8000, $0x38;
	[tilespmem:$0x10100] =	vst v63  }
0xd7: {  	_ =	swait.ge [sflag:s18], $0x8000  }
0xd8: {  	[sflag:s18] =	ssyncset.done $0x0  }
0xd9: {  	[sflag:s18] =	ssyncadd.s32 $0xFFFF8000  }
0xda: {  	v3 =	vld [tilespmem:$0x80];
	_ =	sdelay $0x4  }
0xdb: {  	v56 =	vshll.u32 v3, $0x3  }
0xdc: {  	v3 =	vand.u32 $0x7, v3;
	v4 =	vand.u32 $0xFFFFFFC0, v56  }
0xdd: {  	v3 =	vor.u32 v3, v4  }
0xde: {  	v4 =	vperm.xlane v3, v0;
	_ =	sdelay $0x1  }
0xdf: {  	v4 =	vadd.s32 v1, v4;
	_ =	sdelay $0x4  }
0xe0: {  	[tilespmem:s9], [sflag:$0x1] =	stream.indirect_vreg.gather [hbm4b:s3+s2], $0x80, v4, vm0, $0xb8;
	[tilespmem:$0x10100] =	vst v63  }
0xe1: {  	v3 =	vperm.xlane v3, v2  }
0xe2: {  	[tilespmem:s22], [sflag:$0x1] =	stream.indirect_vreg.gather [hbm4b:s4+s2], $0x80, v4, vm0, $0xb8;
	[tilespmem:$0x10100] =	vst v63  }
0xe3: {  	v3 =	vadd.s32 v1, v3  }
0xe4: {  	[tilespmem:s23], [sflag:$0x1] =	stream.indirect_vreg.gather [hbm4b:s5+s2], $0x80, v4, vm0, $0xb8;
	[tilespmem:$0x10100] =	vst v63  }
0xe5: {  	_ = 	snop  }
0xe6: {  	[tilespmem:s24], [sflag:$0x1] =	stream.indirect_vreg.gather [hbm4b:s6+s2], $0x80, v4, vm0, $0xb8;
	[tilespmem:$0x10100] =	vst v63  }
0xe7: {  	_ = 	snop  }
0xe8: {  	[tilespmem:s26], [sflag:$0x1] =	stream.indirect_vreg.gather [hbm4b:s3+s2], $0x80, v3, vm0, $0xb8;
	[tilespmem:$0x10100] =	vst v63  }
0xe9: {  	_ = 	snop  }
0xea: {  	[tilespmem:s28], [sflag:$0x1] =	stream.indirect_vreg.gather [hbm4b:s4+s2], $0x80, v3, vm0, $0xb8;
	[tilespmem:$0x10100] =	vst v63  }
0xeb: {  	_ = 	snop  }
0xec: {  	[tilespmem:s29], [sflag:$0x1] =	stream.indirect_vreg.gather [hbm4b:s5+s2], $0x80, v3, vm0, $0xb8;
	[tilespmem:$0x10100] =	vst v63  }
0xed: {  	_ = 	snop  }
0xee: {  	[tilespmem:s30], [sflag:$0x1] =	stream.indirect_vreg.gather [hbm4b:s6+s2], $0x80, v3, vm0, $0xb8;
	[tilespmem:$0x10100] =	vst v63  }
0xef: {  	v3 =	vld [tilespmem:$0x90];
	_ =	sdelay $0x4  }
0xf0: {  	v57 =	vshll.u32 v3, $0x3  }
0xf1: {  	v3 =	vand.u32 $0x7, v3;
	v4 =	vand.u32 $0xFFFFFFC0, v57  }
0xf2: {  	v3 =	vor.u32 v3, v4  }
0xf3: {  	v4 =	vperm.xlane v3, v0;
	_ =	sdelay $0x1  }
0xf4: {  	v4 =	vadd.s32 v1, v4;
	_ =	sdelay $0x4  }
0xf5: {  	[tilespmem:s31], [sflag:$0x1] =	stream.indirect_vreg.gather [hbm4b:s3+s2], $0x80, v4, vm0, $0xb8;
	[tilespmem:$0x10100] =	vst v63  }
0xf6: {  	v3 =	vperm.xlane v3, v2  }
0xf7: {  	[tilespmem:s1], [sflag:$0x1] =	stream.indirect_vreg.gather [hbm4b:s4+s2], $0x80, v4, vm0, $0xb8;
	[tilespmem:$0x10100] =	vst v63  }
0xf8: {  	v3 =	vadd.s32 v1, v3  }
0xf9: {  	[tilespmem:s15], [sflag:$0x1] =	stream.indirect_vreg.gather [hbm4b:s5+s2], $0x80, v4, vm0, $0xb8;
	[tilespmem:$0x10100] =	vst v63  }
0xfa: {  	_ = 	snop  }
0xfb: {  	[tilespmem:s8], [sflag:$0x1] =	stream.indirect_vreg.gather [hbm4b:s6+s2], $0x80, v4, vm0, $0xb8;
	[tilespmem:$0x10100] =	vst v63  }
0xfc: {  	_ = 	snop  }
0xfd: {  	[tilespmem:s10], [sflag:$0x1] =	stream.indirect_vreg.gather [hbm4b:s3+s2], $0x80, v3, vm0, $0xb8;
	[tilespmem:$0x10100] =	vst v63  }
0xfe: {  	_ = 	snop  }
0xff: {  	[tilespmem:s11], [sflag:$0x1] =	stream.indirect_vreg.gather [hbm4b:s4+s2], $0x80, v3, vm0, $0xb8;
	[tilespmem:$0x10100] =	vst v63  }
0x100: {  	_ = 	snop  }
0x101: {  	[tilespmem:s12], [sflag:$0x1] =	stream.indirect_vreg.gather [hbm4b:s5+s2], $0x80, v3, vm0, $0xb8;
	[tilespmem:$0x10100] =	vst v63  }
0x102: {  	_ = 	snop  }
0x103: {  	[tilespmem:s13], [sflag:$0x1] =	stream.indirect_vreg.gather [hbm4b:s6+s2], $0x80, v3, vm0, $0xb8;
	[tilespmem:$0x10100] =	vst v63  }
0x104: {  	_ =	swait.ge [sflag:s19], $0x8000  }
0x105: {  	[sflag:s19] =	ssyncset.done $0x0  }
0x106: {  	s14 =	rddreg [dreg:$0x6];
	[sflag:s19] =	ssyncadd.s32 $0xFFFF8000  }
0x107: {  	[hbm4b:s14+s2] =	stream.linear.scatter [tilespmem:s25], [sflag:$0x4], $0x8000, $0x38;
	[tilespmem:$0x10100] =	vst v63  }
0x108: {  	_ =	swait.ge [sflag:s20], $0x8000  }
0x109: {  	[sflag:s20] =	ssyncset.done $0x0  }
0x10a: {  	[sflag:s20] =	ssyncadd.s32 $0xFFFF8000  }
0x10b: {  	v3 =	vld [tilespmem:$0xA0];
	_ =	sdelay $0x4  }
0x10c: {  	v58 =	vshll.u32 v3, $0x3  }
0x10d: {  	v3 =	vand.u32 $0x7, v3;
	v4 =	vand.u32 $0xFFFFFFC0, v58  }
0x10e: {  	v3 =	vor.u32 v3, v4  }
0x10f: {  	v4 =	vperm.xlane v3, v0;
	_ =	sdelay $0x1  }
0x110: {  	v4 =	vadd.s32 v1, v4;
	_ =	sdelay $0x4  }
0x111: {  	[tilespmem:s25], [sflag:$0x2] =	stream.indirect_vreg.gather [hbm4b:s3+s2], $0x80, v4, vm0, $0xb8;
	[tilespmem:$0x10100] =	vst v63  }
0x112: {  	s16 =	simm.s32 $0x8900;
	v3 =	vperm.xlane v3, v2  }
0x113: {  	[tilespmem:s16], [sflag:$0x2] =	stream.indirect_vreg.gather [hbm4b:s4+s2], $0x80, v4, vm0, $0xb8;
	[tilespmem:$0x10100] =	vst v63  }
0x114: {  	v3 =	vadd.s32 v1, v3  }
0x115: {  	[tilespmem:s0], [sflag:$0x2] =	stream.indirect_vreg.gather [hbm4b:s5+s2], $0x80, v4, vm0, $0xb8;
	[tilespmem:$0x10100] =	vst v63  }
0x116: {  	s21 =	simm.s32 $0x9900  }
0x117: {  	[tilespmem:s21], [sflag:$0x2] =	stream.indirect_vreg.gather [hbm4b:s6+s2], $0x80, v4, vm0, $0xb8;
	[tilespmem:$0x10100] =	vst v63  }
0x118: {  	s16 =	simm.s32 $0xA100  }
0x119: {  	[tilespmem:s16], [sflag:$0x2] =	stream.indirect_vreg.gather [hbm4b:s3+s2], $0x80, v3, vm0, $0xb8;
	[tilespmem:$0x10100] =	vst v63  }
0x11a: {  	s21 =	simm.s32 $0xA900  }
0x11b: {  	[tilespmem:s21], [sflag:$0x2] =	stream.indirect_vreg.gather [hbm4b:s4+s2], $0x80, v3, vm0, $0xb8;
	[tilespmem:$0x10100] =	vst v63  }
0x11c: {  	s21 =	simm.s32 $0xB100  }
0x11d: {  	[tilespmem:s21], [sflag:$0x2] =	stream.indirect_vreg.gather [hbm4b:s5+s2], $0x80, v3, vm0, $0xb8;
	[tilespmem:$0x10100] =	vst v63  }
0x11e: {  	s21 =	simm.s32 $0xB900  }
0x11f: {  	[tilespmem:s21], [sflag:$0x2] =	stream.indirect_vreg.gather [hbm4b:s6+s2], $0x80, v3, vm0, $0xb8;
	[tilespmem:$0x10100] =	vst v63  }
0x120: {  	v3 =	vld [tilespmem:$0xB0];
	_ =	sdelay $0x4  }
0x121: {  	v59 =	vshll.u32 v3, $0x3  }
0x122: {  	v3 =	vand.u32 $0x7, v3;
	v4 =	vand.u32 $0xFFFFFFC0, v59  }
0x123: {  	v3 =	vor.u32 v3, v4  }
0x124: {  	v4 =	vperm.xlane v3, v0;
	_ =	sdelay $0x1  }
0x125: {  	v4 =	vadd.s32 v1, v4;
	_ =	sdelay $0x3  }
0x126: {  	s21 =	simm.s32 $0xC100  }
0x127: {  	[tilespmem:s21], [sflag:$0x2] =	stream.indirect_vreg.gather [hbm4b:s3+s2], $0x80, v4, vm0, $0xb8;
	[tilespmem:$0x10100] =	vst v63  }
0x128: {  	v3 =	vperm.xlane v3, v2;
	s21 =	simm.s32 $0xC900  }
0x129: {  	[tilespmem:s21], [sflag:$0x2] =	stream.indirect_vreg.gather [hbm4b:s4+s2], $0x80, v4, vm0, $0xb8;
	[tilespmem:$0x10100] =	vst v63  }
0x12a: {  	v3 =	vadd.s32 v1, v3;
	s21 =	simm.s32 $0xD100  }
0x12b: {  	[tilespmem:s21], [sflag:$0x2] =	stream.indirect_vreg.gather [hbm4b:s5+s2], $0x80, v4, vm0, $0xb8;
	[tilespmem:$0x10100] =	vst v63  }
0x12c: {  	s21 =	simm.s32 $0xD900  }
0x12d: {  	[tilespmem:s21], [sflag:$0x2] =	stream.indirect_vreg.gather [hbm4b:s6+s2], $0x80, v4, vm0, $0xb8;
	[tilespmem:$0x10100] =	vst v63  }
0x12e: {  	s21 =	simm.s32 $0xE100  }
0x12f: {  	[tilespmem:s21], [sflag:$0x2] =	stream.indirect_vreg.gather [hbm4b:s3+s2], $0x80, v3, vm0, $0xb8;
	[tilespmem:$0x10100] =	vst v63  }
0x130: {  	s21 =	simm.s32 $0xE900  }
0x131: {  	[tilespmem:s21], [sflag:$0x2] =	stream.indirect_vreg.gather [hbm4b:s4+s2], $0x80, v3, vm0, $0xb8;
	[tilespmem:$0x10100] =	vst v63  }
0x132: {  	s21 =	simm.s32 $0xF100  }
0x133: {  	[tilespmem:s21], [sflag:$0x2] =	stream.indirect_vreg.gather [hbm4b:s5+s2], $0x80, v3, vm0, $0xb8;
	[tilespmem:$0x10100] =	vst v63  }
0x134: {  	s21 =	simm.s32 $0xF900  }
0x135: {  	[tilespmem:s21], [sflag:$0x2] =	stream.indirect_vreg.gather [hbm4b:s6+s2], $0x80, v3, vm0, $0xb8;
	[tilespmem:$0x10100] =	vst v63  }
0x136: {  	_ =	swait.ge [sflag:s17], $0x8000  }
0x137: {  	[sflag:s17] =	ssyncset.done $0x0  }
0x138: {  	s21 =	rddreg [dreg:$0x7];
	[sflag:s17] =	ssyncadd.s32 $0xFFFF8000  }
0x139: {  	[hbm4b:s21+s2] =	stream.linear.scatter [tilespmem:s9], [sflag:$0x3], $0x8000, $0x38;
	[tilespmem:$0x10100] =	vst v63  }
0x13a: {  	_ =	swait.ge [sflag:s18], $0x8000  }
0x13b: {  	[sflag:s18] =	ssyncset.done $0x0  }
0x13c: {  	[sflag:s18] =	ssyncadd.s32 $0xFFFF8000  }
0x13d: {  	v3 =	vld [tilespmem:$0xC0];
	_ =	sdelay $0x4  }
0x13e: {  	v60 =	vshll.u32 v3, $0x3  }
0x13f: {  	v3 =	vand.u32 $0x7, v3;
	v4 =	vand.u32 $0xFFFFFFC0, v60  }
0x140: {  	v3 =	vor.u32 v3, v4  }
0x141: {  	v4 =	vperm.xlane v3, v0;
	_ =	sdelay $0x1  }
0x142: {  	v4 =	vadd.s32 v1, v4;
	_ =	sdelay $0x4  }
0x143: {  	[tilespmem:s9], [sflag:$0x1] =	stream.indirect_vreg.gather [hbm4b:s3+s2], $0x80, v4, vm0, $0xb8;
	[tilespmem:$0x10100] =	vst v63  }
0x144: {  	v3 =	vperm.xlane v3, v2  }
0x145: {  	[tilespmem:s22], [sflag:$0x1] =	stream.indirect_vreg.gather [hbm4b:s4+s2], $0x80, v4, vm0, $0xb8;
	[tilespmem:$0x10100] =	vst v63  }
0x146: {  	v3 =	vadd.s32 v1, v3  }
0x147: {  	[tilespmem:s23], [sflag:$0x1] =	stream.indirect_vreg.gather [hbm4b:s5+s2], $0x80, v4, vm0, $0xb8;
	[tilespmem:$0x10100] =	vst v63  }
0x148: {  	_ = 	snop  }
0x149: {  	[tilespmem:s24], [sflag:$0x1] =	stream.indirect_vreg.gather [hbm4b:s6+s2], $0x80, v4, vm0, $0xb8;
	[tilespmem:$0x10100] =	vst v63  }
0x14a: {  	_ = 	snop  }
0x14b: {  	[tilespmem:s26], [sflag:$0x1] =	stream.indirect_vreg.gather [hbm4b:s3+s2], $0x80, v3, vm0, $0xb8;
	[tilespmem:$0x10100] =	vst v63  }
0x14c: {  	_ = 	snop  }
0x14d: {  	[tilespmem:s28], [sflag:$0x1] =	stream.indirect_vreg.gather [hbm4b:s4+s2], $0x80, v3, vm0, $0xb8;
	[tilespmem:$0x10100] =	vst v63  }
0x14e: {  	_ = 	snop  }
0x14f: {  	[tilespmem:s29], [sflag:$0x1] =	stream.indirect_vreg.gather [hbm4b:s5+s2], $0x80, v3, vm0, $0xb8;
	[tilespmem:$0x10100] =	vst v63  }
0x150: {  	_ = 	snop  }
0x151: {  	[tilespmem:s30], [sflag:$0x1] =	stream.indirect_vreg.gather [hbm4b:s6+s2], $0x80, v3, vm0, $0xb8;
	[tilespmem:$0x10100] =	vst v63  }
0x152: {  	v3 =	vld [tilespmem:$0xD0];
	_ =	sdelay $0x4  }
0x153: {  	v61 =	vshll.u32 v3, $0x3  }
0x154: {  	v3 =	vand.u32 $0x7, v3;
	v4 =	vand.u32 $0xFFFFFFC0, v61  }
0x155: {  	v3 =	vor.u32 v3, v4  }
0x156: {  	v4 =	vperm.xlane v3, v0;
	_ =	sdelay $0x1  }
0x157: {  	v4 =	vadd.s32 v1, v4;
	_ =	sdelay $0x4  }
0x158: {  	[tilespmem:s31], [sflag:$0x1] =	stream.indirect_vreg.gather [hbm4b:s3+s2], $0x80, v4, vm0, $0xb8;
	[tilespmem:$0x10100] =	vst v63  }
0x159: {  	v3 =	vperm.xlane v3, v2  }
0x15a: {  	[tilespmem:s1], [sflag:$0x1] =	stream.indirect_vreg.gather [hbm4b:s4+s2], $0x80, v4, vm0, $0xb8;
	[tilespmem:$0x10100] =	vst v63  }
0x15b: {  	v3 =	vadd.s32 v1, v3  }
0x15c: {  	[tilespmem:s15], [sflag:$0x1] =	stream.indirect_vreg.gather [hbm4b:s5+s2], $0x80, v4, vm0, $0xb8;
	[tilespmem:$0x10100] =	vst v63  }
0x15d: {  	_ = 	snop  }
0x15e: {  	[tilespmem:s8], [sflag:$0x1] =	stream.indirect_vreg.gather [hbm4b:s6+s2], $0x80, v4, vm0, $0xb8;
	[tilespmem:$0x10100] =	vst v63  }
0x15f: {  	_ = 	snop  }
0x160: {  	[tilespmem:s10], [sflag:$0x1] =	stream.indirect_vreg.gather [hbm4b:s3+s2], $0x80, v3, vm0, $0xb8;
	[tilespmem:$0x10100] =	vst v63  }
0x161: {  	_ = 	snop  }
0x162: {  	[tilespmem:s11], [sflag:$0x1] =	stream.indirect_vreg.gather [hbm4b:s4+s2], $0x80, v3, vm0, $0xb8;
	[tilespmem:$0x10100] =	vst v63  }
0x163: {  	_ = 	snop  }
0x164: {  	[tilespmem:s12], [sflag:$0x1] =	stream.indirect_vreg.gather [hbm4b:s5+s2], $0x80, v3, vm0, $0xb8;
	[tilespmem:$0x10100] =	vst v63  }
0x165: {  	_ = 	snop  }
0x166: {  	[tilespmem:s13], [sflag:$0x1] =	stream.indirect_vreg.gather [hbm4b:s6+s2], $0x80, v3, vm0, $0xb8;
	[tilespmem:$0x10100] =	vst v63  }
0x167: {  	_ =	swait.ge [sflag:s19], $0x8000  }
0x168: {  	[sflag:s19] =	ssyncset.done $0x0  }
0x169: {  	s1 =	rddreg [dreg:$0x8];
	[sflag:s19] =	ssyncadd.s32 $0xFFFF8000  }
0x16a: {  	[hbm4b:s1+s2] =	stream.linear.scatter [tilespmem:s25], [sflag:$0x4], $0x8000, $0x38;
	[tilespmem:$0x10100] =	vst v63  }
0x16b: {  	_ =	swait.ge [sflag:s20], $0x8000  }
0x16c: {  	[sflag:s20] =	ssyncset.done $0x0  }
0x16d: {  	[sflag:s20] =	ssyncadd.s32 $0xFFFF8000  }
0x16e: {  	v3 =	vld [tilespmem:$0xE0];
	_ =	sdelay $0x4  }
0x16f: {  	v62 =	vshll.u32 v3, $0x3  }
0x170: {  	v3 =	vand.u32 $0x7, v3;
	v4 =	vand.u32 $0xFFFFFFC0, v62  }
0x171: {  	v3 =	vor.u32 v3, v4  }
0x172: {  	v4 =	vperm.xlane v3, v0;
	_ =	sdelay $0x1  }
0x173: {  	v4 =	vadd.s32 v1, v4;
	_ =	sdelay $0x4  }
0x174: {  	[tilespmem:s25], [sflag:$0x2] =	stream.indirect_vreg.gather [hbm4b:s3+s2], $0x80, v4, vm0, $0xb8;
	[tilespmem:$0x10100] =	vst v63  }
0x175: {  	s21 =	simm.s32 $0x8900;
	v3 =	vperm.xlane v3, v2  }
0x176: {  	[tilespmem:s21], [sflag:$0x2] =	stream.indirect_vreg.gather [hbm4b:s4+s2], $0x80, v4, vm0, $0xb8;
	[tilespmem:$0x10100] =	vst v63  }
0x177: {  	s0 =	simm.s32 $0x9100;
	v3 =	vadd.s32 v1, v3  }
0x178: {  	[tilespmem:s0], [sflag:$0x2] =	stream.indirect_vreg.gather [hbm4b:s5+s2], $0x80, v4, vm0, $0xb8;
	[tilespmem:$0x10100] =	vst v63  }
0x179: {  	s1 =	simm.s32 $0x9900  }
0x17a: {  	[tilespmem:s1], [sflag:$0x2] =	stream.indirect_vreg.gather [hbm4b:s6+s2], $0x80, v4, vm0, $0xb8;
	[tilespmem:$0x10100] =	vst v63  }
0x17b: {  	s14 =	simm.s32 $0xA100  }
0x17c: {  	[tilespmem:s14], [sflag:$0x2] =	stream.indirect_vreg.gather [hbm4b:s3+s2], $0x80, v3, vm0, $0xb8;
	[tilespmem:$0x10100] =	vst v63  }
0x17d: {  	s16 =	simm.s32 $0xA900  }
0x17e: {  	[tilespmem:s16], [sflag:$0x2] =	stream.indirect_vreg.gather [hbm4b:s4+s2], $0x80, v3, vm0, $0xb8;
	[tilespmem:$0x10100] =	vst v63  }
0x17f: {  	s21 =	simm.s32 $0xB100  }
0x180: {  	[tilespmem:s21], [sflag:$0x2] =	stream.indirect_vreg.gather [hbm4b:s5+s2], $0x80, v3, vm0, $0xb8;
	[tilespmem:$0x10100] =	vst v63  }
0x181: {  	s1 =	simm.s32 $0xB900  }
0x182: {  	[tilespmem:s1], [sflag:$0x2] =	stream.indirect_vreg.gather [hbm4b:s6+s2], $0x80, v3, vm0, $0xb8;
	[tilespmem:$0x10100] =	vst v63  }
0x183: {  	v3 =	vld [tilespmem:$0xF0];
	_ =	sdelay $0x4  }
0x184: {  	v63 =	vshll.u32 v3, $0x3  }
0x185: {  	v3 =	vand.u32 $0x7, v3;
	v4 =	vand.u32 $0xFFFFFFC0, v63  }
0x186: {  	v3 =	vor.u32 v3, v4  }
0x187: {  	v4 =	vperm.xlane v3, v0;
	_ =	sdelay $0x1  }
0x188: {  	v4 =	vadd.s32 v1, v4;
	_ =	sdelay $0x3  }
0x189: {  	s14 =	simm.s32 $0xC100  }
0x18a: {  	[tilespmem:s14], [sflag:$0x2] =	stream.indirect_vreg.gather [hbm4b:s3+s2], $0x80, v4, vm0, $0xb8;
	[tilespmem:$0x10100] =	vst v63  }
0x18b: {  	s16 =	simm.s32 $0xC900;
	v3 =	vperm.xlane v3, v2  }
0x18c: {  	[tilespmem:s16], [sflag:$0x2] =	stream.indirect_vreg.gather [hbm4b:s4+s2], $0x80, v4, vm0, $0xb8;
	[tilespmem:$0x10100] =	vst v63  }
0x18d: {  	s21 =	simm.s32 $0xD100;
	v3 =	vadd.s32 v1, v3  }
0x18e: {  	[tilespmem:s21], [sflag:$0x2] =	stream.indirect_vreg.gather [hbm4b:s5+s2], $0x80, v4, vm0, $0xb8;
	[tilespmem:$0x10100] =	vst v63  }
0x18f: {  	s1 =	simm.s32 $0xD900  }
0x190: {  	[tilespmem:s1], [sflag:$0x2] =	stream.indirect_vreg.gather [hbm4b:s6+s2], $0x80, v4, vm0, $0xb8;
	[tilespmem:$0x10100] =	vst v63  }
0x191: {  	s14 =	simm.s32 $0xE100  }
0x192: {  	[tilespmem:s14], [sflag:$0x2] =	stream.indirect_vreg.gather [hbm4b:s3+s2], $0x80, v3, vm0, $0xb8;
	[tilespmem:$0x10100] =	vst v63  }
0x193: {  	s16 =	simm.s32 $0xE900  }
0x194: {  	[tilespmem:s16], [sflag:$0x2] =	stream.indirect_vreg.gather [hbm4b:s4+s2], $0x80, v3, vm0, $0xb8;
	[tilespmem:$0x10100] =	vst v63  }
0x195: {  	s21 =	simm.s32 $0xF100  }
0x196: {  	[tilespmem:s21], [sflag:$0x2] =	stream.indirect_vreg.gather [hbm4b:s5+s2], $0x80, v3, vm0, $0xb8;
	[tilespmem:$0x10100] =	vst v63  }
0x197: {  	s1 =	simm.s32 $0xF900  }
0x198: {  	[tilespmem:s1], [sflag:$0x2] =	stream.indirect_vreg.gather [hbm4b:s6+s2], $0x80, v3, vm0, $0xb8;
	[tilespmem:$0x10100] =	vst v63  }
0x199: {  	_ =	swait.ge [sflag:s17], $0x8000  }
0x19a: {  	[sflag:s17] =	ssyncset.done $0x0  }
0x19b: {  	s14 =	rddreg [dreg:$0x9];
	[sflag:s17] =	ssyncadd.s32 $0xFFFF8000  }
0x19c: {  	[hbm4b:s14+s2] =	stream.linear.scatter [tilespmem:s9], [sflag:$0x3], $0x8000, $0x38;
	[tilespmem:$0x10100] =	vst v63  }
0x19d: {  	_ =	swait.ge [sflag:s18], $0x8000  }
0x19e: {  	[sflag:s18] =	ssyncset.done $0x0  }
0x19f: {  	[sflag:s18] =	ssyncadd.s32 $0xFFFF8000  }
0x1a0: {  	_ =	swait.ge [sflag:s19], $0x8000  }
0x1a1: {  	p0 =	sne.s32 s7, $0x1;
	[sflag:s19] =	ssyncset.done $0x0  }
.Ltmp0:
0x1a2: {  	s16 =	rddreg [dreg:$0xa];
	[sflag:s19] =	ssyncadd.s32 $0xFFFF8000;
	(pc) =	sbr.rel @p0 .LBB2_1-.Ltmp0, $4  }
0x1a3: {  	[hbm4b:s16+s2] =	stream.linear.scatter [tilespmem:s25], [sflag:$0x4], $0x8000, $0x38;
	[tilespmem:$0x10100] =	vst v63  }
0x1a4: {  	_ =	swait.ge [sflag:s20], $0x8000  }
0x1a5: {  	[sflag:s20] =	ssyncset.done $0x0  }
0x1a6: {  	s7 =	sadd.s32 $0xFFFFFFFF, s7;
	[sflag:s20] =	ssyncadd.s32 $0xFFFF8000  }
0x1a7: {  	_ =	sfence.sel $0x180000  }
0x1a8: {  	[bflag:$0x0] =	sbarrier.arrive $0xFFFF  }
0x1a9: {  	_ =	strace $0x90000047  }
0x1aa: {  	s0 =	stileid.u32;
	[bflag:$0x2] =	sbarrier.arrive $0xFFFF  }
0x1ab: {  	p0 =	sne.s32 s0, $0x0;
	s0 =	rddreg [dreg:$0x1]  }
0x1ac: {  	s0 =	sadd.s32 @!p0 $0x100000, s0  }
0x1ad: {  	[sflag:s0] =	ssyncadd.tile.s32 @!p0 $0x1;
	_ =	shalt  }
.Lfunc_end2:
_tile_overlayer_lowered:
.L_overlay_start_2:
0x1ae: {  	(tag) =	ssettag $0x2  }
0x1af: {  	s0 =	rddreg [dreg:$0x0];
	s2 =	stileid.u32  }
0x1b0: {  	s1 =	rddreg [dreg:$0x1];
	p0 =	sne.s32 s2, $0x0  }
0x1b1: {  	s3 =	rddreg [dreg:$0x2];
	[bflag:$0x3] =	sbarrier.arrive $0xFFFF;
	s2 =	simm.s32 @!p0 $0x1C05  }
0x1b2: {  	[timem:s3], [sflag:s2] =	dma.local @!p0 [hbm:s0], s1  }
0x1b3: {  	s0 =	simm.s32 @!p0 $0x5  }
0x1b4: {  	_ =	swait.ge @!p0 [sflag:s0], s1  }
0x1b5: {  	s1 =	ssub.s32 @!p0 $0x0, s1;
	[sflag:s0] =	ssyncset.done @!p0 $0x0  }
0x1b6: {  	[sflag:s0] =	ssyncadd.s32 @!p0 s1  }
0x1b7: {  	[bflag:$0x3] =	sbarrier.arrive $0xFFFF  }
0x1b8: {  	_ =	shalt  }

</sc_bundles>
